<compile_context>
chip_gen: v7x
topology: tpu7x:2x2x1
jax: 0.10.2.dev20260603
libtpu: 0.0.44.dev20260713+nightly
codegen_flags: <defaults>
</compile_context>

<pallas_src>
import functools
import jax
import jax.numpy as jnp
from jax import lax
from jax.experimental import pallas as pl
from jax.experimental.pallas import tpu as pltpu, tpu_sc as plsc

N_NODES = 10000
N_EDGES = 160000
MUL = 16
NUM_BASIS = 32
MAX_RADIUS = 2.5
NUM_NEIGHBORS = 16
HIDDEN = 32
SILU_NORM = 1.6790

NPAD = 10240
EPAD = 163840
NW = 32
PER_W = EPAD // NW
GCHUNK = 1024
EB = 2048


@functools.lru_cache(maxsize=None)
def _make_gather(D):
    mesh = plsc.VectorSubcoreMesh(core_axis_name="c", subcore_axis_name="s")

    @functools.partial(
        pl.kernel, mesh=mesh,
        compiler_params=pltpu.CompilerParams(use_tc_tiling_on_sc=False, needs_layout_passes=False),
        out_type=jax.ShapeDtypeStruct((EPAD, D), jnp.float32),
        scratch_types=[
            pltpu.VMEM((GCHUNK,), jnp.int32),
            pltpu.VMEM((GCHUNK, D), jnp.float32),
            pltpu.SemaphoreType.DMA,
        ],
    )
    def gather_k(table_hbm, idx_hbm, out_hbm, idx_v, rows_v, sem):
        wid = lax.axis_index("s") * 2 + lax.axis_index("c")
        base = wid * PER_W

        def body(ci, _):
            off = base + ci * GCHUNK
            pltpu.sync_copy(idx_hbm.at[pl.ds(off, GCHUNK)], idx_v)
            pltpu.async_copy(table_hbm.at[idx_v], rows_v, sem).wait()
            pltpu.sync_copy(rows_v, out_hbm.at[pl.ds(off, GCHUNK)])
            return 0

        lax.fori_loop(0, PER_W // GCHUNK, body, 0)

    return gather_k


def _edge_dense_body(gsrc, gdst, wq, wsim, w1k, w2k, w1v, w2v,
                     logits_ref, values_ref):
    g = gsrc[...]
    xs = g[:, :16]
    ps = g[:, 16:19]
    pd = gdst[...][:, :3]
    vec = ps - pd
    sq = jnp.sum(vec * vec, axis=1, keepdims=True)
    pos_mask = sq > 0.0
    sq_safe = jnp.where(pos_mask, sq, 1.0)
    vlen = jnp.where(pos_mask, jnp.sqrt(sq_safe), 0.0)
    x_safe = jnp.where(pos_mask, vlen, 1.0)
    nvec = (lax.broadcasted_iota(jnp.int32, (1, NUM_BASIS), 1) + 1
            ).astype(jnp.float32)
    theta = nvec * (jnp.pi / MAX_RADIUS) * x_safe
    kf = jnp.round(theta * (1.0 / jnp.pi))
    r = (theta - kf * 3.140625) - kf * 9.6765358979324e-4
    sgn = jnp.where((kf.astype(jnp.int32) & 1) == 0, 1.0, -1.0)
    z = r * r
    p = -2.5052108385441720e-08
    p = p * z + 2.7557319223985893e-06
    p = p * z + -1.9841269841269841e-04
    p = p * z + 8.3333333333333332e-03
    p = p * z + -1.6666666666666666e-01
    p = p * z + 1.0
    sin_t = sgn * r * p
    rad = jnp.sqrt(2.0 / MAX_RADIUS) * sin_t / x_safe
    rmask = pos_mask & (vlen < MAX_RADIUS)
    rad = jnp.where(rmask, rad * (NUM_BASIS ** 0.5), 0.0)
    y = 10.0 * (1.0 - vlen / MAX_RADIUS)
    y_safe = jnp.where(y > 0, y, 1.0)
    cutoff = jnp.where(y > 0, jnp.exp(-1.0 / y_safe), 0.0)

    inv_sqrt_h = 1.0 / jnp.sqrt(jnp.float32(HIDDEN))
    inv_sqrt_b = 1.0 / jnp.sqrt(jnp.float32(NUM_BASIS))

    def radial(w1, w2):
        h = jnp.dot(rad, w1[...]) * inv_sqrt_b
        h = SILU_NORM * (h * jax.nn.sigmoid(h))
        return jnp.dot(h, w2[...]) * inv_sqrt_h

    jr = lax.broadcasted_iota(jnp.int32, (MUL, MUL * MUL), 1)
    ur = lax.broadcasted_iota(jnp.int32, (MUL, MUL * MUL), 0)
    rm = (jr // MUL == ur).astype(jnp.float32)
    js = lax.broadcasted_iota(jnp.int32, (MUL * MUL, MUL), 0)
    ws = lax.broadcasted_iota(jnp.int32, (MUL * MUL, MUL), 1)
    sm = (js % MUL == ws).astype(jnp.float32)
    xr = jnp.dot(xs, rm, precision=lax.Precision.HIGHEST)

    def contract(w_edge):
        return jnp.dot(xr * w_edge, sm,
                       precision=lax.Precision.HIGHEST) * 0.25

    key = contract(radial(w1k, w2k))
    values = contract(radial(w1v, w2v))
    qs = jnp.dot(xs, wq[...]) * 0.25
    qw = jnp.dot(qs, wsim[...])
    sim = jnp.sum(qw * key, axis=1, keepdims=True) * (1.0 / MUL)
    logits_ref[...] = cutoff * sim
    values_ref[...] = values


def _edge_dense(gsrc, gdst, wq, wsim2d, w1k, w2k, w1v, w2v):
    nblk = EPAD // EB
    full = lambda i: (0, 0)
    out = pl.pallas_call(
        _edge_dense_body,
        grid=(nblk,),
        in_specs=[
            pl.BlockSpec((EB, 32), lambda i: (i, 0)),
            pl.BlockSpec((EB, 16), lambda i: (i, 0)),
            pl.BlockSpec((MUL, MUL), full),
            pl.BlockSpec((MUL, MUL), full),
            pl.BlockSpec((NUM_BASIS, HIDDEN), full),
            pl.BlockSpec((HIDDEN, MUL * MUL), full),
            pl.BlockSpec((NUM_BASIS, HIDDEN), full),
            pl.BlockSpec((HIDDEN, MUL * MUL), full),
        ],
        out_specs=[
            pl.BlockSpec((EB, 1), lambda i: (i, 0)),
            pl.BlockSpec((EB, 16), lambda i: (i, 0)),
        ],
        out_shape=[
            jax.ShapeDtypeStruct((EPAD, 1), jnp.float32),
            jax.ShapeDtypeStruct((EPAD, 16), jnp.float32),
        ],
    )(gsrc, gdst, wq, wsim2d, w1k, w2k, w1v, w2v)
    return out


NEG = -3.0e38
NSUB = 16
SL = NPAD // NSUB
VEC = 16


def _take(v, idx):
    return jnp.take_along_axis(v, idx, axis=0, mode="promise_in_bounds")


def _seg_total(k2, v2, is_max):
    iota = lax.broadcasted_iota(jnp.int32, (VEC,), 0)
    for sh in (1, 2, 4, 8):
        pidx = jnp.maximum(iota - sh, 0)
        kk = _take(k2, pidx)
        vv = _take(v2, pidx)
        valid = (iota >= sh) & (kk == k2)
        upd = jnp.maximum(v2, vv) if is_max else v2 + vv
        v2 = jnp.where(valid, upd, v2)
    for sh in (1, 2, 4, 8):
        nidx = jnp.minimum(iota + sh, VEC - 1)
        kk = _take(k2, nidx)
        vv = _take(v2, nidx)
        valid = (iota < VEC - sh) & (kk == k2)
        v2 = jnp.where(valid, jnp.maximum(v2, vv), v2)
    return v2


def _fill(ref, val):
    def body(i, _):
        ref[pl.ds(i * VEC, VEC)] = jnp.full((VEC,), val, jnp.float32)
        return 0
    lax.fori_loop(0, ref.shape[0] // VEC, body, 0)


def _merge_private(priv, shared, out_hbm, core, sid, acc, tmpm, is_max):
    pltpu.sync_copy(priv, shared.at[sid])
    plsc.subcore_barrier()
    pltpu.sync_copy(shared.at[0, pl.ds(sid * SL, SL)], acc)

    def outer(j, _):
        pltpu.sync_copy(shared.at[j, pl.ds(sid * SL, SL)], tmpm)

        def inner(i, _):
            a = acc[pl.ds(i * VEC, VEC)]
            b = tmpm[pl.ds(i * VEC, VEC)]
            acc[pl.ds(i * VEC, VEC)] = (
                jnp.maximum(a, b) if is_max else a + b)
            return 0

        lax.fori_loop(0, SL // VEC, inner, 0)
        return 0

    lax.fori_loop(1, NSUB, outer, 0)
    pltpu.sync_copy(acc, out_hbm.at[core, pl.ds(sid * SL, SL)])


def _load_two_combine(part_hbm, dst, tmpn, is_max):
    pltpu.sync_copy(part_hbm.at[0], dst)
    pltpu.sync_copy(part_hbm.at[1], tmpn)

    def body(i, _):
        a = dst[pl.ds(i * VEC, VEC)]
        b = tmpn[pl.ds(i * VEC, VEC)]
        dst[pl.ds(i * VEC, VEC)] = jnp.maximum(a, b) if is_max else a + b
        return 0

    lax.fori_loop(0, NPAD // VEC, body, 0)


def _rsqrt(x):
    i = lax.bitcast_convert_type(x, jnp.int32)
    i = 0x5F3759DF - lax.shift_right_arithmetic(i, 1)
    y = lax.bitcast_convert_type(i, jnp.float32)
    for _ in range(3):
        y = y * (1.5 - 0.5 * x * y * y)
    return y


def _sc_mesh():
    return plsc.VectorSubcoreMesh(core_axis_name="c", subcore_axis_name="s")


@functools.lru_cache(maxsize=None)
def _make_segmax():
    @functools.partial(
        pl.kernel, mesh=_sc_mesh(),
        compiler_params=pltpu.CompilerParams(use_tc_tiling_on_sc=False, needs_layout_passes=False),
        out_type=jax.ShapeDtypeStruct((2, NPAD), jnp.float32),
        scratch_types=[
            pltpu.VMEM((NPAD,), jnp.float32),
            pltpu.VMEM((PER_W,), jnp.int32),
            pltpu.VMEM((PER_W,), jnp.float32),
            pltpu.VMEM_SHARED((NSUB, NPAD), jnp.float32),
            pltpu.VMEM((SL,), jnp.float32),
            pltpu.VMEM((SL,), jnp.float32),
        ],
    )
    def segmax_k(lg_hbm, src_hbm, m_out, m_priv, idx_v, lg_v, shared, acc,
                 tmpm):
        c = lax.axis_index("c")
        sid = lax.axis_index("s")
        wid = sid * 2 + c
        base = wid * PER_W
        _fill(m_priv, NEG)
        pltpu.sync_copy(src_hbm.at[pl.ds(base, PER_W)], idx_v)
        pltpu.sync_copy(lg_hbm.at[pl.ds(base, PER_W)], lg_v)

        def body(i, _):
            idx = idx_v[pl.ds(i * VEC, VEC)]
            l = lg_v[pl.ds(i * VEC, VEC)]
            k2, v2 = plsc.sort_key_val(idx, l)
            tot = _seg_total(k2, v2, True)
            cur = plsc.load_gather(m_priv, [k2])
            plsc.store_scatter(m_priv, [k2], jnp.maximum(cur, tot))
            return 0

        lax.fori_loop(0, PER_W // VEC, body, 0)
        _merge_private(m_priv, shared, m_out, c, sid, acc, tmpm, True)

    return segmax_k


@functools.lru_cache(maxsize=None)
def _make_exsum():
    @functools.partial(
        pl.kernel, mesh=_sc_mesh(),
        compiler_params=pltpu.CompilerParams(use_tc_tiling_on_sc=False, needs_layout_passes=False),
        out_type=[
            jax.ShapeDtypeStruct((EPAD,), jnp.float32),
            jax.ShapeDtypeStruct((2, NPAD), jnp.float32),
        ],
        scratch_types=[
            pltpu.VMEM((NPAD,), jnp.float32),
            pltpu.VMEM((NPAD,), jnp.float32),
            pltpu.VMEM((NPAD,), jnp.float32),
            pltpu.VMEM((PER_W,), jnp.int32),
            pltpu.VMEM((PER_W,), jnp.float32),
            pltpu.VMEM((PER_W,), jnp.float32),
            pltpu.VMEM_SHARED((NSUB, NPAD), jnp.float32),
            pltpu.VMEM((SL,), jnp.float32),
            pltpu.VMEM((SL,), jnp.float32),
        ],
    )
    def exsum_k(lg_hbm, src_hbm, m_hbm, exh_out, s_out, m_full, tmpn,
                s_priv, idx_v, lg_v, exh_v, shared, acc, tmpm):
        c = lax.axis_index("c")
        sid = lax.axis_index("s")
        wid = sid * 2 + c
        base = wid * PER_W
        _load_two_combine(m_hbm, m_full, tmpn, True)
        _fill(s_priv, 0.0)
        pltpu.sync_copy(src_hbm.at[pl.ds(base, PER_W)], idx_v)
        pltpu.sync_copy(lg_hbm.at[pl.ds(base, PER_W)], lg_v)

        def body(i, _):
            idx = idx_v[pl.ds(i * VEC, VEC)]
            l = lg_v[pl.ds(i * VEC, VEC)]
            msrc = plsc.load_gather(m_full, [idx])
            eh = jnp.exp(0.5 * (l - msrc))
            exh_v[pl.ds(i * VEC, VEC)] = eh
            k2, v2 = plsc.sort_key_val(idx, eh * eh)
            tot = _seg_total(k2, v2, False)
            cur = plsc.load_gather(s_priv, [k2])
            plsc.store_scatter(s_priv, [k2], cur + tot)
            return 0

        lax.fori_loop(0, PER_W // VEC, body, 0)
        pltpu.sync_copy(exh_v, exh_out.at[pl.ds(base, PER_W)])
        _merge_private(s_priv, shared, s_out, c, sid, acc, tmpm, False)

    return exsum_k


@functools.lru_cache(maxsize=None)
def _make_coeff():
    @functools.partial(
        pl.kernel, mesh=_sc_mesh(),
        compiler_params=pltpu.CompilerParams(use_tc_tiling_on_sc=False, needs_layout_passes=False),
        out_type=jax.ShapeDtypeStruct((EPAD,), jnp.float32),
        scratch_types=[
            pltpu.VMEM((NPAD,), jnp.float32),
            pltpu.VMEM((NPAD,), jnp.float32),
            pltpu.VMEM((PER_W,), jnp.int32),
            pltpu.VMEM((PER_W,), jnp.float32),
            pltpu.VMEM((PER_W,), jnp.float32),
        ],
    )
    def coeff_k(exh_hbm, src_hbm, s_hbm, co_out, s_full, tmpn, idx_v,
                exh_v, co_v):
        c = lax.axis_index("c")
        sid = lax.axis_index("s")
        wid = sid * 2 + c
        base = wid * PER_W
        _load_two_combine(s_hbm, s_full, tmpn, False)
        pltpu.sync_copy(src_hbm.at[pl.ds(base, PER_W)], idx_v)
        pltpu.sync_copy(exh_hbm.at[pl.ds(base, PER_W)], exh_v)

        def body(i, _):
            idx = idx_v[pl.ds(i * VEC, VEC)]
            eh = exh_v[pl.ds(i * VEC, VEC)]
            sv = plsc.load_gather(s_full, [idx])
            co_v[pl.ds(i * VEC, VEC)] = eh * _rsqrt(sv)
            return 0

        lax.fori_loop(0, PER_W // VEC, body, 0)
        pltpu.sync_copy(co_v, co_out.at[pl.ds(base, PER_W)])

    return coeff_k


SCH = 512


@functools.lru_cache(maxsize=None)
def _make_scatter_out():
    @functools.partial(
        pl.kernel, mesh=_sc_mesh(),
        compiler_params=pltpu.CompilerParams(use_tc_tiling_on_sc=False, needs_layout_passes=False),
        out_type=jax.ShapeDtypeStruct((2, NPAD, 16), jnp.float32),
        scratch_types=[
            pltpu.VMEM((SCH,), jnp.int32),
            pltpu.VMEM((SCH, 16), jnp.float32),
            pltpu.VMEM_SHARED((NPAD, 16), jnp.float32),
        ],
    )
    def scat_k(sv_hbm, dst_hbm, zero_hbm, out_hbm, di_v, rows, out_acc):
        c = lax.axis_index("c")
        sid = lax.axis_index("s")
        wid = sid * 2 + c
        base = wid * PER_W
        pltpu.sync_copy(zero_hbm.at[pl.ds(sid * SL, SL)],
                        out_acc.at[pl.ds(sid * SL, SL)])
        plsc.subcore_barrier()

        def body(ci, _):
            off = base + ci * SCH
            pltpu.sync_copy(dst_hbm.at[pl.ds(off, SCH)], di_v)
            pltpu.sync_copy(sv_hbm.at[pl.ds(off, SCH)], rows)
            pltpu.sync_copy(rows, out_acc.at[di_v], add=True)
            return 0

        lax.fori_loop(0, PER_W // SCH, body, 0)
        plsc.subcore_barrier()
        pltpu.sync_copy(out_acc.at[pl.ds(sid * SL, SL)],
                        out_hbm.at[c, pl.ds(sid * SL, SL)])

    return scat_k


def _scale_body(co_ref, val_ref, out_ref):
    out_ref[...] = co_ref[...] * val_ref[...] * (1.0 / NUM_NEIGHBORS)


def _combine_body(a_ref, b_ref, out_ref):
    out_ref[...] = a_ref[...] + b_ref[...]


def _scale_values(co, values):
    nb = EPAD // 4096
    return pl.pallas_call(
        _scale_body,
        grid=(nb,),
        in_specs=[
            pl.BlockSpec((4096, 1), lambda i: (i, 0)),
            pl.BlockSpec((4096, 16), lambda i: (i, 0)),
        ],
        out_specs=pl.BlockSpec((4096, 16), lambda i: (i, 0)),
        out_shape=jax.ShapeDtypeStruct((EPAD, 16), jnp.float32),
    )(co[:, None], values)


def _combine_partials(parts):
    return pl.pallas_call(
        _combine_body,
        grid=(NPAD // 2048,),
        in_specs=[
            pl.BlockSpec((2048, 16), lambda i: (i, 0)),
            pl.BlockSpec((2048, 16), lambda i: (i, 0)),
        ],
        out_specs=pl.BlockSpec((2048, 16), lambda i: (i, 0)),
        out_shape=jax.ShapeDtypeStruct((NPAD, 16), jnp.float32),
    )(parts[0], parts[1])


def kernel(x, pos, edge_index, W_query, W_sim, W1k, W2k, W1v, W2v):
    src = edge_index[0]
    dst = edge_index[1]
    pad_e = EPAD - N_EDGES
    src_p = jnp.concatenate([src, jnp.full((pad_e,), NPAD - 1, jnp.int32)])
    dst_p = jnp.concatenate([dst, jnp.full((pad_e,), NPAD - 1, jnp.int32)])

    t_src = jnp.zeros((NPAD, 32), jnp.float32)
    t_src = t_src.at[:N_NODES, :16].set(x).at[:N_NODES, 16:19].set(pos)
    t_dst = jnp.zeros((NPAD, 16), jnp.float32)
    t_dst = t_dst.at[:N_NODES, :3].set(pos)

    gsrc = _make_gather(32)(t_src, src_p)
    gdst = _make_gather(16)(t_dst, dst_p)

    logits2d, values = _edge_dense(
        gsrc, gdst, W_query, W_sim[:, :, 0], W1k, W2k, W1v, W2v)
    logits = logits2d[:, 0]

    m_part = _make_segmax()(logits, src_p)
    exh, s_part = _make_exsum()(logits, src_p, m_part)
    co = _make_coeff()(exh, src_p, s_part)
    scaled = _scale_values(co, values)
    zeros = jnp.zeros((NPAD, 16), jnp.float32)
    out_part = _make_scatter_out()(scaled, dst_p, zeros)
    out = _combine_partials(out_part)
    return out[:N_NODES]

# --- scband reference (transcript-rebuilt; emitter-appended) ---
"""Pipeline reference for scband-o3-attention-layer-16836271800692 (READ-ONLY COPY).

The authoritative reference and input builder live on the scoring server;
editing this copy changes nothing except your own understanding.
"""

import jax, jax.numpy as jnp
import numpy as np

N_NODES = 10000
N_EDGES = 160000
MUL = 16            # multiplicity of every scalar (0e) irrep
NUM_BASIS = 32
MAX_RADIUS = 2.5
NUM_NEIGHBORS = 16
HIDDEN = 32
W_NUMEL = MUL * MUL  # FCTP weight numel for the single 0e x 0e -> 0e path
SILU_NORM = 1.6790   # e3nn normalize2mom constant for silu


def _radial_net(rad, W1, W2):
    # e3nn.nn.FullyConnectedNet([NUM_BASIS, 32, W_NUMEL], act=silu)
    h = rad @ W1 / jnp.sqrt(jnp.float32(W1.shape[0]))
    h = SILU_NORM * jax.nn.silu(h)
    return h @ W2 / jnp.sqrt(jnp.float32(W2.shape[0]))


def _forward(x, pos, src, dst, W_query, W_sim, W1k, W2k, W1v, W2v):
    vec = pos[src] - pos[dst]
    sq = jnp.sum(vec * vec, axis=1)
    sq_safe = jnp.where(sq > 0, sq, 1.0)
    vlen = jnp.where(sq > 0, jnp.sqrt(sq_safe), 0.0)
    # soft_one_hot_linspace(start=0, end=max_radius, basis='bessel', cutoff=True)
    nvec = jnp.arange(1, NUM_BASIS + 1, dtype=jnp.float32)
    x_safe = jnp.where(vlen > 0, vlen, 1.0)
    rad = jnp.sqrt(2.0 / MAX_RADIUS) * jnp.sin(nvec[None, :] * jnp.pi * x_safe[:, None] / MAX_RADIUS) / x_safe[:, None]
    mask = ((vlen > 0) & (vlen < MAX_RADIUS)).astype(jnp.float32)
    rad = rad * mask[:, None] * (NUM_BASIS ** 0.5)
    # soft_unit_step(10 * (1 - r/c)) = exp(-1/y) for y > 0 else 0
    y = 10.0 * (1.0 - vlen / MAX_RADIUS)
    y_safe = jnp.where(y > 0, y, 1.0)
    edge_weight_cutoff = jnp.where(y > 0, jnp.exp(-1.0 / y_safe), 0.0)
    # spherical harmonics (component normalization): with all-scalar irreps,
    # only the l=0 channel (constant 1.0) couples in the fully-connected TPs.
    query = x @ W_query / jnp.sqrt(jnp.float32(MUL))  # o3.Linear 16x0e -> 16x0e
    wk = _radial_net(rad, W1k, W2k).reshape(-1, MUL, MUL)
    key = jnp.einsum('eu,euw->ew', x[src], wk) / jnp.sqrt(jnp.float32(MUL))
    wv = _radial_net(rad, W1v, W2v).reshape(-1, MUL, MUL)
    values = jnp.einsum('eu,euw->ew', x[src], wv) / jnp.sqrt(jnp.float32(MUL))
    # similarity FCTP 16x0e x 16x0e -> 0e, shared internal weights
    sim = jnp.einsum('eu,ev,uvw->ew', query[src], key, W_sim) / jnp.float32(MUL)
    logits = edge_weight_cutoff[:, None] * sim
    # softmax_on_graph over index=src
    m = jax.lax.stop_gradient(jax.ops.segment_max(logits, src, num_segments=N_NODES))
    ex = jnp.exp(logits - m[src])
    s = jax.ops.segment_sum(ex, src, num_segments=N_NODES)
    attn = ex / s[src]
    out = jax.ops.segment_sum(jnp.sqrt(jax.nn.relu(attn)) * values, dst, num_segments=N_NODES)
    return out / NUM_NEIGHBORS


def setup_inputs(seed: int = 0) -> dict:
    key = jax.random.key(seed)
    ks = jax.random.split(key, 9)
    x = jax.random.normal(ks[0], (N_NODES, MUL), dtype=jnp.float32)
    pos = jax.random.uniform(ks[1], (N_NODES, 3), dtype=jnp.float32)
    edge_index = jax.random.randint(ks[2], (2, N_EDGES), 0, N_NODES, dtype=jnp.int32)
    W_query = jax.random.normal(ks[3], (MUL, MUL), dtype=jnp.float32)
    W_sim = jax.random.normal(ks[4], (MUL, MUL, 1), dtype=jnp.float32)
    W1k = jax.random.normal(ks[5], (NUM_BASIS, HIDDEN), dtype=jnp.float32)
    W2k = jax.random.normal(ks[6], (HIDDEN, W_NUMEL), dtype=jnp.float32)
    W1v = jax.random.normal(ks[7], (NUM_BASIS, HIDDEN), dtype=jnp.float32)
    W2v = jax.random.normal(ks[8], (HIDDEN, W_NUMEL), dtype=jnp.float32)
    return {"x": x, "pos": pos, "edge_index": edge_index, "W_query": W_query, "W_sim": W_sim, "W1k": W1k, "W2k": W2k, "W1v": W1v, "W2v": W2v}


def reference(x, pos, edge_index, W_query, W_sim, W1k, W2k, W1v, W2v):
    src = edge_index[0]
    dst = edge_index[1]
    return _forward(x, pos, src, dst, W_query, W_sim, W1k, W2k, W1v, W2v)

if __name__ == "__main__":
    import jax
    _d = setup_inputs()
    print(jax.jit(kernel)(*tuple(_d.values())))

</pallas_src>

<mosaic_0001>
#map = affine_map<(d0, d1) -> (0)>
#map1 = affine_map<(d0, d1) -> (0, 0)>
module attributes {stable_mosaic.version = 14 : i64} {
  func.func @segmax_k(%arg0: i32, %arg1: i32, %arg2: memref<163840xf32, #tpu.memory_space<hbm>>, %arg3: memref<163840xi32, #tpu.memory_space<hbm>>, %arg4: memref<2x10240xf32, #tpu.memory_space<hbm>>, %arg5: memref<10240xf32, #tpu.memory_space<vmem>>, %arg6: memref<5120xi32, #tpu.memory_space<vmem>>, %arg7: memref<5120xf32, #tpu.memory_space<vmem>>, %arg8: memref<16x10240xf32, #tpu.memory_space<vmem_shared>>, %arg9: memref<640xf32, #tpu.memory_space<vmem>>, %arg10: memref<640xf32, #tpu.memory_space<vmem>>) attributes {dimension_semantics = [#tpu.dimension_semantics<core_parallel>, #tpu.dimension_semantics<subcore_parallel>], iteration_bounds = array<i64: 2, 16>, scalar_prefetch = 0 : i64, scratch_operands = 6 : i64, tpu.core_type = #tpu.core_type<sc_vector_subcore>, window_params = [{transform_indices = #map}, {transform_indices = #map}, {transform_indices = #map1}]} {
    %mul3A = arith.constant 2 : i32
    %mul3A_0 = arith.muli %arg1, %mul3A : i32
    %add3A = arith.addi %mul3A_0, %arg0 : i32
    %mul3A_1 = arith.constant 5120 : i32
    %mul3A_2 = arith.muli %add3A, %mul3A_1 : i32
    %scan3A = arith.constant 0 : i32
    %scan3A_3 = arith.constant 0 : i32
    %scan3A_4 = arith.constant 640 : i32
    %scan3A_5 = arith.addi %scan3A_3, %scan3A_4 : i32
    %scan3A_6 = arith.constant 1 : i32
    %scan3A_7 = scf.for %scan3A_27 = %scan3A_3 to %scan3A_5 step %scan3A_6 iter_args(%scan3A_28 = %scan3A) -> (i32)  : i32 {
      %broadcast_in_dim3A = arith.constant -3.000000e+38 : f32
      %broadcast_in_dim3A_29 = vector.broadcast %broadcast_in_dim3A : f32 to vector<16xf32>
      %mul3A_30 = arith.constant 16 : i32
      %mul3A_31 = arith.muli %scan3A_27, %mul3A_30 : i32
      %swap3A = arith.index_cast %mul3A_31 : i32 to index
      %swap3A_32 = tpu.vector_load %arg5[%swap3A] {strides = array<i32>} : memref<10240xf32, #tpu.memory_space<vmem>>, vector<16xf32>,
      tpu.vector_store %arg5[%swap3A], %broadcast_in_dim3A_29 {strides = array<i32>} : memref<10240xf32, #tpu.memory_space<vmem>>, vector<16xf32>,
      %scan3A_33 = arith.constant 0 : i32
      scf.yield %scan3A_33 : i32
    }
    %scan3A_8 = arith.constant 640 : i32
    "tpu.region"() ({
      %run_scoped3A_27 = tpu.sem_alloc : memref<!tpu.dma_semaphore, #tpu.memory_space<semaphore_mem>>
      %dma_start3A = tpu.memref_slice %arg3[%mul3A_2] : memref<163840xi32, #tpu.memory_space<hbm>> -> memref<5120xi32, #tpu.memory_space<hbm>>
      %dma_start3A_28 = tpu.memref_slice %arg3[%mul3A_2] : memref<163840xi32, #tpu.memory_space<hbm>> -> memref<5120xi32, #tpu.memory_space<hbm>>
      tpu.enqueue_dma source(%dma_start3A_28 : memref<5120xi32, #tpu.memory_space<hbm>>) target(%arg6 : memref<5120xi32, #tpu.memory_space<vmem>>) target_semaphore(%run_scoped3A_27 : memref<!tpu.dma_semaphore, #tpu.memory_space<semaphore_mem>>)
      %dma_wait3A = tpu.memref_slice %arg3[%mul3A_2] : memref<163840xi32, #tpu.memory_space<hbm>> -> memref<5120xi32, #tpu.memory_space<hbm>>
      %dma_wait3A_29 = tpu.memref_slice %arg3[%mul3A_2] : memref<163840xi32, #tpu.memory_space<hbm>> -> memref<5120xi32, #tpu.memory_space<hbm>>
      tpu.wait_dma2 semaphore(%run_scoped3A_27 : memref<!tpu.dma_semaphore, #tpu.memory_space<semaphore_mem>>) src(%dma_wait3A_29 : memref<5120xi32, #tpu.memory_space<hbm>>) dst(%arg6 : memref<5120xi32, #tpu.memory_space<vmem>>)
      tpu.yield
    }) : () -> ()
    "tpu.region"() ({
      %run_scoped3A_27 = tpu.sem_alloc : memref<!tpu.dma_semaphore, #tpu.memory_space<semaphore_mem>>
      %dma_start3A = tpu.memref_slice %arg2[%mul3A_2] : memref<163840xf32, #tpu.memory_space<hbm>> -> memref<5120xf32, #tpu.memory_space<hbm>>
      %dma_start3A_28 = tpu.memref_slice %arg2[%mul3A_2] : memref<163840xf32, #tpu.memory_space<hbm>> -> memref<5120xf32, #tpu.memory_space<hbm>>
      tpu.enqueue_dma source(%dma_start3A_28 : memref<5120xf32, #tpu.memory_space<hbm>>) target(%arg7 : memref<5120xf32, #tpu.memory_space<vmem>>) target_semaphore(%run_scoped3A_27 : memref<!tpu.dma_semaphore, #tpu.memory_space<semaphore_mem>>)
      %dma_wait3A = tpu.memref_slice %arg2[%mul3A_2] : memref<163840xf32, #tpu.memory_space<hbm>> -> memref<5120xf32, #tpu.memory_space<hbm>>
      %dma_wait3A_29 = tpu.memref_slice %arg2[%mul3A_2] : memref<163840xf32, #tpu.memory_space<hbm>> -> memref<5120xf32, #tpu.memory_space<hbm>>
      tpu.wait_dma2 semaphore(%run_scoped3A_27 : memref<!tpu.dma_semaphore, #tpu.memory_space<semaphore_mem>>) src(%dma_wait3A_29 : memref<5120xf32, #tpu.memory_space<hbm>>) dst(%arg7 : memref<5120xf32, #tpu.memory_space<vmem>>)
      tpu.yield
    }) : () -> ()
    %scan3A_9 = arith.constant 0 : i32
    %scan3A_10 = arith.constant 0 : i32
    %scan3A_11 = arith.constant 320 : i32
    %scan3A_12 = arith.addi %scan3A_10, %scan3A_11 : i32
    %scan3A_13 = arith.constant 1 : i32
    %scan3A_14 = scf.for %scan3A_27 = %scan3A_10 to %scan3A_12 step %scan3A_13 iter_args(%scan3A_28 = %scan3A_9) -> (i32)  : i32 {
      %mul3A_29 = arith.constant 16 : i32
      %mul3A_30 = arith.muli %scan3A_27, %mul3A_29 : i32
      %get3A = arith.index_cast %mul3A_30 : i32 to index
      %get3A_31 = tpu.vector_load %arg6[%get3A] {strides = array<i32>} : memref<5120xi32, #tpu.memory_space<vmem>>, vector<16xi32>,
      %mul3A_32 = arith.constant 16 : i32
      %mul3A_33 = arith.muli %scan3A_27, %mul3A_32 : i32
      %get3A_34 = arith.index_cast %mul3A_33 : i32 to index
      %get3A_35 = tpu.vector_load %arg7[%get3A_34] {strides = array<i32>} : memref<5120xf32, #tpu.memory_space<vmem>>, vector<16xf32>,
      %masked_sort3A = arith.constant dense<true> : vector<16xi1>
      %masked_sort3A_36 = arith.constant -2147483648 : i32
      %masked_sort3A_37 = vector.broadcast %masked_sort3A_36 : i32 to vector<16xi32>
      %masked_sort3A_38 = arith.xori %get3A_31, %masked_sort3A_37 : vector<16xi32>
      %masked_sort3A_39, %masked_sort3A_40, %masked_sort3A_41 = tpu.sort %masked_sort3A_38, %get3A_35 masked %masked_sort3A : (vector<16xi32>, vector<16xf32>, vector<16xi1>) -> (vector<16xi1>, vector<16xi32>, vector<16xf32>)
      %masked_sort3A_42 = arith.xori %masked_sort3A_40, %masked_sort3A_37 : vector<16xi32>
      %iota3A = tpu.iota {dimensions = array<i32: 0>} : vector<16xi32>
      %sub3A = arith.constant 1 : i32
      %sub3A_43 = vector.broadcast %sub3A : i32 to vector<16xi32>
      %sub3A_44 = arith.subi %iota3A, %sub3A_43 : vector<16xi32>
      %max3A = arith.constant 0 : i32
      %max3A_45 = vector.broadcast %max3A : i32 to vector<16xi32>
      %max3A_46 = arith.maxsi %sub3A_44, %max3A_45 : vector<16xi32>
      %reshape3A = vector.shape_cast %max3A_46 : vector<16xi32> to vector<16x1xi32>
      %gather3A = vector.shape_cast %reshape3A : vector<16x1xi32> to vector<16xi32>
      %gather3A_47 = tpu.dynamic_gather %masked_sort3A_42[%gather3A] in [0] : vector<16xi32>, vector<16xi32> -> vector<16xi32>
      %reshape3A_48 = vector.shape_cast %max3A_46 : vector<16xi32> to vector<16x1xi32>
      %gather3A_49 = vector.shape_cast %reshape3A_48 : vector<16x1xi32> to vector<16xi32>
      %gather3A_50 = tpu.dynamic_gather %masked_sort3A_41[%gather3A_49] in [0] : vector<16xf32>, vector<16xi32> -> vector<16xf32>
      %ge3A = arith.constant 1 : i32
      %ge3A_51 = vector.broadcast %ge3A : i32 to vector<16xi32>
      %ge3A_52 = arith.cmpi sge, %iota3A, %ge3A_51 : vector<16xi32>
      %eq3A = arith.cmpi eq, %gather3A_47, %masked_sort3A_42 : vector<16xi32>
      %and3A = arith.andi %ge3A_52, %eq3A : vector<16xi1>
      %max3A_53 = arith.maximumf %masked_sort3A_41, %gather3A_50 : vector<16xf32>
      %select_n3A = arith.select %and3A, %max3A_53, %masked_sort3A_41 : vector<16xi1>, vector<16xf32>
      %sub3A_54 = arith.constant 2 : i32
      %sub3A_55 = vector.broadcast %sub3A_54 : i32 to vector<16xi32>
      %sub3A_56 = arith.subi %iota3A, %sub3A_55 : vector<16xi32>
      %max3A_57 = arith.constant 0 : i32
      %max3A_58 = vector.broadcast %max3A_57 : i32 to vector<16xi32>
      %max3A_59 = arith.maxsi %sub3A_56, %max3A_58 : vector<16xi32>
      %reshape3A_60 = vector.shape_cast %max3A_59 : vector<16xi32> to vector<16x1xi32>
      %gather3A_61 = vector.shape_cast %reshape3A_60 : vector<16x1xi32> to vector<16xi32>
      %gather3A_62 = tpu.dynamic_gather %masked_sort3A_42[%gather3A_61] in [0] : vector<16xi32>, vector<16xi32> -> vector<16xi32>
      %reshape3A_63 = vector.shape_cast %max3A_59 : vector<16xi32> to vector<16x1xi32>
      %gather3A_64 = vector.shape_cast %reshape3A_63 : vector<16x1xi32> to vector<16xi32>
      %gather3A_65 = tpu.dynamic_gather %select_n3A[%gather3A_64] in [0] : vector<16xf32>, vector<16xi32> -> vector<16xf32>
      %ge3A_66 = arith.constant 2 : i32
      %ge3A_67 = vector.broadcast %ge3A_66 : i32 to vector<16xi32>
      %ge3A_68 = arith.cmpi sge, %iota3A, %ge3A_67 : vector<16xi32>
      %eq3A_69 = arith.cmpi eq, %gather3A_62, %masked_sort3A_42 : vector<16xi32>
      %and3A_70 = arith.andi %ge3A_68, %eq3A_69 : vector<16xi1>
      %max3A_71 = arith.maximumf %select_n3A, %gather3A_65 : vector<16xf32>
      %select_n3A_72 = arith.select %and3A_70, %max3A_71, %select_n3A : vector<16xi1>, vector<16xf32>
      %sub3A_73 = arith.constant 4 : i32
      %sub3A_74 = vector.broadcast %sub3A_73 : i32 to vector<16xi32>
      %sub3A_75 = arith.subi %iota3A, %sub3A_74 : vector<16xi32>
      %max3A_76 = arith.constant 0 : i32
      %max3A_77 = vector.broadcast %max3A_76 : i32 to vector<16xi32>
      %max3A_78 = arith.maxsi %sub3A_75, %max3A_77 : vector<16xi32>
      %reshape3A_79 = vector.shape_cast %max3A_78 : vector<16xi32> to vector<16x1xi32>
      %gather3A_80 = vector.shape_cast %reshape3A_79 : vector<16x1xi32> to vector<16xi32>
      %gather3A_81 = tpu.dynamic_gather %masked_sort3A_42[%gather3A_80] in [0] : vector<16xi32>, vector<16xi32> -> vector<16xi32>
      %reshape3A_82 = vector.shape_cast %max3A_78 : vector<16xi32> to vector<16x1xi32>
      %gather3A_83 = vector.shape_cast %reshape3A_82 : vector<16x1xi32> to vector<16xi32>
      %gather3A_84 = tpu.dynamic_gather %select_n3A_72[%gather3A_83] in [0] : vector<16xf32>, vector<16xi32> -> vector<16xf32>
      %ge3A_85 = arith.constant 4 : i32
      %ge3A_86 = vector.broadcast %ge3A_85 : i32 to vector<16xi32>
      %ge3A_87 = arith.cmpi sge, %iota3A, %ge3A_86 : vector<16xi32>
      %eq3A_88 = arith.cmpi eq, %gather3A_81, %masked_sort3A_42 : vector<16xi32>
      %and3A_89 = arith.andi %ge3A_87, %eq3A_88 : vector<16xi1>
      %max3A_90 = arith.maximumf %select_n3A_72, %gather3A_84 : vector<16xf32>
      %select_n3A_91 = arith.select %and3A_89, %max3A_90, %select_n3A_72 : vector<16xi1>, vector<16xf32>
      %sub3A_92 = arith.constant 8 : i32
      %sub3A_93 = vector.broadcast %sub3A_92 : i32 to vector<16xi32>
      %sub3A_94 = arith.subi %iota3A, %sub3A_93 : vector<16xi32>
      %max3A_95 = arith.constant 0 : i32
      %max3A_96 = vector.broadcast %max3A_95 : i32 to vector<16xi32>
      %max3A_97 = arith.maxsi %sub3A_94, %max3A_96 : vector<16xi32>
      %reshape3A_98 = vector.shape_cast %max3A_97 : vector<16xi32> to vector<16x1xi32>
      %gather3A_99 = vector.shape_cast %reshape3A_98 : vector<16x1xi32> to vector<16xi32>
      %gather3A_100 = tpu.dynamic_gather %masked_sort3A_42[%gather3A_99] in [0] : vector<16xi32>, vector<16xi32> -> vector<16xi32>
      %reshape3A_101 = vector.shape_cast %max3A_97 : vector<16xi32> to vector<16x1xi32>
      %gather3A_102 = vector.shape_cast %reshape3A_101 : vector<16x1xi32> to vector<16xi32>
      %gather3A_103 = tpu.dynamic_gather %select_n3A_91[%gather3A_102] in [0] : vector<16xf32>, vector<16xi32> -> vector<16xf32>
      %ge3A_104 = arith.constant 8 : i32
      %ge3A_105 = vector.broadcast %ge3A_104 : i32 to vector<16xi32>
      %ge3A_106 = arith.cmpi sge, %iota3A, %ge3A_105 : vector<16xi32>
      %eq3A_107 = arith.cmpi eq, %gather3A_100, %masked_sort3A_42 : vector<16xi32>
      %and3A_108 = arith.andi %ge3A_106, %eq3A_107 : vector<16xi1>
      %max3A_109 = arith.maximumf %select_n3A_91, %gather3A_103 : vector<16xf32>
      %select_n3A_110 = arith.select %and3A_108, %max3A_109, %select_n3A_91 : vector<16xi1>, vector<16xf32>
      %add3A_111 = arith.constant 1 : i32
      %add3A_112 = vector.broadcast %add3A_111 : i32 to vector<16xi32>
      %add3A_113 = arith.addi %iota3A, %add3A_112 : vector<16xi32>
      %min3A = arith.constant 15 : i32
      %min3A_114 = vector.broadcast %min3A : i32 to vector<16xi32>
      %min3A_115 = arith.minsi %add3A_113, %min3A_114 : vector<16xi32>
      %reshape3A_116 = vector.shape_cast %min3A_115 : vector<16xi32> to vector<16x1xi32>
      %gather3A_117 = vector.shape_cast %reshape3A_116 : vector<16x1xi32> to vector<16xi32>
      %gather3A_118 = tpu.dynamic_gather %masked_sort3A_42[%gather3A_117] in [0] : vector<16xi32>, vector<16xi32> -> vector<16xi32>
      %reshape3A_119 = vector.shape_cast %min3A_115 : vector<16xi32> to vector<16x1xi32>
      %gather3A_120 = vector.shape_cast %reshape3A_119 : vector<16x1xi32> to vector<16xi32>
      %gather3A_121 = tpu.dynamic_gather %select_n3A_110[%gather3A_120] in [0] : vector<16xf32>, vector<16xi32> -> vector<16xf32>
      %lt3A = arith.constant 15 : i32
      %lt3A_122 = vector.broadcast %lt3A : i32 to vector<16xi32>
      %lt3A_123 = arith.cmpi slt, %iota3A, %lt3A_122 : vector<16xi32>
      %eq3A_124 = arith.cmpi eq, %gather3A_118, %masked_sort3A_42 : vector<16xi32>
      %and3A_125 = arith.andi %lt3A_123, %eq3A_124 : vector<16xi1>
      %max3A_126 = arith.maximumf %select_n3A_110, %gather3A_121 : vector<16xf32>
      %select_n3A_127 = arith.select %and3A_125, %max3A_126, %select_n3A_110 : vector<16xi1>, vector<16xf32>
      %add3A_128 = arith.constant 2 : i32
      %add3A_129 = vector.broadcast %add3A_128 : i32 to vector<16xi32>
      %add3A_130 = arith.addi %iota3A, %add3A_129 : vector<16xi32>
      %min3A_131 = arith.constant 15 : i32
      %min3A_132 = vector.broadcast %min3A_131 : i32 to vector<16xi32>
      %min3A_133 = arith.minsi %add3A_130, %min3A_132 : vector<16xi32>
      %reshape3A_134 = vector.shape_cast %min3A_133 : vector<16xi32> to vector<16x1xi32>
      %gather3A_135 = vector.shape_cast %reshape3A_134 : vector<16x1xi32> to vector<16xi32>
      %gather3A_136 = tpu.dynamic_gather %masked_sort3A_42[%gather3A_135] in [0] : vector<16xi32>, vector<16xi32> -> vector<16xi32>
      %reshape3A_137 = vector.shape_cast %min3A_133 : vector<16xi32> to vector<16x1xi32>
      %gather3A_138 = vector.shape_cast %reshape3A_137 : vector<16x1xi32> to vector<16xi32>
      %gather3A_139 = tpu.dynamic_gather %select_n3A_127[%gather3A_138] in [0] : vector<16xf32>, vector<16xi32> -> vector<16xf32>
      %lt3A_140 = arith.constant 14 : i32
      %lt3A_141 = vector.broadcast %lt3A_140 : i32 to vector<16xi32>
      %lt3A_142 = arith.cmpi slt, %iota3A, %lt3A_141 : vector<16xi32>
      %eq3A_143 = arith.cmpi eq, %gather3A_136, %masked_sort3A_42 : vector<16xi32>
      %and3A_144 = arith.andi %lt3A_142, %eq3A_143 : vector<16xi1>
      %max3A_145 = arith.maximumf %select_n3A_127, %gather3A_139 : vector<16xf32>
      %select_n3A_146 = arith.select %and3A_144, %max3A_145, %select_n3A_127 : vector<16xi1>, vector<16xf32>
      %add3A_147 = arith.constant 4 : i32
      %add3A_148 = vector.broadcast %add3A_147 : i32 to vector<16xi32>
      %add3A_149 = arith.addi %iota3A, %add3A_148 : vector<16xi32>
      %min3A_150 = arith.constant 15 : i32
      %min3A_151 = vector.broadcast %min3A_150 : i32 to vector<16xi32>
      %min3A_152 = arith.minsi %add3A_149, %min3A_151 : vector<16xi32>
      %reshape3A_153 = vector.shape_cast %min3A_152 : vector<16xi32> to vector<16x1xi32>
      %gather3A_154 = vector.shape_cast %reshape3A_153 : vector<16x1xi32> to vector<16xi32>
      %gather3A_155 = tpu.dynamic_gather %masked_sort3A_42[%gather3A_154] in [0] : vector<16xi32>, vector<16xi32> -> vector<16xi32>
      %reshape3A_156 = vector.shape_cast %min3A_152 : vector<16xi32> to vector<16x1xi32>
      %gather3A_157 = vector.shape_cast %reshape3A_156 : vector<16x1xi32> to vector<16xi32>
      %gather3A_158 = tpu.dynamic_gather %select_n3A_146[%gather3A_157] in [0] : vector<16xf32>, vector<16xi32> -> vector<16xf32>
      %lt3A_159 = arith.constant 12 : i32
      %lt3A_160 = vector.broadcast %lt3A_159 : i32 to vector<16xi32>
      %lt3A_161 = arith.cmpi slt, %iota3A, %lt3A_160 : vector<16xi32>
      %eq3A_162 = arith.cmpi eq, %gather3A_155, %masked_sort3A_42 : vector<16xi32>
      %and3A_163 = arith.andi %lt3A_161, %eq3A_162 : vector<16xi1>
      %max3A_164 = arith.maximumf %select_n3A_146, %gather3A_158 : vector<16xf32>
      %select_n3A_165 = arith.select %and3A_163, %max3A_164, %select_n3A_146 : vector<16xi1>, vector<16xf32>
      %add3A_166 = arith.constant 8 : i32
      %add3A_167 = vector.broadcast %add3A_166 : i32 to vector<16xi32>
      %add3A_168 = arith.addi %iota3A, %add3A_167 : vector<16xi32>
      %min3A_169 = arith.constant 15 : i32
      %min3A_170 = vector.broadcast %min3A_169 : i32 to vector<16xi32>
      %min3A_171 = arith.minsi %add3A_168, %min3A_170 : vector<16xi32>
      %reshape3A_172 = vector.shape_cast %min3A_171 : vector<16xi32> to vector<16x1xi32>
      %gather3A_173 = vector.shape_cast %reshape3A_172 : vector<16x1xi32> to vector<16xi32>
      %gather3A_174 = tpu.dynamic_gather %masked_sort3A_42[%gather3A_173] in [0] : vector<16xi32>, vector<16xi32> -> vector<16xi32>
      %reshape3A_175 = vector.shape_cast %min3A_171 : vector<16xi32> to vector<16x1xi32>
      %gather3A_176 = vector.shape_cast %reshape3A_175 : vector<16x1xi32> to vector<16xi32>
      %gather3A_177 = tpu.dynamic_gather %select_n3A_165[%gather3A_176] in [0] : vector<16xf32>, vector<16xi32> -> vector<16xf32>
      %lt3A_178 = arith.constant 8 : i32
      %lt3A_179 = vector.broadcast %lt3A_178 : i32 to vector<16xi32>
      %lt3A_180 = arith.cmpi slt, %iota3A, %lt3A_179 : vector<16xi32>
      %eq3A_181 = arith.cmpi eq, %gather3A_174, %masked_sort3A_42 : vector<16xi32>
      %and3A_182 = arith.andi %lt3A_180, %eq3A_181 : vector<16xi1>
      %max3A_183 = arith.maximumf %select_n3A_165, %gather3A_177 : vector<16xf32>
      %select_n3A_184 = arith.select %and3A_182, %max3A_183, %select_n3A_165 : vector<16xi1>, vector<16xf32>
      %gather3A_185 = tpu.vector_load_idx %arg5[%masked_sort3A_42] : memref<10240xf32, #tpu.memory_space<vmem>>[vector<16xi32>], vector<16xf32>,
      %max3A_186 = arith.maximumf %gather3A_185, %select_n3A_184 : vector<16xf32>
      tpu.vector_store_idx %arg5[%masked_sort3A_42], %max3A_186 : memref<10240xf32, #tpu.memory_space<vmem>>[vector<16xi32>], vector<16xf32>,
      %scan3A_187 = arith.constant 0 : i32
      scf.yield %scan3A_187 : i32
    }
    %scan3A_15 = arith.constant 320 : i32
    "tpu.region"() ({
      %run_scoped3A_27 = tpu.sem_alloc : memref<!tpu.dma_semaphore, #tpu.memory_space<semaphore_mem>>
      %dma_start3A = arith.constant 0 : i32
      %dma_start3A_28 = tpu.memref_slice %arg8[%arg1, %dma_start3A] : memref<16x10240xf32, #tpu.memory_space<vmem_shared>> -> memref<1x10240xf32, #tpu.memory_space<vmem_shared>>
      %dma_start3A_29 = tpu.memref_squeeze %dma_start3A_28 : memref<1x10240xf32, #tpu.memory_space<vmem_shared>> -> memref<10240xf32, #tpu.memory_space<vmem_shared>>
      %dma_start3A_30 = arith.constant 0 : i32
      %dma_start3A_31 = tpu.memref_slice %arg8[%arg1, %dma_start3A_30] : memref<16x10240xf32, #tpu.memory_space<vmem_shared>> -> memref<1x10240xf32, #tpu.memory_space<vmem_shared>>
      %dma_start3A_32 = tpu.memref_squeeze %dma_start3A_31 : memref<1x10240xf32, #tpu.memory_space<vmem_shared>> -> memref<10240xf32, #tpu.memory_space<vmem_shared>>
      tpu.enqueue_dma source(%arg5 : memref<10240xf32, #tpu.memory_space<vmem>>) target(%dma_start3A_32 : memref<10240xf32, #tpu.memory_space<vmem_shared>>) target_semaphore(%run_scoped3A_27 : memref<!tpu.dma_semaphore, #tpu.memory_space<semaphore_mem>>)
      %dma_wait3A = arith.constant 0 : i32
      %dma_wait3A_33 = tpu.memref_slice %arg8[%arg1, %dma_wait3A] : memref<16x10240xf32, #tpu.memory_space<vmem_shared>> -> memref<1x10240xf32, #tpu.memory_space<vmem_shared>>
      %dma_wait3A_34 = tpu.memref_squeeze %dma_wait3A_33 : memref<1x10240xf32, #tpu.memory_space<vmem_shared>> -> memref<10240xf32, #tpu.memory_space<vmem_shared>>
      %dma_wait3A_35 = arith.constant 0 : i32
      %dma_wait3A_36 = tpu.memref_slice %arg8[%arg1, %dma_wait3A_35] : memref<16x10240xf32, #tpu.memory_space<vmem_shared>> -> memref<1x10240xf32, #tpu.memory_space<vmem_shared>>
      %dma_wait3A_37 = tpu.memref_squeeze %dma_wait3A_36 : memref<1x10240xf32, #tpu.memory_space<vmem_shared>> -> memref<10240xf32, #tpu.memory_space<vmem_shared>>
      tpu.wait_dma2 semaphore(%run_scoped3A_27 : memref<!tpu.dma_semaphore, #tpu.memory_space<semaphore_mem>>) src(%arg5 : memref<10240xf32, #tpu.memory_space<vmem>>) dst(%dma_wait3A_37 : memref<10240xf32, #tpu.memory_space<vmem_shared>>)
      tpu.yield
    }) : () -> ()
    %barrier3A = arith.constant 0 : index
    tpu.barrier barrier_id(%barrier3A)
    %mul3A_16 = arith.constant 640 : i32
    %mul3A_17 = arith.muli %arg1, %mul3A_16 : i32
    %run_scoped3A = arith.constant 0 : i32
    "tpu.region"() ({
      %run_scoped3A_27 = tpu.sem_alloc : memref<!tpu.dma_semaphore, #tpu.memory_space<semaphore_mem>>
      %dma_start3A = tpu.memref_slice %arg8[%run_scoped3A, %mul3A_17] : memref<16x10240xf32, #tpu.memory_space<vmem_shared>> -> memref<1x640xf32, #tpu.memory_space<vmem_shared>>
      %dma_start3A_28 = tpu.memref_squeeze %dma_start3A : memref<1x640xf32, #tpu.memory_space<vmem_shared>> -> memref<640xf32, #tpu.memory_space<vmem_shared>>
      %dma_start3A_29 = tpu.memref_slice %arg8[%run_scoped3A, %mul3A_17] : memref<16x10240xf32, #tpu.memory_space<vmem_shared>> -> memref<1x640xf32, #tpu.memory_space<vmem_shared>>
      %dma_start3A_30 = tpu.memref_squeeze %dma_start3A_29 : memref<1x640xf32, #tpu.memory_space<vmem_shared>> -> memref<640xf32, #tpu.memory_space<vmem_shared>>
      tpu.enqueue_dma source(%dma_start3A_30 : memref<640xf32, #tpu.memory_space<vmem_shared>>) target(%arg9 : memref<640xf32, #tpu.memory_space<vmem>>) target_semaphore(%run_scoped3A_27 : memref<!tpu.dma_semaphore, #tpu.memory_space<semaphore_mem>>)
      %dma_wait3A = tpu.memref_slice %arg8[%run_scoped3A, %mul3A_17] : memref<16x10240xf32, #tpu.memory_space<vmem_shared>> -> memref<1x640xf32, #tpu.memory_space<vmem_shared>>
      %dma_wait3A_31 = tpu.memref_squeeze %dma_wait3A : memref<1x640xf32, #tpu.memory_space<vmem_shared>> -> memref<640xf32, #tpu.memory_space<vmem_shared>>
      %dma_wait3A_32 = tpu.memref_slice %arg8[%run_scoped3A, %mul3A_17] : memref<16x10240xf32, #tpu.memory_space<vmem_shared>> -> memref<1x640xf32, #tpu.memory_space<vmem_shared>>
      %dma_wait3A_33 = tpu.memref_squeeze %dma_wait3A_32 : memref<1x640xf32, #tpu.memory_space<vmem_shared>> -> memref<640xf32, #tpu.memory_space<vmem_shared>>
      tpu.wait_dma2 semaphore(%run_scoped3A_27 : memref<!tpu.dma_semaphore, #tpu.memory_space<semaphore_mem>>) src(%dma_wait3A_33 : memref<640xf32, #tpu.memory_space<vmem_shared>>) dst(%arg9 : memref<640xf32, #tpu.memory_space<vmem>>)
      tpu.yield
    }) : () -> ()
    %scan3A_18 = arith.constant 0 : i32
    %scan3A_19 = arith.constant 1 : i32
    %scan3A_20 = arith.constant 15 : i32
    %scan3A_21 = arith.addi %scan3A_19, %scan3A_20 : i32
    %scan3A_22 = arith.constant 1 : i32
    %scan3A_23 = scf.for %scan3A_27 = %scan3A_19 to %scan3A_21 step %scan3A_22 iter_args(%scan3A_28 = %scan3A_18) -> (i32)  : i32 {
      %mul3A_29 = arith.constant 640 : i32
      %mul3A_30 = arith.muli %arg1, %mul3A_29 : i32
      "tpu.region"() ({
        %run_scoped3A_39 = tpu.sem_alloc : memref<!tpu.dma_semaphore, #tpu.memory_space<semaphore_mem>>
        %dma_start3A = tpu.memref_slice %arg8[%scan3A_27, %mul3A_30] : memref<16x10240xf32, #tpu.memory_space<vmem_shared>> -> memref<1x640xf32, #tpu.memory_space<vmem_shared>>
        %dma_start3A_40 = tpu.memref_squeeze %dma_start3A : memref<1x640xf32, #tpu.memory_space<vmem_shared>> -> memref<640xf32, #tpu.memory_space<vmem_shared>>
        %dma_start3A_41 = tpu.memref_slice %arg8[%scan3A_27, %mul3A_30] : memref<16x10240xf32, #tpu.memory_space<vmem_shared>> -> memref<1x640xf32, #tpu.memory_space<vmem_shared>>
        %dma_start3A_42 = tpu.memref_squeeze %dma_start3A_41 : memref<1x640xf32, #tpu.memory_space<vmem_shared>> -> memref<640xf32, #tpu.memory_space<vmem_shared>>
        tpu.enqueue_dma source(%dma_start3A_42 : memref<640xf32, #tpu.memory_space<vmem_shared>>) target(%arg10 : memref<640xf32, #tpu.memory_space<vmem>>) target_semaphore(%run_scoped3A_39 : memref<!tpu.dma_semaphore, #tpu.memory_space<semaphore_mem>>)
        %dma_wait3A = tpu.memref_slice %arg8[%scan3A_27, %mul3A_30] : memref<16x10240xf32, #tpu.memory_space<vmem_shared>> -> memref<1x640xf32, #tpu.memory_space<vmem_shared>>
        %dma_wait3A_43 = tpu.memref_squeeze %dma_wait3A : memref<1x640xf32, #tpu.memory_space<vmem_shared>> -> memref<640xf32, #tpu.memory_space<vmem_shared>>
        %dma_wait3A_44 = tpu.memref_slice %arg8[%scan3A_27, %mul3A_30] : memref<16x10240xf32, #tpu.memory_space<vmem_shared>> -> memref<1x640xf32, #tpu.memory_space<vmem_shared>>
        %dma_wait3A_45 = tpu.memref_squeeze %dma_wait3A_44 : memref<1x640xf32, #tpu.memory_space<vmem_shared>> -> memref<640xf32, #tpu.memory_space<vmem_shared>>
        tpu.wait_dma2 semaphore(%run_scoped3A_39 : memref<!tpu.dma_semaphore, #tpu.memory_space<semaphore_mem>>) src(%dma_wait3A_45 : memref<640xf32, #tpu.memory_space<vmem_shared>>) dst(%arg10 : memref<640xf32, #tpu.memory_space<vmem>>)
        tpu.yield
      }) : () -> ()
      %scan3A_31 = arith.constant 0 : i32
      %scan3A_32 = arith.constant 0 : i32
      %scan3A_33 = arith.constant 40 : i32
      %scan3A_34 = arith.addi %scan3A_32, %scan3A_33 : i32
      %scan3A_35 = arith.constant 1 : i32
      %scan3A_36 = scf.for %scan3A_39 = %scan3A_32 to %scan3A_34 step %scan3A_35 iter_args(%scan3A_40 = %scan3A_31) -> (i32)  : i32 {
        %mul3A_41 = arith.constant 16 : i32
        %mul3A_42 = arith.muli %scan3A_39, %mul3A_41 : i32
        %get3A = arith.index_cast %mul3A_42 : i32 to index
        %get3A_43 = tpu.vector_load %arg9[%get3A] {strides = array<i32>} : memref<640xf32, #tpu.memory_space<vmem>>, vector<16xf32>,
        %mul3A_44 = arith.constant 16 : i32
        %mul3A_45 = arith.muli %scan3A_39, %mul3A_44 : i32
        %get3A_46 = arith.index_cast %mul3A_45 : i32 to index
        %get3A_47 = tpu.vector_load %arg10[%get3A_46] {strides = array<i32>} : memref<640xf32, #tpu.memory_space<vmem>>, vector<16xf32>,
        %max3A = arith.maximumf %get3A_43, %get3A_47 : vector<16xf32>
        %mul3A_48 = arith.constant 16 : i32
        %mul3A_49 = arith.muli %scan3A_39, %mul3A_48 : i32
        %swap3A = arith.index_cast %mul3A_49 : i32 to index
        %swap3A_50 = tpu.vector_load %arg9[%swap3A] {strides = array<i32>} : memref<640xf32, #tpu.memory_space<vmem>>, vector<16xf32>,
        tpu.vector_store %arg9[%swap3A], %max3A {strides = array<i32>} : memref<640xf32, #tpu.memory_space<vmem>>, vector<16xf32>,
        %scan3A_51 = arith.constant 0 : i32
        scf.yield %scan3A_51 : i32
      }
      %scan3A_37 = arith.constant 40 : i32
      %scan3A_38 = arith.constant 0 : i32
      scf.yield %scan3A_38 : i32
    }
    %scan3A_24 = arith.constant 15 : i32
    %mul3A_25 = arith.constant 640 : i32
    %mul3A_26 = arith.muli %arg1, %mul3A_25 : i32
    "tpu.region"() ({
      %run_scoped3A_27 = tpu.sem_alloc : memref<!tpu.dma_semaphore, #tpu.memory_space<semaphore_mem>>
      %dma_start3A = tpu.memref_slice %arg4[%arg0, %mul3A_26] : memref<2x10240xf32, #tpu.memory_space<hbm>> -> memref<1x640xf32, #tpu.memory_space<hbm>>
      %dma_start3A_28 = tpu.memref_squeeze %dma_start3A : memref<1x640xf32, #tpu.memory_space<hbm>> -> memref<640xf32, #tpu.memory_space<hbm>>
      %dma_start3A_29 = tpu.memref_slice %arg4[%arg0, %mul3A_26] : memref<2x10240xf32, #tpu.memory_space<hbm>> -> memref<1x640xf32, #tpu.memory_space<hbm>>
      %dma_start3A_30 = tpu.memref_squeeze %dma_start3A_29 : memref<1x640xf32, #tpu.memory_space<hbm>> -> memref<640xf32, #tpu.memory_space<hbm>>
      tpu.enqueue_dma source(%arg9 : memref<640xf32, #tpu.memory_space<vmem>>) target(%dma_start3A_30 : memref<640xf32, #tpu.memory_space<hbm>>) target_semaphore(%run_scoped3A_27 : memref<!tpu.dma_semaphore, #tpu.memory_space<semaphore_mem>>)
      %dma_wait3A = tpu.memref_slice %arg4[%arg0, %mul3A_26] : memref<2x10240xf32, #tpu.memory_space<hbm>> -> memref<1x640xf32, #tpu.memory_space<hbm>>
      %dma_wait3A_31 = tpu.memref_squeeze %dma_wait3A : memref<1x640xf32, #tpu.memory_space<hbm>> -> memref<640xf32, #tpu.memory_space<hbm>>
      %dma_wait3A_32 = tpu.memref_slice %arg4[%arg0, %mul3A_26] : memref<2x10240xf32, #tpu.memory_space<hbm>> -> memref<1x640xf32, #tpu.memory_space<hbm>>
      %dma_wait3A_33 = tpu.memref_squeeze %dma_wait3A_32 : memref<1x640xf32, #tpu.memory_space<hbm>> -> memref<640xf32, #tpu.memory_space<hbm>>
      tpu.wait_dma2 semaphore(%run_scoped3A_27 : memref<!tpu.dma_semaphore, #tpu.memory_space<semaphore_mem>>) src(%arg9 : memref<640xf32, #tpu.memory_space<vmem>>) dst(%dma_wait3A_33 : memref<640xf32, #tpu.memory_space<hbm>>)
      tpu.yield
    }) : () -> ()
    return
  }
}

#map = affine_map<(d0, d1) -> (0, 0)>
#map1 = affine_map<(d0, d1) -> (0)>
module attributes {stable_mosaic.version = 14 : i64} {
  func.func @gather_k(%arg0: i32, %arg1: i32, %arg2: memref<10240x32xf32, #tpu.memory_space<hbm>>, %arg3: memref<163840xi32, #tpu.memory_space<hbm>>, %arg4: memref<163840x32xf32, #tpu.memory_space<hbm>>, %arg5: memref<1024xi32, #tpu.memory_space<vmem>>, %arg6: memref<1024x32xf32, #tpu.memory_space<vmem>>, %arg7: memref<!tpu.dma_semaphore, #tpu.memory_space<semaphore_mem>>) attributes {dimension_semantics = [#tpu.dimension_semantics<core_parallel>, #tpu.dimension_semantics<subcore_parallel>], iteration_bounds = array<i64: 2, 16>, scalar_prefetch = 0 : i64, scratch_operands = 3 : i64, tpu.core_type = #tpu.core_type<sc_vector_subcore>, window_params = [{transform_indices = #map}, {transform_indices = #map1}, {transform_indices = #map}]} {
    %mul3A = arith.constant 2 : i32
    %mul3A_0 = arith.muli %arg1, %mul3A : i32
    %add3A = arith.addi %mul3A_0, %arg0 : i32
    %mul3A_1 = arith.constant 5120 : i32
    %mul3A_2 = arith.muli %add3A, %mul3A_1 : i32
    %scan3A = arith.constant 0 : i32
    %scan3A_3 = arith.constant 0 : i32
    %scan3A_4 = arith.constant 5 : i32
    %scan3A_5 = arith.addi %scan3A_3, %scan3A_4 : i32
    %scan3A_6 = arith.constant 1 : i32
    %scan3A_7 = scf.for %scan3A_9 = %scan3A_3 to %scan3A_5 step %scan3A_6 iter_args(%scan3A_10 = %scan3A) -> (i32)  : i32 {
      %mul3A_11 = arith.constant 1024 : i32
      %mul3A_12 = arith.muli %scan3A_9, %mul3A_11 : i32
      %add3A_13 = arith.addi %mul3A_2, %mul3A_12 : i32
      "tpu.region"() ({
        %run_scoped3A = tpu.sem_alloc : memref<!tpu.dma_semaphore, #tpu.memory_space<semaphore_mem>>
        %dma_start3A_19 = tpu.memref_slice %arg3[%add3A_13] : memref<163840xi32, #tpu.memory_space<hbm>> -> memref<1024xi32, #tpu.memory_space<hbm>>
        %dma_start3A_20 = tpu.memref_slice %arg3[%add3A_13] : memref<163840xi32, #tpu.memory_space<hbm>> -> memref<1024xi32, #tpu.memory_space<hbm>>
        tpu.enqueue_dma source(%dma_start3A_20 : memref<1024xi32, #tpu.memory_space<hbm>>) target(%arg5 : memref<1024xi32, #tpu.memory_space<vmem>>) target_semaphore(%run_scoped3A : memref<!tpu.dma_semaphore, #tpu.memory_space<semaphore_mem>>)
        %dma_wait3A_21 = tpu.memref_slice %arg3[%add3A_13] : memref<163840xi32, #tpu.memory_space<hbm>> -> memref<1024xi32, #tpu.memory_space<hbm>>
        %dma_wait3A_22 = tpu.memref_slice %arg3[%add3A_13] : memref<163840xi32, #tpu.memory_space<hbm>> -> memref<1024xi32, #tpu.memory_space<hbm>>
        tpu.wait_dma2 semaphore(%run_scoped3A : memref<!tpu.dma_semaphore, #tpu.memory_space<semaphore_mem>>) src(%dma_wait3A_22 : memref<1024xi32, #tpu.memory_space<hbm>>) dst(%arg5 : memref<1024xi32, #tpu.memory_space<vmem>>)
        tpu.yield
      }) : () -> ()
      %dma_start3A = arith.constant 0 : i32
      %dma_start3A_14 = arith.constant 0 : i32
      %dma_start3A_15 = tpu.memref_slice %arg2[%dma_start3A, %dma_start3A_14] : memref<10240x32xf32, #tpu.memory_space<hbm>> -> memref<10240x32xf32, #tpu.memory_space<hbm>>
      tpu.enqueue_indirect_dma source(%dma_start3A_15 : memref<10240x32xf32, #tpu.memory_space<hbm>>) target(%arg6 : memref<1024x32xf32, #tpu.memory_space<vmem>>) offsets(%arg5 : memref<1024xi32, #tpu.memory_space<vmem>>) semaphore(%arg7 : memref<!tpu.dma_semaphore, #tpu.memory_space<semaphore_mem>>)
      %dma_wait3A = arith.constant 0 : i32
      %dma_wait3A_16 = arith.constant 0 : i32
      %dma_wait3A_17 = tpu.memref_slice %arg2[%dma_wait3A, %dma_wait3A_16] : memref<10240x32xf32, #tpu.memory_space<hbm>> -> memref<10240x32xf32, #tpu.memory_space<hbm>>
      tpu.wait_indirect_dma semaphore(%arg7 : memref<!tpu.dma_semaphore, #tpu.memory_space<semaphore_mem>>) src(%dma_wait3A_17 : memref<10240x32xf32, #tpu.memory_space<hbm>>) dst(%arg6 : memref<1024x32xf32, #tpu.memory_space<vmem>>)
      "tpu.region"() ({
        %run_scoped3A = tpu.sem_alloc : memref<!tpu.dma_semaphore, #tpu.memory_space<semaphore_mem>>
        %dma_start3A_19 = arith.constant 0 : i32
        %dma_start3A_20 = tpu.memref_slice %arg4[%add3A_13, %dma_start3A_19] : memref<163840x32xf32, #tpu.memory_space<hbm>> -> memref<1024x32xf32, #tpu.memory_space<hbm>>
        %dma_start3A_21 = arith.constant 0 : i32
        %dma_start3A_22 = tpu.memref_slice %arg4[%add3A_13, %dma_start3A_21] : memref<163840x32xf32, #tpu.memory_space<hbm>> -> memref<1024x32xf32, #tpu.memory_space<hbm>>
        tpu.enqueue_dma source(%arg6 : memref<1024x32xf32, #tpu.memory_space<vmem>>) target(%dma_start3A_22 : memref<1024x32xf32, #tpu.memory_space<hbm>>) target_semaphore(%run_scoped3A : memref<!tpu.dma_semaphore, #tpu.memory_space<semaphore_mem>>)
        %dma_wait3A_23 = arith.constant 0 : i32
        %dma_wait3A_24 = tpu.memref_slice %arg4[%add3A_13, %dma_wait3A_23] : memref<163840x32xf32, #tpu.memory_space<hbm>> -> memref<1024x32xf32, #tpu.memory_space<hbm>>
        %dma_wait3A_25 = arith.constant 0 : i32
        %dma_wait3A_26 = tpu.memref_slice %arg4[%add3A_13, %dma_wait3A_25] : memref<163840x32xf32, #tpu.memory_space<hbm>> -> memref<1024x32xf32, #tpu.memory_space<hbm>>
        tpu.wait_dma2 semaphore(%run_scoped3A : memref<!tpu.dma_semaphore, #tpu.memory_space<semaphore_mem>>) src(%arg6 : memref<1024x32xf32, #tpu.memory_space<vmem>>) dst(%dma_wait3A_26 : memref<1024x32xf32, #tpu.memory_space<hbm>>)
        tpu.yield
      }) : () -> ()
      %scan3A_18 = arith.constant 0 : i32
      scf.yield %scan3A_18 : i32
    }
    %scan3A_8 = arith.constant 5 : i32
    return
  }
}

#map = affine_map<(d0, d1) -> (0, 0)>
#map1 = affine_map<(d0, d1) -> (0)>
module attributes {stable_mosaic.version = 14 : i64} {
  func.func @gather_k(%arg0: i32, %arg1: i32, %arg2: memref<10240x16xf32, #tpu.memory_space<hbm>>, %arg3: memref<163840xi32, #tpu.memory_space<hbm>>, %arg4: memref<163840x16xf32, #tpu.memory_space<hbm>>, %arg5: memref<1024xi32, #tpu.memory_space<vmem>>, %arg6: memref<1024x16xf32, #tpu.memory_space<vmem>>, %arg7: memref<!tpu.dma_semaphore, #tpu.memory_space<semaphore_mem>>) attributes {dimension_semantics = [#tpu.dimension_semantics<core_parallel>, #tpu.dimension_semantics<subcore_parallel>], iteration_bounds = array<i64: 2, 16>, scalar_prefetch = 0 : i64, scratch_operands = 3 : i64, tpu.core_type = #tpu.core_type<sc_vector_subcore>, window_params = [{transform_indices = #map}, {transform_indices = #map1}, {transform_indices = #map}]} {
    %mul3A = arith.constant 2 : i32
    %mul3A_0 = arith.muli %arg1, %mul3A : i32
    %add3A = arith.addi %mul3A_0, %arg0 : i32
    %mul3A_1 = arith.constant 5120 : i32
    %mul3A_2 = arith.muli %add3A, %mul3A_1 : i32
    %scan3A = arith.constant 0 : i32
    %scan3A_3 = arith.constant 0 : i32
    %scan3A_4 = arith.constant 5 : i32
    %scan3A_5 = arith.addi %scan3A_3, %scan3A_4 : i32
    %scan3A_6 = arith.constant 1 : i32
    %scan3A_7 = scf.for %scan3A_9 = %scan3A_3 to %scan3A_5 step %scan3A_6 iter_args(%scan3A_10 = %scan3A) -> (i32)  : i32 {
      %mul3A_11 = arith.constant 1024 : i32
      %mul3A_12 = arith.muli %scan3A_9, %mul3A_11 : i32
      %add3A_13 = arith.addi %mul3A_2, %mul3A_12 : i32
      "tpu.region"() ({
        %run_scoped3A = tpu.sem_alloc : memref<!tpu.dma_semaphore, #tpu.memory_space<semaphore_mem>>
        %dma_start3A_19 = tpu.memref_slice %arg3[%add3A_13] : memref<163840xi32, #tpu.memory_space<hbm>> -> memref<1024xi32, #tpu.memory_space<hbm>>
        %dma_start3A_20 = tpu.memref_slice %arg3[%add3A_13] : memref<163840xi32, #tpu.memory_space<hbm>> -> memref<1024xi32, #tpu.memory_space<hbm>>
        tpu.enqueue_dma source(%dma_start3A_20 : memref<1024xi32, #tpu.memory_space<hbm>>) target(%arg5 : memref<1024xi32, #tpu.memory_space<vmem>>) target_semaphore(%run_scoped3A : memref<!tpu.dma_semaphore, #tpu.memory_space<semaphore_mem>>)
        %dma_wait3A_21 = tpu.memref_slice %arg3[%add3A_13] : memref<163840xi32, #tpu.memory_space<hbm>> -> memref<1024xi32, #tpu.memory_space<hbm>>
        %dma_wait3A_22 = tpu.memref_slice %arg3[%add3A_13] : memref<163840xi32, #tpu.memory_space<hbm>> -> memref<1024xi32, #tpu.memory_space<hbm>>
        tpu.wait_dma2 semaphore(%run_scoped3A : memref<!tpu.dma_semaphore, #tpu.memory_space<semaphore_mem>>) src(%dma_wait3A_22 : memref<1024xi32, #tpu.memory_space<hbm>>) dst(%arg5 : memref<1024xi32, #tpu.memory_space<vmem>>)
        tpu.yield
      }) : () -> ()
      %dma_start3A = arith.constant 0 : i32
      %dma_start3A_14 = arith.constant 0 : i32
      %dma_start3A_15 = tpu.memref_slice %arg2[%dma_start3A, %dma_start3A_14] : memref<10240x16xf32, #tpu.memory_space<hbm>> -> memref<10240x16xf32, #tpu.memory_space<hbm>>
      tpu.enqueue_indirect_dma source(%dma_start3A_15 : memref<10240x16xf32, #tpu.memory_space<hbm>>) target(%arg6 : memref<1024x16xf32, #tpu.memory_space<vmem>>) offsets(%arg5 : memref<1024xi32, #tpu.memory_space<vmem>>) semaphore(%arg7 : memref<!tpu.dma_semaphore, #tpu.memory_space<semaphore_mem>>)
      %dma_wait3A = arith.constant 0 : i32
      %dma_wait3A_16 = arith.constant 0 : i32
      %dma_wait3A_17 = tpu.memref_slice %arg2[%dma_wait3A, %dma_wait3A_16] : memref<10240x16xf32, #tpu.memory_space<hbm>> -> memref<10240x16xf32, #tpu.memory_space<hbm>>
      tpu.wait_indirect_dma semaphore(%arg7 : memref<!tpu.dma_semaphore, #tpu.memory_space<semaphore_mem>>) src(%dma_wait3A_17 : memref<10240x16xf32, #tpu.memory_space<hbm>>) dst(%arg6 : memref<1024x16xf32, #tpu.memory_space<vmem>>)
      "tpu.region"() ({
        %run_scoped3A = tpu.sem_alloc : memref<!tpu.dma_semaphore, #tpu.memory_space<semaphore_mem>>
        %dma_start3A_19 = arith.constant 0 : i32
        %dma_start3A_20 = tpu.memref_slice %arg4[%add3A_13, %dma_start3A_19] : memref<163840x16xf32, #tpu.memory_space<hbm>> -> memref<1024x16xf32, #tpu.memory_space<hbm>>
        %dma_start3A_21 = arith.constant 0 : i32
        %dma_start3A_22 = tpu.memref_slice %arg4[%add3A_13, %dma_start3A_21] : memref<163840x16xf32, #tpu.memory_space<hbm>> -> memref<1024x16xf32, #tpu.memory_space<hbm>>
        tpu.enqueue_dma source(%arg6 : memref<1024x16xf32, #tpu.memory_space<vmem>>) target(%dma_start3A_22 : memref<1024x16xf32, #tpu.memory_space<hbm>>) target_semaphore(%run_scoped3A : memref<!tpu.dma_semaphore, #tpu.memory_space<semaphore_mem>>)
        %dma_wait3A_23 = arith.constant 0 : i32
        %dma_wait3A_24 = tpu.memref_slice %arg4[%add3A_13, %dma_wait3A_23] : memref<163840x16xf32, #tpu.memory_space<hbm>> -> memref<1024x16xf32, #tpu.memory_space<hbm>>
        %dma_wait3A_25 = arith.constant 0 : i32
        %dma_wait3A_26 = tpu.memref_slice %arg4[%add3A_13, %dma_wait3A_25] : memref<163840x16xf32, #tpu.memory_space<hbm>> -> memref<1024x16xf32, #tpu.memory_space<hbm>>
        tpu.wait_dma2 semaphore(%run_scoped3A : memref<!tpu.dma_semaphore, #tpu.memory_space<semaphore_mem>>) src(%arg6 : memref<1024x16xf32, #tpu.memory_space<vmem>>) dst(%dma_wait3A_26 : memref<1024x16xf32, #tpu.memory_space<hbm>>)
        tpu.yield
      }) : () -> ()
      %scan3A_18 = arith.constant 0 : i32
      scf.yield %scan3A_18 : i32
    }
    %scan3A_8 = arith.constant 5 : i32
    return
  }
}

#map = affine_map<(d0, d1) -> (0)>
#map1 = affine_map<(d0, d1) -> (0, 0)>
module attributes {stable_mosaic.version = 14 : i64} {
  func.func @exsum_k(%arg0: i32, %arg1: i32, %arg2: memref<163840xf32, #tpu.memory_space<hbm>>, %arg3: memref<163840xi32, #tpu.memory_space<hbm>>, %arg4: memref<2x10240xf32, #tpu.memory_space<hbm>>, %arg5: memref<163840xf32, #tpu.memory_space<hbm>>, %arg6: memref<2x10240xf32, #tpu.memory_space<hbm>>, %arg7: memref<10240xf32, #tpu.memory_space<vmem>>, %arg8: memref<10240xf32, #tpu.memory_space<vmem>>, %arg9: memref<10240xf32, #tpu.memory_space<vmem>>, %arg10: memref<5120xi32, #tpu.memory_space<vmem>>, %arg11: memref<5120xf32, #tpu.memory_space<vmem>>, %arg12: memref<5120xf32, #tpu.memory_space<vmem>>, %arg13: memref<16x10240xf32, #tpu.memory_space<vmem_shared>>, %arg14: memref<640xf32, #tpu.memory_space<vmem>>, %arg15: memref<640xf32, #tpu.memory_space<vmem>>) attributes {dimension_semantics = [#tpu.dimension_semantics<core_parallel>, #tpu.dimension_semantics<subcore_parallel>], iteration_bounds = array<i64: 2, 16>, scalar_prefetch = 0 : i64, scratch_operands = 9 : i64, tpu.core_type = #tpu.core_type<sc_vector_subcore>, window_params = [{transform_indices = #map}, {transform_indices = #map}, {transform_indices = #map1}, {transform_indices = #map}, {transform_indices = #map1}]} {
    %mul3A = arith.constant 2 : i32
    %mul3A_0 = arith.muli %arg1, %mul3A : i32
    %add3A = arith.addi %mul3A_0, %arg0 : i32
    %mul3A_1 = arith.constant 5120 : i32
    %mul3A_2 = arith.muli %add3A, %mul3A_1 : i32
    %run_scoped3A = arith.constant 0 : i32
    "tpu.region"() ({
      %run_scoped3A_36 = tpu.sem_alloc : memref<!tpu.dma_semaphore, #tpu.memory_space<semaphore_mem>>
      %dma_start3A = arith.constant 0 : i32
      %dma_start3A_37 = tpu.memref_slice %arg4[%run_scoped3A, %dma_start3A] : memref<2x10240xf32, #tpu.memory_space<hbm>> -> memref<1x10240xf32, #tpu.memory_space<hbm>>
      %dma_start3A_38 = tpu.memref_squeeze %dma_start3A_37 : memref<1x10240xf32, #tpu.memory_space<hbm>> -> memref<10240xf32, #tpu.memory_space<hbm>>
      %dma_start3A_39 = arith.constant 0 : i32
      %dma_start3A_40 = tpu.memref_slice %arg4[%run_scoped3A, %dma_start3A_39] : memref<2x10240xf32, #tpu.memory_space<hbm>> -> memref<1x10240xf32, #tpu.memory_space<hbm>>
      %dma_start3A_41 = tpu.memref_squeeze %dma_start3A_40 : memref<1x10240xf32, #tpu.memory_space<hbm>> -> memref<10240xf32, #tpu.memory_space<hbm>>
      tpu.enqueue_dma source(%dma_start3A_41 : memref<10240xf32, #tpu.memory_space<hbm>>) target(%arg7 : memref<10240xf32, #tpu.memory_space<vmem>>) target_semaphore(%run_scoped3A_36 : memref<!tpu.dma_semaphore, #tpu.memory_space<semaphore_mem>>)
      %dma_wait3A = arith.constant 0 : i32
      %dma_wait3A_42 = tpu.memref_slice %arg4[%run_scoped3A, %dma_wait3A] : memref<2x10240xf32, #tpu.memory_space<hbm>> -> memref<1x10240xf32, #tpu.memory_space<hbm>>
      %dma_wait3A_43 = tpu.memref_squeeze %dma_wait3A_42 : memref<1x10240xf32, #tpu.memory_space<hbm>> -> memref<10240xf32, #tpu.memory_space<hbm>>
      %dma_wait3A_44 = arith.constant 0 : i32
      %dma_wait3A_45 = tpu.memref_slice %arg4[%run_scoped3A, %dma_wait3A_44] : memref<2x10240xf32, #tpu.memory_space<hbm>> -> memref<1x10240xf32, #tpu.memory_space<hbm>>
      %dma_wait3A_46 = tpu.memref_squeeze %dma_wait3A_45 : memref<1x10240xf32, #tpu.memory_space<hbm>> -> memref<10240xf32, #tpu.memory_space<hbm>>
      tpu.wait_dma2 semaphore(%run_scoped3A_36 : memref<!tpu.dma_semaphore, #tpu.memory_space<semaphore_mem>>) src(%dma_wait3A_46 : memref<10240xf32, #tpu.memory_space<hbm>>) dst(%arg7 : memref<10240xf32, #tpu.memory_space<vmem>>)
      tpu.yield
    }) : () -> ()
    %run_scoped3A_3 = arith.constant 1 : i32
    "tpu.region"() ({
      %run_scoped3A_36 = tpu.sem_alloc : memref<!tpu.dma_semaphore, #tpu.memory_space<semaphore_mem>>
      %dma_start3A = arith.constant 0 : i32
      %dma_start3A_37 = tpu.memref_slice %arg4[%run_scoped3A_3, %dma_start3A] : memref<2x10240xf32, #tpu.memory_space<hbm>> -> memref<1x10240xf32, #tpu.memory_space<hbm>>
      %dma_start3A_38 = tpu.memref_squeeze %dma_start3A_37 : memref<1x10240xf32, #tpu.memory_space<hbm>> -> memref<10240xf32, #tpu.memory_space<hbm>>
      %dma_start3A_39 = arith.constant 0 : i32
      %dma_start3A_40 = tpu.memref_slice %arg4[%run_scoped3A_3, %dma_start3A_39] : memref<2x10240xf32, #tpu.memory_space<hbm>> -> memref<1x10240xf32, #tpu.memory_space<hbm>>
      %dma_start3A_41 = tpu.memref_squeeze %dma_start3A_40 : memref<1x10240xf32, #tpu.memory_space<hbm>> -> memref<10240xf32, #tpu.memory_space<hbm>>
      tpu.enqueue_dma source(%dma_start3A_41 : memref<10240xf32, #tpu.memory_space<hbm>>) target(%arg8 : memref<10240xf32, #tpu.memory_space<vmem>>) target_semaphore(%run_scoped3A_36 : memref<!tpu.dma_semaphore, #tpu.memory_space<semaphore_mem>>)
      %dma_wait3A = arith.constant 0 : i32
      %dma_wait3A_42 = tpu.memref_slice %arg4[%run_scoped3A_3, %dma_wait3A] : memref<2x10240xf32, #tpu.memory_space<hbm>> -> memref<1x10240xf32, #tpu.memory_space<hbm>>
      %dma_wait3A_43 = tpu.memref_squeeze %dma_wait3A_42 : memref<1x10240xf32, #tpu.memory_space<hbm>> -> memref<10240xf32, #tpu.memory_space<hbm>>
      %dma_wait3A_44 = arith.constant 0 : i32
      %dma_wait3A_45 = tpu.memref_slice %arg4[%run_scoped3A_3, %dma_wait3A_44] : memref<2x10240xf32, #tpu.memory_space<hbm>> -> memref<1x10240xf32, #tpu.memory_space<hbm>>
      %dma_wait3A_46 = tpu.memref_squeeze %dma_wait3A_45 : memref<1x10240xf32, #tpu.memory_space<hbm>> -> memref<10240xf32, #tpu.memory_space<hbm>>
      tpu.wait_dma2 semaphore(%run_scoped3A_36 : memref<!tpu.dma_semaphore, #tpu.memory_space<semaphore_mem>>) src(%dma_wait3A_46 : memref<10240xf32, #tpu.memory_space<hbm>>) dst(%arg8 : memref<10240xf32, #tpu.memory_space<vmem>>)
      tpu.yield
    }) : () -> ()
    %scan3A = arith.constant 0 : i32
    %scan3A_4 = arith.constant 0 : i32
    %scan3A_5 = arith.constant 640 : i32
    %scan3A_6 = arith.addi %scan3A_4, %scan3A_5 : i32
    %scan3A_7 = arith.constant 1 : i32
    %scan3A_8 = scf.for %scan3A_36 = %scan3A_4 to %scan3A_6 step %scan3A_7 iter_args(%scan3A_37 = %scan3A) -> (i32)  : i32 {
      %mul3A_38 = arith.constant 16 : i32
      %mul3A_39 = arith.muli %scan3A_36, %mul3A_38 : i32
      %get3A = arith.index_cast %mul3A_39 : i32 to index
      %get3A_40 = tpu.vector_load %arg7[%get3A] {strides = array<i32>} : memref<10240xf32, #tpu.memory_space<vmem>>, vector<16xf32>,
      %mul3A_41 = arith.constant 16 : i32
      %mul3A_42 = arith.muli %scan3A_36, %mul3A_41 : i32
      %get3A_43 = arith.index_cast %mul3A_42 : i32 to index
      %get3A_44 = tpu.vector_load %arg8[%get3A_43] {strides = array<i32>} : memref<10240xf32, #tpu.memory_space<vmem>>, vector<16xf32>,
      %max3A = arith.maximumf %get3A_40, %get3A_44 : vector<16xf32>
      %mul3A_45 = arith.constant 16 : i32
      %mul3A_46 = arith.muli %scan3A_36, %mul3A_45 : i32
      %swap3A = arith.index_cast %mul3A_46 : i32 to index
      %swap3A_47 = tpu.vector_load %arg7[%swap3A] {strides = array<i32>} : memref<10240xf32, #tpu.memory_space<vmem>>, vector<16xf32>,
      tpu.vector_store %arg7[%swap3A], %max3A {strides = array<i32>} : memref<10240xf32, #tpu.memory_space<vmem>>, vector<16xf32>,
      %scan3A_48 = arith.constant 0 : i32
      scf.yield %scan3A_48 : i32
    }
    %scan3A_9 = arith.constant 640 : i32
    %scan3A_10 = arith.constant 0 : i32
    %scan3A_11 = arith.constant 0 : i32
    %scan3A_12 = arith.constant 640 : i32
    %scan3A_13 = arith.addi %scan3A_11, %scan3A_12 : i32
    %scan3A_14 = arith.constant 1 : i32
    %scan3A_15 = scf.for %scan3A_36 = %scan3A_11 to %scan3A_13 step %scan3A_14 iter_args(%scan3A_37 = %scan3A_10) -> (i32)  : i32 {
      %broadcast_in_dim3A = arith.constant 0.000000e+00 : f32
      %broadcast_in_dim3A_38 = vector.broadcast %broadcast_in_dim3A : f32 to vector<16xf32>
      %mul3A_39 = arith.constant 16 : i32
      %mul3A_40 = arith.muli %scan3A_36, %mul3A_39 : i32
      %swap3A = arith.index_cast %mul3A_40 : i32 to index
      %swap3A_41 = tpu.vector_load %arg9[%swap3A] {strides = array<i32>} : memref<10240xf32, #tpu.memory_space<vmem>>, vector<16xf32>,
      tpu.vector_store %arg9[%swap3A], %broadcast_in_dim3A_38 {strides = array<i32>} : memref<10240xf32, #tpu.memory_space<vmem>>, vector<16xf32>,
      %scan3A_42 = arith.constant 0 : i32
      scf.yield %scan3A_42 : i32
    }
    %scan3A_16 = arith.constant 640 : i32
    "tpu.region"() ({
      %run_scoped3A_36 = tpu.sem_alloc : memref<!tpu.dma_semaphore, #tpu.memory_space<semaphore_mem>>
      %dma_start3A = tpu.memref_slice %arg3[%mul3A_2] : memref<163840xi32, #tpu.memory_space<hbm>> -> memref<5120xi32, #tpu.memory_space<hbm>>
      %dma_start3A_37 = tpu.memref_slice %arg3[%mul3A_2] : memref<163840xi32, #tpu.memory_space<hbm>> -> memref<5120xi32, #tpu.memory_space<hbm>>
      tpu.enqueue_dma source(%dma_start3A_37 : memref<5120xi32, #tpu.memory_space<hbm>>) target(%arg10 : memref<5120xi32, #tpu.memory_space<vmem>>) target_semaphore(%run_scoped3A_36 : memref<!tpu.dma_semaphore, #tpu.memory_space<semaphore_mem>>)
      %dma_wait3A = tpu.memref_slice %arg3[%mul3A_2] : memref<163840xi32, #tpu.memory_space<hbm>> -> memref<5120xi32, #tpu.memory_space<hbm>>
      %dma_wait3A_38 = tpu.memref_slice %arg3[%mul3A_2] : memref<163840xi32, #tpu.memory_space<hbm>> -> memref<5120xi32, #tpu.memory_space<hbm>>
      tpu.wait_dma2 semaphore(%run_scoped3A_36 : memref<!tpu.dma_semaphore, #tpu.memory_space<semaphore_mem>>) src(%dma_wait3A_38 : memref<5120xi32, #tpu.memory_space<hbm>>) dst(%arg10 : memref<5120xi32, #tpu.memory_space<vmem>>)
      tpu.yield
    }) : () -> ()
    "tpu.region"() ({
      %run_scoped3A_36 = tpu.sem_alloc : memref<!tpu.dma_semaphore, #tpu.memory_space<semaphore_mem>>
      %dma_start3A = tpu.memref_slice %arg2[%mul3A_2] : memref<163840xf32, #tpu.memory_space<hbm>> -> memref<5120xf32, #tpu.memory_space<hbm>>
      %dma_start3A_37 = tpu.memref_slice %arg2[%mul3A_2] : memref<163840xf32, #tpu.memory_space<hbm>> -> memref<5120xf32, #tpu.memory_space<hbm>>
      tpu.enqueue_dma source(%dma_start3A_37 : memref<5120xf32, #tpu.memory_space<hbm>>) target(%arg11 : memref<5120xf32, #tpu.memory_space<vmem>>) target_semaphore(%run_scoped3A_36 : memref<!tpu.dma_semaphore, #tpu.memory_space<semaphore_mem>>)
      %dma_wait3A = tpu.memref_slice %arg2[%mul3A_2] : memref<163840xf32, #tpu.memory_space<hbm>> -> memref<5120xf32, #tpu.memory_space<hbm>>
      %dma_wait3A_38 = tpu.memref_slice %arg2[%mul3A_2] : memref<163840xf32, #tpu.memory_space<hbm>> -> memref<5120xf32, #tpu.memory_space<hbm>>
      tpu.wait_dma2 semaphore(%run_scoped3A_36 : memref<!tpu.dma_semaphore, #tpu.memory_space<semaphore_mem>>) src(%dma_wait3A_38 : memref<5120xf32, #tpu.memory_space<hbm>>) dst(%arg11 : memref<5120xf32, #tpu.memory_space<vmem>>)
      tpu.yield
    }) : () -> ()
    %scan3A_17 = arith.constant 0 : i32
    %scan3A_18 = arith.constant 0 : i32
    %scan3A_19 = arith.constant 320 : i32
    %scan3A_20 = arith.addi %scan3A_18, %scan3A_19 : i32
    %scan3A_21 = arith.constant 1 : i32
    %scan3A_22 = scf.for %scan3A_36 = %scan3A_18 to %scan3A_20 step %scan3A_21 iter_args(%scan3A_37 = %scan3A_17) -> (i32)  : i32 {
      %mul3A_38 = arith.constant 16 : i32
      %mul3A_39 = arith.muli %scan3A_36, %mul3A_38 : i32
      %get3A = arith.index_cast %mul3A_39 : i32 to index
      %get3A_40 = tpu.vector_load %arg10[%get3A] {strides = array<i32>} : memref<5120xi32, #tpu.memory_space<vmem>>, vector<16xi32>,
      %mul3A_41 = arith.constant 16 : i32
      %mul3A_42 = arith.muli %scan3A_36, %mul3A_41 : i32
      %get3A_43 = arith.index_cast %mul3A_42 : i32 to index
      %get3A_44 = tpu.vector_load %arg11[%get3A_43] {strides = array<i32>} : memref<5120xf32, #tpu.memory_space<vmem>>, vector<16xf32>,
      %gather3A = tpu.vector_load_idx %arg7[%get3A_40] : memref<10240xf32, #tpu.memory_space<vmem>>[vector<16xi32>], vector<16xf32>,
      %sub3A = arith.subf %get3A_44, %gather3A : vector<16xf32>
      %mul3A_45 = arith.constant 5.000000e-01 : f32
      %mul3A_46 = vector.broadcast %mul3A_45 : f32 to vector<16xf32>
      %mul3A_47 = arith.mulf %mul3A_46, %sub3A : vector<16xf32>
      %exp3A = math.exp %mul3A_47 : vector<16xf32>
      %mul3A_48 = arith.constant 16 : i32
      %mul3A_49 = arith.muli %scan3A_36, %mul3A_48 : i32
      %swap3A = arith.index_cast %mul3A_49 : i32 to index
      %swap3A_50 = tpu.vector_load %arg12[%swap3A] {strides = array<i32>} : memref<5120xf32, #tpu.memory_space<vmem>>, vector<16xf32>,
      tpu.vector_store %arg12[%swap3A], %exp3A {strides = array<i32>} : memref<5120xf32, #tpu.memory_space<vmem>>, vector<16xf32>,
      %mul3A_51 = arith.mulf %exp3A, %exp3A : vector<16xf32>
      %masked_sort3A = arith.constant dense<true> : vector<16xi1>
      %masked_sort3A_52 = arith.constant -2147483648 : i32
      %masked_sort3A_53 = vector.broadcast %masked_sort3A_52 : i32 to vector<16xi32>
      %masked_sort3A_54 = arith.xori %get3A_40, %masked_sort3A_53 : vector<16xi32>
      %masked_sort3A_55, %masked_sort3A_56, %masked_sort3A_57 = tpu.sort %masked_sort3A_54, %mul3A_51 masked %masked_sort3A : (vector<16xi32>, vector<16xf32>, vector<16xi1>) -> (vector<16xi1>, vector<16xi32>, vector<16xf32>)
      %masked_sort3A_58 = arith.xori %masked_sort3A_56, %masked_sort3A_53 : vector<16xi32>
      %iota3A = tpu.iota {dimensions = array<i32: 0>} : vector<16xi32>
      %sub3A_59 = arith.constant 1 : i32
      %sub3A_60 = vector.broadcast %sub3A_59 : i32 to vector<16xi32>
      %sub3A_61 = arith.subi %iota3A, %sub3A_60 : vector<16xi32>
      %max3A = arith.constant 0 : i32
      %max3A_62 = vector.broadcast %max3A : i32 to vector<16xi32>
      %max3A_63 = arith.maxsi %sub3A_61, %max3A_62 : vector<16xi32>
      %reshape3A = vector.shape_cast %max3A_63 : vector<16xi32> to vector<16x1xi32>
      %gather3A_64 = vector.shape_cast %reshape3A : vector<16x1xi32> to vector<16xi32>
      %gather3A_65 = tpu.dynamic_gather %masked_sort3A_58[%gather3A_64] in [0] : vector<16xi32>, vector<16xi32> -> vector<16xi32>
      %reshape3A_66 = vector.shape_cast %max3A_63 : vector<16xi32> to vector<16x1xi32>
      %gather3A_67 = vector.shape_cast %reshape3A_66 : vector<16x1xi32> to vector<16xi32>
      %gather3A_68 = tpu.dynamic_gather %masked_sort3A_57[%gather3A_67] in [0] : vector<16xf32>, vector<16xi32> -> vector<16xf32>
      %ge3A = arith.constant 1 : i32
      %ge3A_69 = vector.broadcast %ge3A : i32 to vector<16xi32>
      %ge3A_70 = arith.cmpi sge, %iota3A, %ge3A_69 : vector<16xi32>
      %eq3A = arith.cmpi eq, %gather3A_65, %masked_sort3A_58 : vector<16xi32>
      %and3A = arith.andi %ge3A_70, %eq3A : vector<16xi1>
      %add3A_71 = arith.addf %masked_sort3A_57, %gather3A_68 : vector<16xf32>
      %select_n3A = arith.select %and3A, %add3A_71, %masked_sort3A_57 : vector<16xi1>, vector<16xf32>
      %sub3A_72 = arith.constant 2 : i32
      %sub3A_73 = vector.broadcast %sub3A_72 : i32 to vector<16xi32>
      %sub3A_74 = arith.subi %iota3A, %sub3A_73 : vector<16xi32>
      %max3A_75 = arith.constant 0 : i32
      %max3A_76 = vector.broadcast %max3A_75 : i32 to vector<16xi32>
      %max3A_77 = arith.maxsi %sub3A_74, %max3A_76 : vector<16xi32>
      %reshape3A_78 = vector.shape_cast %max3A_77 : vector<16xi32> to vector<16x1xi32>
      %gather3A_79 = vector.shape_cast %reshape3A_78 : vector<16x1xi32> to vector<16xi32>
      %gather3A_80 = tpu.dynamic_gather %masked_sort3A_58[%gather3A_79] in [0] : vector<16xi32>, vector<16xi32> -> vector<16xi32>
      %reshape3A_81 = vector.shape_cast %max3A_77 : vector<16xi32> to vector<16x1xi32>
      %gather3A_82 = vector.shape_cast %reshape3A_81 : vector<16x1xi32> to vector<16xi32>
      %gather3A_83 = tpu.dynamic_gather %select_n3A[%gather3A_82] in [0] : vector<16xf32>, vector<16xi32> -> vector<16xf32>
      %ge3A_84 = arith.constant 2 : i32
      %ge3A_85 = vector.broadcast %ge3A_84 : i32 to vector<16xi32>
      %ge3A_86 = arith.cmpi sge, %iota3A, %ge3A_85 : vector<16xi32>
      %eq3A_87 = arith.cmpi eq, %gather3A_80, %masked_sort3A_58 : vector<16xi32>
      %and3A_88 = arith.andi %ge3A_86, %eq3A_87 : vector<16xi1>
      %add3A_89 = arith.addf %select_n3A, %gather3A_83 : vector<16xf32>
      %select_n3A_90 = arith.select %and3A_88, %add3A_89, %select_n3A : vector<16xi1>, vector<16xf32>
      %sub3A_91 = arith.constant 4 : i32
      %sub3A_92 = vector.broadcast %sub3A_91 : i32 to vector<16xi32>
      %sub3A_93 = arith.subi %iota3A, %sub3A_92 : vector<16xi32>
      %max3A_94 = arith.constant 0 : i32
      %max3A_95 = vector.broadcast %max3A_94 : i32 to vector<16xi32>
      %max3A_96 = arith.maxsi %sub3A_93, %max3A_95 : vector<16xi32>
      %reshape3A_97 = vector.shape_cast %max3A_96 : vector<16xi32> to vector<16x1xi32>
      %gather3A_98 = vector.shape_cast %reshape3A_97 : vector<16x1xi32> to vector<16xi32>
      %gather3A_99 = tpu.dynamic_gather %masked_sort3A_58[%gather3A_98] in [0] : vector<16xi32>, vector<16xi32> -> vector<16xi32>
      %reshape3A_100 = vector.shape_cast %max3A_96 : vector<16xi32> to vector<16x1xi32>
      %gather3A_101 = vector.shape_cast %reshape3A_100 : vector<16x1xi32> to vector<16xi32>
      %gather3A_102 = tpu.dynamic_gather %select_n3A_90[%gather3A_101] in [0] : vector<16xf32>, vector<16xi32> -> vector<16xf32>
      %ge3A_103 = arith.constant 4 : i32
      %ge3A_104 = vector.broadcast %ge3A_103 : i32 to vector<16xi32>
      %ge3A_105 = arith.cmpi sge, %iota3A, %ge3A_104 : vector<16xi32>
      %eq3A_106 = arith.cmpi eq, %gather3A_99, %masked_sort3A_58 : vector<16xi32>
      %and3A_107 = arith.andi %ge3A_105, %eq3A_106 : vector<16xi1>
      %add3A_108 = arith.addf %select_n3A_90, %gather3A_102 : vector<16xf32>
      %select_n3A_109 = arith.select %and3A_107, %add3A_108, %select_n3A_90 : vector<16xi1>, vector<16xf32>
      %sub3A_110 = arith.constant 8 : i32
      %sub3A_111 = vector.broadcast %sub3A_110 : i32 to vector<16xi32>
      %sub3A_112 = arith.subi %iota3A, %sub3A_111 : vector<16xi32>
      %max3A_113 = arith.constant 0 : i32
      %max3A_114 = vector.broadcast %max3A_113 : i32 to vector<16xi32>
      %max3A_115 = arith.maxsi %sub3A_112, %max3A_114 : vector<16xi32>
      %reshape3A_116 = vector.shape_cast %max3A_115 : vector<16xi32> to vector<16x1xi32>
      %gather3A_117 = vector.shape_cast %reshape3A_116 : vector<16x1xi32> to vector<16xi32>
      %gather3A_118 = tpu.dynamic_gather %masked_sort3A_58[%gather3A_117] in [0] : vector<16xi32>, vector<16xi32> -> vector<16xi32>
      %reshape3A_119 = vector.shape_cast %max3A_115 : vector<16xi32> to vector<16x1xi32>
      %gather3A_120 = vector.shape_cast %reshape3A_119 : vector<16x1xi32> to vector<16xi32>
      %gather3A_121 = tpu.dynamic_gather %select_n3A_109[%gather3A_120] in [0] : vector<16xf32>, vector<16xi32> -> vector<16xf32>
      %ge3A_122 = arith.constant 8 : i32
      %ge3A_123 = vector.broadcast %ge3A_122 : i32 to vector<16xi32>
      %ge3A_124 = arith.cmpi sge, %iota3A, %ge3A_123 : vector<16xi32>
      %eq3A_125 = arith.cmpi eq, %gather3A_118, %masked_sort3A_58 : vector<16xi32>
      %and3A_126 = arith.andi %ge3A_124, %eq3A_125 : vector<16xi1>
      %add3A_127 = arith.addf %select_n3A_109, %gather3A_121 : vector<16xf32>
      %select_n3A_128 = arith.select %and3A_126, %add3A_127, %select_n3A_109 : vector<16xi1>, vector<16xf32>
      %add3A_129 = arith.constant 1 : i32
      %add3A_130 = vector.broadcast %add3A_129 : i32 to vector<16xi32>
      %add3A_131 = arith.addi %iota3A, %add3A_130 : vector<16xi32>
      %min3A = arith.constant 15 : i32
      %min3A_132 = vector.broadcast %min3A : i32 to vector<16xi32>
      %min3A_133 = arith.minsi %add3A_131, %min3A_132 : vector<16xi32>
      %reshape3A_134 = vector.shape_cast %min3A_133 : vector<16xi32> to vector<16x1xi32>
      %gather3A_135 = vector.shape_cast %reshape3A_134 : vector<16x1xi32> to vector<16xi32>
      %gather3A_136 = tpu.dynamic_gather %masked_sort3A_58[%gather3A_135] in [0] : vector<16xi32>, vector<16xi32> -> vector<16xi32>
      %reshape3A_137 = vector.shape_cast %min3A_133 : vector<16xi32> to vector<16x1xi32>
      %gather3A_138 = vector.shape_cast %reshape3A_137 : vector<16x1xi32> to vector<16xi32>
      %gather3A_139 = tpu.dynamic_gather %select_n3A_128[%gather3A_138] in [0] : vector<16xf32>, vector<16xi32> -> vector<16xf32>
      %lt3A = arith.constant 15 : i32
      %lt3A_140 = vector.broadcast %lt3A : i32 to vector<16xi32>
      %lt3A_141 = arith.cmpi slt, %iota3A, %lt3A_140 : vector<16xi32>
      %eq3A_142 = arith.cmpi eq, %gather3A_136, %masked_sort3A_58 : vector<16xi32>
      %and3A_143 = arith.andi %lt3A_141, %eq3A_142 : vector<16xi1>
      %max3A_144 = arith.maximumf %select_n3A_128, %gather3A_139 : vector<16xf32>
      %select_n3A_145 = arith.select %and3A_143, %max3A_144, %select_n3A_128 : vector<16xi1>, vector<16xf32>
      %add3A_146 = arith.constant 2 : i32
      %add3A_147 = vector.broadcast %add3A_146 : i32 to vector<16xi32>
      %add3A_148 = arith.addi %iota3A, %add3A_147 : vector<16xi32>
      %min3A_149 = arith.constant 15 : i32
      %min3A_150 = vector.broadcast %min3A_149 : i32 to vector<16xi32>
      %min3A_151 = arith.minsi %add3A_148, %min3A_150 : vector<16xi32>
      %reshape3A_152 = vector.shape_cast %min3A_151 : vector<16xi32> to vector<16x1xi32>
      %gather3A_153 = vector.shape_cast %reshape3A_152 : vector<16x1xi32> to vector<16xi32>
      %gather3A_154 = tpu.dynamic_gather %masked_sort3A_58[%gather3A_153] in [0] : vector<16xi32>, vector<16xi32> -> vector<16xi32>
      %reshape3A_155 = vector.shape_cast %min3A_151 : vector<16xi32> to vector<16x1xi32>
      %gather3A_156 = vector.shape_cast %reshape3A_155 : vector<16x1xi32> to vector<16xi32>
      %gather3A_157 = tpu.dynamic_gather %select_n3A_145[%gather3A_156] in [0] : vector<16xf32>, vector<16xi32> -> vector<16xf32>
      %lt3A_158 = arith.constant 14 : i32
      %lt3A_159 = vector.broadcast %lt3A_158 : i32 to vector<16xi32>
      %lt3A_160 = arith.cmpi slt, %iota3A, %lt3A_159 : vector<16xi32>
      %eq3A_161 = arith.cmpi eq, %gather3A_154, %masked_sort3A_58 : vector<16xi32>
      %and3A_162 = arith.andi %lt3A_160, %eq3A_161 : vector<16xi1>
      %max3A_163 = arith.maximumf %select_n3A_145, %gather3A_157 : vector<16xf32>
      %select_n3A_164 = arith.select %and3A_162, %max3A_163, %select_n3A_145 : vector<16xi1>, vector<16xf32>
      %add3A_165 = arith.constant 4 : i32
      %add3A_166 = vector.broadcast %add3A_165 : i32 to vector<16xi32>
      %add3A_167 = arith.addi %iota3A, %add3A_166 : vector<16xi32>
      %min3A_168 = arith.constant 15 : i32
      %min3A_169 = vector.broadcast %min3A_168 : i32 to vector<16xi32>
      %min3A_170 = arith.minsi %add3A_167, %min3A_169 : vector<16xi32>
      %reshape3A_171 = vector.shape_cast %min3A_170 : vector<16xi32> to vector<16x1xi32>
      %gather3A_172 = vector.shape_cast %reshape3A_171 : vector<16x1xi32> to vector<16xi32>
      %gather3A_173 = tpu.dynamic_gather %masked_sort3A_58[%gather3A_172] in [0] : vector<16xi32>, vector<16xi32> -> vector<16xi32>
      %reshape3A_174 = vector.shape_cast %min3A_170 : vector<16xi32> to vector<16x1xi32>
      %gather3A_175 = vector.shape_cast %reshape3A_174 : vector<16x1xi32> to vector<16xi32>
      %gather3A_176 = tpu.dynamic_gather %select_n3A_164[%gather3A_175] in [0] : vector<16xf32>, vector<16xi32> -> vector<16xf32>
      %lt3A_177 = arith.constant 12 : i32
      %lt3A_178 = vector.broadcast %lt3A_177 : i32 to vector<16xi32>
      %lt3A_179 = arith.cmpi slt, %iota3A, %lt3A_178 : vector<16xi32>
      %eq3A_180 = arith.cmpi eq, %gather3A_173, %masked_sort3A_58 : vector<16xi32>
      %and3A_181 = arith.andi %lt3A_179, %eq3A_180 : vector<16xi1>
      %max3A_182 = arith.maximumf %select_n3A_164, %gather3A_176 : vector<16xf32>
      %select_n3A_183 = arith.select %and3A_181, %max3A_182, %select_n3A_164 : vector<16xi1>, vector<16xf32>
      %add3A_184 = arith.constant 8 : i32
      %add3A_185 = vector.broadcast %add3A_184 : i32 to vector<16xi32>
      %add3A_186 = arith.addi %iota3A, %add3A_185 : vector<16xi32>
      %min3A_187 = arith.constant 15 : i32
      %min3A_188 = vector.broadcast %min3A_187 : i32 to vector<16xi32>
      %min3A_189 = arith.minsi %add3A_186, %min3A_188 : vector<16xi32>
      %reshape3A_190 = vector.shape_cast %min3A_189 : vector<16xi32> to vector<16x1xi32>
      %gather3A_191 = vector.shape_cast %reshape3A_190 : vector<16x1xi32> to vector<16xi32>
      %gather3A_192 = tpu.dynamic_gather %masked_sort3A_58[%gather3A_191] in [0] : vector<16xi32>, vector<16xi32> -> vector<16xi32>
      %reshape3A_193 = vector.shape_cast %min3A_189 : vector<16xi32> to vector<16x1xi32>
      %gather3A_194 = vector.shape_cast %reshape3A_193 : vector<16x1xi32> to vector<16xi32>
      %gather3A_195 = tpu.dynamic_gather %select_n3A_183[%gather3A_194] in [0] : vector<16xf32>, vector<16xi32> -> vector<16xf32>
      %lt3A_196 = arith.constant 8 : i32
      %lt3A_197 = vector.broadcast %lt3A_196 : i32 to vector<16xi32>
      %lt3A_198 = arith.cmpi slt, %iota3A, %lt3A_197 : vector<16xi32>
      %eq3A_199 = arith.cmpi eq, %gather3A_192, %masked_sort3A_58 : vector<16xi32>
      %and3A_200 = arith.andi %lt3A_198, %eq3A_199 : vector<16xi1>
      %max3A_201 = arith.maximumf %select_n3A_183, %gather3A_195 : vector<16xf32>
      %select_n3A_202 = arith.select %and3A_200, %max3A_201, %select_n3A_183 : vector<16xi1>, vector<16xf32>
      %gather3A_203 = tpu.vector_load_idx %arg9[%masked_sort3A_58] : memref<10240xf32, #tpu.memory_space<vmem>>[vector<16xi32>], vector<16xf32>,
      %add3A_204 = arith.addf %gather3A_203, %select_n3A_202 : vector<16xf32>
      tpu.vector_store_idx %arg9[%masked_sort3A_58], %add3A_204 : memref<10240xf32, #tpu.memory_space<vmem>>[vector<16xi32>], vector<16xf32>,
      %scan3A_205 = arith.constant 0 : i32
      scf.yield %scan3A_205 : i32
    }
    %scan3A_23 = arith.constant 320 : i32
    "tpu.region"() ({
      %run_scoped3A_36 = tpu.sem_alloc : memref<!tpu.dma_semaphore, #tpu.memory_space<semaphore_mem>>
      %dma_start3A = tpu.memref_slice %arg5[%mul3A_2] : memref<163840xf32, #tpu.memory_space<hbm>> -> memref<5120xf32, #tpu.memory_space<hbm>>
      %dma_start3A_37 = tpu.memref_slice %arg5[%mul3A_2] : memref<163840xf32, #tpu.memory_space<hbm>> -> memref<5120xf32, #tpu.memory_space<hbm>>
      tpu.enqueue_dma source(%arg12 : memref<5120xf32, #tpu.memory_space<vmem>>) target(%dma_start3A_37 : memref<5120xf32, #tpu.memory_space<hbm>>) target_semaphore(%run_scoped3A_36 : memref<!tpu.dma_semaphore, #tpu.memory_space<semaphore_mem>>)
      %dma_wait3A = tpu.memref_slice %arg5[%mul3A_2] : memref<163840xf32, #tpu.memory_space<hbm>> -> memref<5120xf32, #tpu.memory_space<hbm>>
      %dma_wait3A_38 = tpu.memref_slice %arg5[%mul3A_2] : memref<163840xf32, #tpu.memory_space<hbm>> -> memref<5120xf32, #tpu.memory_space<hbm>>
      tpu.wait_dma2 semaphore(%run_scoped3A_36 : memref<!tpu.dma_semaphore, #tpu.memory_space<semaphore_mem>>) src(%arg12 : memref<5120xf32, #tpu.memory_space<vmem>>) dst(%dma_wait3A_38 : memref<5120xf32, #tpu.memory_space<hbm>>)
      tpu.yield
    }) : () -> ()
    "tpu.region"() ({
      %run_scoped3A_36 = tpu.sem_alloc : memref<!tpu.dma_semaphore, #tpu.memory_space<semaphore_mem>>
      %dma_start3A = arith.constant 0 : i32
      %dma_start3A_37 = tpu.memref_slice %arg13[%arg1, %dma_start3A] : memref<16x10240xf32, #tpu.memory_space<vmem_shared>> -> memref<1x10240xf32, #tpu.memory_space<vmem_shared>>
      %dma_start3A_38 = tpu.memref_squeeze %dma_start3A_37 : memref<1x10240xf32, #tpu.memory_space<vmem_shared>> -> memref<10240xf32, #tpu.memory_space<vmem_shared>>
      %dma_start3A_39 = arith.constant 0 : i32
      %dma_start3A_40 = tpu.memref_slice %arg13[%arg1, %dma_start3A_39] : memref<16x10240xf32, #tpu.memory_space<vmem_shared>> -> memref<1x10240xf32, #tpu.memory_space<vmem_shared>>
      %dma_start3A_41 = tpu.memref_squeeze %dma_start3A_40 : memref<1x10240xf32, #tpu.memory_space<vmem_shared>> -> memref<10240xf32, #tpu.memory_space<vmem_shared>>
      tpu.enqueue_dma source(%arg9 : memref<10240xf32, #tpu.memory_space<vmem>>) target(%dma_start3A_41 : memref<10240xf32, #tpu.memory_space<vmem_shared>>) target_semaphore(%run_scoped3A_36 : memref<!tpu.dma_semaphore, #tpu.memory_space<semaphore_mem>>)
      %dma_wait3A = arith.constant 0 : i32
      %dma_wait3A_42 = tpu.memref_slice %arg13[%arg1, %dma_wait3A] : memref<16x10240xf32, #tpu.memory_space<vmem_shared>> -> memref<1x10240xf32, #tpu.memory_space<vmem_shared>>
      %dma_wait3A_43 = tpu.memref_squeeze %dma_wait3A_42 : memref<1x10240xf32, #tpu.memory_space<vmem_shared>> -> memref<10240xf32, #tpu.memory_space<vmem_shared>>
      %dma_wait3A_44 = arith.constant 0 : i32
      %dma_wait3A_45 = tpu.memref_slice %arg13[%arg1, %dma_wait3A_44] : memref<16x10240xf32, #tpu.memory_space<vmem_shared>> -> memref<1x10240xf32, #tpu.memory_space<vmem_shared>>
      %dma_wait3A_46 = tpu.memref_squeeze %dma_wait3A_45 : memref<1x10240xf32, #tpu.memory_space<vmem_shared>> -> memref<10240xf32, #tpu.memory_space<vmem_shared>>
      tpu.wait_dma2 semaphore(%run_scoped3A_36 : memref<!tpu.dma_semaphore, #tpu.memory_space<semaphore_mem>>) src(%arg9 : memref<10240xf32, #tpu.memory_space<vmem>>) dst(%dma_wait3A_46 : memref<10240xf32, #tpu.memory_space<vmem_shared>>)
      tpu.yield
    }) : () -> ()
    %barrier3A = arith.constant 0 : index
    tpu.barrier barrier_id(%barrier3A)
    %mul3A_24 = arith.constant 640 : i32
    %mul3A_25 = arith.muli %arg1, %mul3A_24 : i32
    %run_scoped3A_26 = arith.constant 0 : i32
    "tpu.region"() ({
      %run_scoped3A_36 = tpu.sem_alloc : memref<!tpu.dma_semaphore, #tpu.memory_space<semaphore_mem>>
      %dma_start3A = tpu.memref_slice %arg13[%run_scoped3A_26, %mul3A_25] : memref<16x10240xf32, #tpu.memory_space<vmem_shared>> -> memref<1x640xf32, #tpu.memory_space<vmem_shared>>
      %dma_start3A_37 = tpu.memref_squeeze %dma_start3A : memref<1x640xf32, #tpu.memory_space<vmem_shared>> -> memref<640xf32, #tpu.memory_space<vmem_shared>>
      %dma_start3A_38 = tpu.memref_slice %arg13[%run_scoped3A_26, %mul3A_25] : memref<16x10240xf32, #tpu.memory_space<vmem_shared>> -> memref<1x640xf32, #tpu.memory_space<vmem_shared>>
      %dma_start3A_39 = tpu.memref_squeeze %dma_start3A_38 : memref<1x640xf32, #tpu.memory_space<vmem_shared>> -> memref<640xf32, #tpu.memory_space<vmem_shared>>
      tpu.enqueue_dma source(%dma_start3A_39 : memref<640xf32, #tpu.memory_space<vmem_shared>>) target(%arg14 : memref<640xf32, #tpu.memory_space<vmem>>) target_semaphore(%run_scoped3A_36 : memref<!tpu.dma_semaphore, #tpu.memory_space<semaphore_mem>>)
      %dma_wait3A = tpu.memref_slice %arg13[%run_scoped3A_26, %mul3A_25] : memref<16x10240xf32, #tpu.memory_space<vmem_shared>> -> memref<1x640xf32, #tpu.memory_space<vmem_shared>>
      %dma_wait3A_40 = tpu.memref_squeeze %dma_wait3A : memref<1x640xf32, #tpu.memory_space<vmem_shared>> -> memref<640xf32, #tpu.memory_space<vmem_shared>>
      %dma_wait3A_41 = tpu.memref_slice %arg13[%run_scoped3A_26, %mul3A_25] : memref<16x10240xf32, #tpu.memory_space<vmem_shared>> -> memref<1x640xf32, #tpu.memory_space<vmem_shared>>
      %dma_wait3A_42 = tpu.memref_squeeze %dma_wait3A_41 : memref<1x640xf32, #tpu.memory_space<vmem_shared>> -> memref<640xf32, #tpu.memory_space<vmem_shared>>
      tpu.wait_dma2 semaphore(%run_scoped3A_36 : memref<!tpu.dma_semaphore, #tpu.memory_space<semaphore_mem>>) src(%dma_wait3A_42 : memref<640xf32, #tpu.memory_space<vmem_shared>>) dst(%arg14 : memref<640xf32, #tpu.memory_space<vmem>>)
      tpu.yield
    }) : () -> ()
    %scan3A_27 = arith.constant 0 : i32
    %scan3A_28 = arith.constant 1 : i32
    %scan3A_29 = arith.constant 15 : i32
    %scan3A_30 = arith.addi %scan3A_28, %scan3A_29 : i32
    %scan3A_31 = arith.constant 1 : i32
    %scan3A_32 = scf.for %scan3A_36 = %scan3A_28 to %scan3A_30 step %scan3A_31 iter_args(%scan3A_37 = %scan3A_27) -> (i32)  : i32 {
      %mul3A_38 = arith.constant 640 : i32
      %mul3A_39 = arith.muli %arg1, %mul3A_38 : i32
      "tpu.region"() ({
        %run_scoped3A_48 = tpu.sem_alloc : memref<!tpu.dma_semaphore, #tpu.memory_space<semaphore_mem>>
        %dma_start3A = tpu.memref_slice %arg13[%scan3A_36, %mul3A_39] : memref<16x10240xf32, #tpu.memory_space<vmem_shared>> -> memref<1x640xf32, #tpu.memory_space<vmem_shared>>
        %dma_start3A_49 = tpu.memref_squeeze %dma_start3A : memref<1x640xf32, #tpu.memory_space<vmem_shared>> -> memref<640xf32, #tpu.memory_space<vmem_shared>>
        %dma_start3A_50 = tpu.memref_slice %arg13[%scan3A_36, %mul3A_39] : memref<16x10240xf32, #tpu.memory_space<vmem_shared>> -> memref<1x640xf32, #tpu.memory_space<vmem_shared>>
        %dma_start3A_51 = tpu.memref_squeeze %dma_start3A_50 : memref<1x640xf32, #tpu.memory_space<vmem_shared>> -> memref<640xf32, #tpu.memory_space<vmem_shared>>
        tpu.enqueue_dma source(%dma_start3A_51 : memref<640xf32, #tpu.memory_space<vmem_shared>>) target(%arg15 : memref<640xf32, #tpu.memory_space<vmem>>) target_semaphore(%run_scoped3A_48 : memref<!tpu.dma_semaphore, #tpu.memory_space<semaphore_mem>>)
        %dma_wait3A = tpu.memref_slice %arg13[%scan3A_36, %mul3A_39] : memref<16x10240xf32, #tpu.memory_space<vmem_shared>> -> memref<1x640xf32, #tpu.memory_space<vmem_shared>>
        %dma_wait3A_52 = tpu.memref_squeeze %dma_wait3A : memref<1x640xf32, #tpu.memory_space<vmem_shared>> -> memref<640xf32, #tpu.memory_space<vmem_shared>>
        %dma_wait3A_53 = tpu.memref_slice %arg13[%scan3A_36, %mul3A_39] : memref<16x10240xf32, #tpu.memory_space<vmem_shared>> -> memref<1x640xf32, #tpu.memory_space<vmem_shared>>
        %dma_wait3A_54 = tpu.memref_squeeze %dma_wait3A_53 : memref<1x640xf32, #tpu.memory_space<vmem_shared>> -> memref<640xf32, #tpu.memory_space<vmem_shared>>
        tpu.wait_dma2 semaphore(%run_scoped3A_48 : memref<!tpu.dma_semaphore, #tpu.memory_space<semaphore_mem>>) src(%dma_wait3A_54 : memref<640xf32, #tpu.memory_space<vmem_shared>>) dst(%arg15 : memref<640xf32, #tpu.memory_space<vmem>>)
        tpu.yield
      }) : () -> ()
      %scan3A_40 = arith.constant 0 : i32
      %scan3A_41 = arith.constant 0 : i32
      %scan3A_42 = arith.constant 40 : i32
      %scan3A_43 = arith.addi %scan3A_41, %scan3A_42 : i32
      %scan3A_44 = arith.constant 1 : i32
      %scan3A_45 = scf.for %scan3A_48 = %scan3A_41 to %scan3A_43 step %scan3A_44 iter_args(%scan3A_49 = %scan3A_40) -> (i32)  : i32 {
        %mul3A_50 = arith.constant 16 : i32
        %mul3A_51 = arith.muli %scan3A_48, %mul3A_50 : i32
        %get3A = arith.index_cast %mul3A_51 : i32 to index
        %get3A_52 = tpu.vector_load %arg14[%get3A] {strides = array<i32>} : memref<640xf32, #tpu.memory_space<vmem>>, vector<16xf32>,
        %mul3A_53 = arith.constant 16 : i32
        %mul3A_54 = arith.muli %scan3A_48, %mul3A_53 : i32
        %get3A_55 = arith.index_cast %mul3A_54 : i32 to index
        %get3A_56 = tpu.vector_load %arg15[%get3A_55] {strides = array<i32>} : memref<640xf32, #tpu.memory_space<vmem>>, vector<16xf32>,
        %add3A_57 = arith.addf %get3A_52, %get3A_56 : vector<16xf32>
        %mul3A_58 = arith.constant 16 : i32
        %mul3A_59 = arith.muli %scan3A_48, %mul3A_58 : i32
        %swap3A = arith.index_cast %mul3A_59 : i32 to index
        %swap3A_60 = tpu.vector_load %arg14[%swap3A] {strides = array<i32>} : memref<640xf32, #tpu.memory_space<vmem>>, vector<16xf32>,
        tpu.vector_store %arg14[%swap3A], %add3A_57 {strides = array<i32>} : memref<640xf32, #tpu.memory_space<vmem>>, vector<16xf32>,
        %scan3A_61 = arith.constant 0 : i32
        scf.yield %scan3A_61 : i32
      }
      %scan3A_46 = arith.constant 40 : i32
      %scan3A_47 = arith.constant 0 : i32
      scf.yield %scan3A_47 : i32
    }
    %scan3A_33 = arith.constant 15 : i32
    %mul3A_34 = arith.constant 640 : i32
    %mul3A_35 = arith.muli %arg1, %mul3A_34 : i32
    "tpu.region"() ({
      %run_scoped3A_36 = tpu.sem_alloc : memref<!tpu.dma_semaphore, #tpu.memory_space<semaphore_mem>>
      %dma_start3A = tpu.memref_slice %arg6[%arg0, %mul3A_35] : memref<2x10240xf32, #tpu.memory_space<hbm>> -> memref<1x640xf32, #tpu.memory_space<hbm>>
      %dma_start3A_37 = tpu.memref_squeeze %dma_start3A : memref<1x640xf32, #tpu.memory_space<hbm>> -> memref<640xf32, #tpu.memory_space<hbm>>
      %dma_start3A_38 = tpu.memref_slice %arg6[%arg0, %mul3A_35] : memref<2x10240xf32, #tpu.memory_space<hbm>> -> memref<1x640xf32, #tpu.memory_space<hbm>>
      %dma_start3A_39 = tpu.memref_squeeze %dma_start3A_38 : memref<1x640xf32, #tpu.memory_space<hbm>> -> memref<640xf32, #tpu.memory_space<hbm>>
      tpu.enqueue_dma source(%arg14 : memref<640xf32, #tpu.memory_space<vmem>>) target(%dma_start3A_39 : memref<640xf32, #tpu.memory_space<hbm>>) target_semaphore(%run_scoped3A_36 : memref<!tpu.dma_semaphore, #tpu.memory_space<semaphore_mem>>)
      %dma_wait3A = tpu.memref_slice %arg6[%arg0, %mul3A_35] : memref<2x10240xf32, #tpu.memory_space<hbm>> -> memref<1x640xf32, #tpu.memory_space<hbm>>
      %dma_wait3A_40 = tpu.memref_squeeze %dma_wait3A : memref<1x640xf32, #tpu.memory_space<hbm>> -> memref<640xf32, #tpu.memory_space<hbm>>
      %dma_wait3A_41 = tpu.memref_slice %arg6[%arg0, %mul3A_35] : memref<2x10240xf32, #tpu.memory_space<hbm>> -> memref<1x640xf32, #tpu.memory_space<hbm>>
      %dma_wait3A_42 = tpu.memref_squeeze %dma_wait3A_41 : memref<1x640xf32, #tpu.memory_space<hbm>> -> memref<640xf32, #tpu.memory_space<hbm>>
      tpu.wait_dma2 semaphore(%run_scoped3A_36 : memref<!tpu.dma_semaphore, #tpu.memory_space<semaphore_mem>>) src(%arg14 : memref<640xf32, #tpu.memory_space<vmem>>) dst(%dma_wait3A_42 : memref<640xf32, #tpu.memory_space<hbm>>)
      tpu.yield
    }) : () -> ()
    return
  }
}

#map = affine_map<(d0, d1) -> (0)>
#map1 = affine_map<(d0, d1) -> (0, 0)>
module attributes {stable_mosaic.version = 14 : i64} {
  func.func @coeff_k(%arg0: i32, %arg1: i32, %arg2: memref<163840xf32, #tpu.memory_space<hbm>>, %arg3: memref<163840xi32, #tpu.memory_space<hbm>>, %arg4: memref<2x10240xf32, #tpu.memory_space<hbm>>, %arg5: memref<163840xf32, #tpu.memory_space<hbm>>, %arg6: memref<10240xf32, #tpu.memory_space<vmem>>, %arg7: memref<10240xf32, #tpu.memory_space<vmem>>, %arg8: memref<5120xi32, #tpu.memory_space<vmem>>, %arg9: memref<5120xf32, #tpu.memory_space<vmem>>, %arg10: memref<5120xf32, #tpu.memory_space<vmem>>) attributes {dimension_semantics = [#tpu.dimension_semantics<core_parallel>, #tpu.dimension_semantics<subcore_parallel>], iteration_bounds = array<i64: 2, 16>, scalar_prefetch = 0 : i64, scratch_operands = 5 : i64, tpu.core_type = #tpu.core_type<sc_vector_subcore>, window_params = [{transform_indices = #map}, {transform_indices = #map}, {transform_indices = #map1}, {transform_indices = #map}]} {
    %mul3A = arith.constant 2 : i32
    %mul3A_0 = arith.muli %arg1, %mul3A : i32
    %add3A = arith.addi %mul3A_0, %arg0 : i32
    %mul3A_1 = arith.constant 5120 : i32
    %mul3A_2 = arith.muli %add3A, %mul3A_1 : i32
    %run_scoped3A = arith.constant 0 : i32
    "tpu.region"() ({
      %run_scoped3A_17 = tpu.sem_alloc : memref<!tpu.dma_semaphore, #tpu.memory_space<semaphore_mem>>
      %dma_start3A = arith.constant 0 : i32
      %dma_start3A_18 = tpu.memref_slice %arg4[%run_scoped3A, %dma_start3A] : memref<2x10240xf32, #tpu.memory_space<hbm>> -> memref<1x10240xf32, #tpu.memory_space<hbm>>
      %dma_start3A_19 = tpu.memref_squeeze %dma_start3A_18 : memref<1x10240xf32, #tpu.memory_space<hbm>> -> memref<10240xf32, #tpu.memory_space<hbm>>
      %dma_start3A_20 = arith.constant 0 : i32
      %dma_start3A_21 = tpu.memref_slice %arg4[%run_scoped3A, %dma_start3A_20] : memref<2x10240xf32, #tpu.memory_space<hbm>> -> memref<1x10240xf32, #tpu.memory_space<hbm>>
      %dma_start3A_22 = tpu.memref_squeeze %dma_start3A_21 : memref<1x10240xf32, #tpu.memory_space<hbm>> -> memref<10240xf32, #tpu.memory_space<hbm>>
      tpu.enqueue_dma source(%dma_start3A_22 : memref<10240xf32, #tpu.memory_space<hbm>>) target(%arg6 : memref<10240xf32, #tpu.memory_space<vmem>>) target_semaphore(%run_scoped3A_17 : memref<!tpu.dma_semaphore, #tpu.memory_space<semaphore_mem>>)
      %dma_wait3A = arith.constant 0 : i32
      %dma_wait3A_23 = tpu.memref_slice %arg4[%run_scoped3A, %dma_wait3A] : memref<2x10240xf32, #tpu.memory_space<hbm>> -> memref<1x10240xf32, #tpu.memory_space<hbm>>
      %dma_wait3A_24 = tpu.memref_squeeze %dma_wait3A_23 : memref<1x10240xf32, #tpu.memory_space<hbm>> -> memref<10240xf32, #tpu.memory_space<hbm>>
      %dma_wait3A_25 = arith.constant 0 : i32
      %dma_wait3A_26 = tpu.memref_slice %arg4[%run_scoped3A, %dma_wait3A_25] : memref<2x10240xf32, #tpu.memory_space<hbm>> -> memref<1x10240xf32, #tpu.memory_space<hbm>>
      %dma_wait3A_27 = tpu.memref_squeeze %dma_wait3A_26 : memref<1x10240xf32, #tpu.memory_space<hbm>> -> memref<10240xf32, #tpu.memory_space<hbm>>
      tpu.wait_dma2 semaphore(%run_scoped3A_17 : memref<!tpu.dma_semaphore, #tpu.memory_space<semaphore_mem>>) src(%dma_wait3A_27 : memref<10240xf32, #tpu.memory_space<hbm>>) dst(%arg6 : memref<10240xf32, #tpu.memory_space<vmem>>)
      tpu.yield
    }) : () -> ()
    %run_scoped3A_3 = arith.constant 1 : i32
    "tpu.region"() ({
      %run_scoped3A_17 = tpu.sem_alloc : memref<!tpu.dma_semaphore, #tpu.memory_space<semaphore_mem>>
      %dma_start3A = arith.constant 0 : i32
      %dma_start3A_18 = tpu.memref_slice %arg4[%run_scoped3A_3, %dma_start3A] : memref<2x10240xf32, #tpu.memory_space<hbm>> -> memref<1x10240xf32, #tpu.memory_space<hbm>>
      %dma_start3A_19 = tpu.memref_squeeze %dma_start3A_18 : memref<1x10240xf32, #tpu.memory_space<hbm>> -> memref<10240xf32, #tpu.memory_space<hbm>>
      %dma_start3A_20 = arith.constant 0 : i32
      %dma_start3A_21 = tpu.memref_slice %arg4[%run_scoped3A_3, %dma_start3A_20] : memref<2x10240xf32, #tpu.memory_space<hbm>> -> memref<1x10240xf32, #tpu.memory_space<hbm>>
      %dma_start3A_22 = tpu.memref_squeeze %dma_start3A_21 : memref<1x10240xf32, #tpu.memory_space<hbm>> -> memref<10240xf32, #tpu.memory_space<hbm>>
      tpu.enqueue_dma source(%dma_start3A_22 : memref<10240xf32, #tpu.memory_space<hbm>>) target(%arg7 : memref<10240xf32, #tpu.memory_space<vmem>>) target_semaphore(%run_scoped3A_17 : memref<!tpu.dma_semaphore, #tpu.memory_space<semaphore_mem>>)
      %dma_wait3A = arith.constant 0 : i32
      %dma_wait3A_23 = tpu.memref_slice %arg4[%run_scoped3A_3, %dma_wait3A] : memref<2x10240xf32, #tpu.memory_space<hbm>> -> memref<1x10240xf32, #tpu.memory_space<hbm>>
      %dma_wait3A_24 = tpu.memref_squeeze %dma_wait3A_23 : memref<1x10240xf32, #tpu.memory_space<hbm>> -> memref<10240xf32, #tpu.memory_space<hbm>>
      %dma_wait3A_25 = arith.constant 0 : i32
      %dma_wait3A_26 = tpu.memref_slice %arg4[%run_scoped3A_3, %dma_wait3A_25] : memref<2x10240xf32, #tpu.memory_space<hbm>> -> memref<1x10240xf32, #tpu.memory_space<hbm>>
      %dma_wait3A_27 = tpu.memref_squeeze %dma_wait3A_26 : memref<1x10240xf32, #tpu.memory_space<hbm>> -> memref<10240xf32, #tpu.memory_space<hbm>>
      tpu.wait_dma2 semaphore(%run_scoped3A_17 : memref<!tpu.dma_semaphore, #tpu.memory_space<semaphore_mem>>) src(%dma_wait3A_27 : memref<10240xf32, #tpu.memory_space<hbm>>) dst(%arg7 : memref<10240xf32, #tpu.memory_space<vmem>>)
      tpu.yield
    }) : () -> ()
    %scan3A = arith.constant 0 : i32
    %scan3A_4 = arith.constant 0 : i32
    %scan3A_5 = arith.constant 640 : i32
    %scan3A_6 = arith.addi %scan3A_4, %scan3A_5 : i32
    %scan3A_7 = arith.constant 1 : i32
    %scan3A_8 = scf.for %scan3A_17 = %scan3A_4 to %scan3A_6 step %scan3A_7 iter_args(%scan3A_18 = %scan3A) -> (i32)  : i32 {
      %mul3A_19 = arith.constant 16 : i32
      %mul3A_20 = arith.muli %scan3A_17, %mul3A_19 : i32
      %get3A = arith.index_cast %mul3A_20 : i32 to index
      %get3A_21 = tpu.vector_load %arg6[%get3A] {strides = array<i32>} : memref<10240xf32, #tpu.memory_space<vmem>>, vector<16xf32>,
      %mul3A_22 = arith.constant 16 : i32
      %mul3A_23 = arith.muli %scan3A_17, %mul3A_22 : i32
      %get3A_24 = arith.index_cast %mul3A_23 : i32 to index
      %get3A_25 = tpu.vector_load %arg7[%get3A_24] {strides = array<i32>} : memref<10240xf32, #tpu.memory_space<vmem>>, vector<16xf32>,
      %add3A_26 = arith.addf %get3A_21, %get3A_25 : vector<16xf32>
      %mul3A_27 = arith.constant 16 : i32
      %mul3A_28 = arith.muli %scan3A_17, %mul3A_27 : i32
      %swap3A = arith.index_cast %mul3A_28 : i32 to index
      %swap3A_29 = tpu.vector_load %arg6[%swap3A] {strides = array<i32>} : memref<10240xf32, #tpu.memory_space<vmem>>, vector<16xf32>,
      tpu.vector_store %arg6[%swap3A], %add3A_26 {strides = array<i32>} : memref<10240xf32, #tpu.memory_space<vmem>>, vector<16xf32>,
      %scan3A_30 = arith.constant 0 : i32
      scf.yield %scan3A_30 : i32
    }
    %scan3A_9 = arith.constant 640 : i32
    "tpu.region"() ({
      %run_scoped3A_17 = tpu.sem_alloc : memref<!tpu.dma_semaphore, #tpu.memory_space<semaphore_mem>>
      %dma_start3A = tpu.memref_slice %arg3[%mul3A_2] : memref<163840xi32, #tpu.memory_space<hbm>> -> memref<5120xi32, #tpu.memory_space<hbm>>
      %dma_start3A_18 = tpu.memref_slice %arg3[%mul3A_2] : memref<163840xi32, #tpu.memory_space<hbm>> -> memref<5120xi32, #tpu.memory_space<hbm>>
      tpu.enqueue_dma source(%dma_start3A_18 : memref<5120xi32, #tpu.memory_space<hbm>>) target(%arg8 : memref<5120xi32, #tpu.memory_space<vmem>>) target_semaphore(%run_scoped3A_17 : memref<!tpu.dma_semaphore, #tpu.memory_space<semaphore_mem>>)
      %dma_wait3A = tpu.memref_slice %arg3[%mul3A_2] : memref<163840xi32, #tpu.memory_space<hbm>> -> memref<5120xi32, #tpu.memory_space<hbm>>
      %dma_wait3A_19 = tpu.memref_slice %arg3[%mul3A_2] : memref<163840xi32, #tpu.memory_space<hbm>> -> memref<5120xi32, #tpu.memory_space<hbm>>
      tpu.wait_dma2 semaphore(%run_scoped3A_17 : memref<!tpu.dma_semaphore, #tpu.memory_space<semaphore_mem>>) src(%dma_wait3A_19 : memref<5120xi32, #tpu.memory_space<hbm>>) dst(%arg8 : memref<5120xi32, #tpu.memory_space<vmem>>)
      tpu.yield
    }) : () -> ()
    "tpu.region"() ({
      %run_scoped3A_17 = tpu.sem_alloc : memref<!tpu.dma_semaphore, #tpu.memory_space<semaphore_mem>>
      %dma_start3A = tpu.memref_slice %arg2[%mul3A_2] : memref<163840xf32, #tpu.memory_space<hbm>> -> memref<5120xf32, #tpu.memory_space<hbm>>
      %dma_start3A_18 = tpu.memref_slice %arg2[%mul3A_2] : memref<163840xf32, #tpu.memory_space<hbm>> -> memref<5120xf32, #tpu.memory_space<hbm>>
      tpu.enqueue_dma source(%dma_start3A_18 : memref<5120xf32, #tpu.memory_space<hbm>>) target(%arg9 : memref<5120xf32, #tpu.memory_space<vmem>>) target_semaphore(%run_scoped3A_17 : memref<!tpu.dma_semaphore, #tpu.memory_space<semaphore_mem>>)
      %dma_wait3A = tpu.memref_slice %arg2[%mul3A_2] : memref<163840xf32, #tpu.memory_space<hbm>> -> memref<5120xf32, #tpu.memory_space<hbm>>
      %dma_wait3A_19 = tpu.memref_slice %arg2[%mul3A_2] : memref<163840xf32, #tpu.memory_space<hbm>> -> memref<5120xf32, #tpu.memory_space<hbm>>
      tpu.wait_dma2 semaphore(%run_scoped3A_17 : memref<!tpu.dma_semaphore, #tpu.memory_space<semaphore_mem>>) src(%dma_wait3A_19 : memref<5120xf32, #tpu.memory_space<hbm>>) dst(%arg9 : memref<5120xf32, #tpu.memory_space<vmem>>)
      tpu.yield
    }) : () -> ()
    %scan3A_10 = arith.constant 0 : i32
    %scan3A_11 = arith.constant 0 : i32
    %scan3A_12 = arith.constant 320 : i32
    %scan3A_13 = arith.addi %scan3A_11, %scan3A_12 : i32
    %scan3A_14 = arith.constant 1 : i32
    %scan3A_15 = scf.for %scan3A_17 = %scan3A_11 to %scan3A_13 step %scan3A_14 iter_args(%scan3A_18 = %scan3A_10) -> (i32)  : i32 {
      %mul3A_19 = arith.constant 16 : i32
      %mul3A_20 = arith.muli %scan3A_17, %mul3A_19 : i32
      %get3A = arith.index_cast %mul3A_20 : i32 to index
      %get3A_21 = tpu.vector_load %arg8[%get3A] {strides = array<i32>} : memref<5120xi32, #tpu.memory_space<vmem>>, vector<16xi32>,
      %mul3A_22 = arith.constant 16 : i32
      %mul3A_23 = arith.muli %scan3A_17, %mul3A_22 : i32
      %get3A_24 = arith.index_cast %mul3A_23 : i32 to index
      %get3A_25 = tpu.vector_load %arg9[%get3A_24] {strides = array<i32>} : memref<5120xf32, #tpu.memory_space<vmem>>, vector<16xf32>,
      %gather3A = tpu.vector_load_idx %arg6[%get3A_21] : memref<10240xf32, #tpu.memory_space<vmem>>[vector<16xi32>], vector<16xf32>,
      %bitcast_convert_type3A = tpu.bitcast %gather3A : vector<16xf32> -> vector<16xi32>
      %shift_right_arithmetic3A = arith.constant 1 : i32
      %shift_right_arithmetic3A_26 = vector.broadcast %shift_right_arithmetic3A : i32 to vector<16xi32>
      %shift_right_arithmetic3A_27 = arith.shrsi %bitcast_convert_type3A, %shift_right_arithmetic3A_26 : vector<16xi32>
      %sub3A = arith.constant 1597463007 : i32
      %sub3A_28 = vector.broadcast %sub3A : i32 to vector<16xi32>
      %sub3A_29 = arith.subi %sub3A_28, %shift_right_arithmetic3A_27 : vector<16xi32>
      %bitcast_convert_type3A_30 = tpu.bitcast %sub3A_29 : vector<16xi32> -> vector<16xf32>
      %mul3A_31 = arith.constant 5.000000e-01 : f32
      %mul3A_32 = vector.broadcast %mul3A_31 : f32 to vector<16xf32>
      %mul3A_33 = arith.mulf %mul3A_32, %gather3A : vector<16xf32>
      %mul3A_34 = arith.mulf %mul3A_33, %bitcast_convert_type3A_30 : vector<16xf32>
      %mul3A_35 = arith.mulf %mul3A_34, %bitcast_convert_type3A_30 : vector<16xf32>
      %sub3A_36 = arith.constant 1.500000e+00 : f32
      %sub3A_37 = vector.broadcast %sub3A_36 : f32 to vector<16xf32>
      %sub3A_38 = arith.subf %sub3A_37, %mul3A_35 : vector<16xf32>
      %mul3A_39 = arith.mulf %bitcast_convert_type3A_30, %sub3A_38 : vector<16xf32>
      %mul3A_40 = arith.constant 5.000000e-01 : f32
      %mul3A_41 = vector.broadcast %mul3A_40 : f32 to vector<16xf32>
      %mul3A_42 = arith.mulf %mul3A_41, %gather3A : vector<16xf32>
      %mul3A_43 = arith.mulf %mul3A_42, %mul3A_39 : vector<16xf32>
      %mul3A_44 = arith.mulf %mul3A_43, %mul3A_39 : vector<16xf32>
      %sub3A_45 = arith.constant 1.500000e+00 : f32
      %sub3A_46 = vector.broadcast %sub3A_45 : f32 to vector<16xf32>
      %sub3A_47 = arith.subf %sub3A_46, %mul3A_44 : vector<16xf32>
      %mul3A_48 = arith.mulf %mul3A_39, %sub3A_47 : vector<16xf32>
      %mul3A_49 = arith.constant 5.000000e-01 : f32
      %mul3A_50 = vector.broadcast %mul3A_49 : f32 to vector<16xf32>
      %mul3A_51 = arith.mulf %mul3A_50, %gather3A : vector<16xf32>
      %mul3A_52 = arith.mulf %mul3A_51, %mul3A_48 : vector<16xf32>
      %mul3A_53 = arith.mulf %mul3A_52, %mul3A_48 : vector<16xf32>
      %sub3A_54 = arith.constant 1.500000e+00 : f32
      %sub3A_55 = vector.broadcast %sub3A_54 : f32 to vector<16xf32>
      %sub3A_56 = arith.subf %sub3A_55, %mul3A_53 : vector<16xf32>
      %mul3A_57 = arith.mulf %mul3A_48, %sub3A_56 : vector<16xf32>
      %mul3A_58 = arith.mulf %get3A_25, %mul3A_57 : vector<16xf32>
      %mul3A_59 = arith.constant 16 : i32
      %mul3A_60 = arith.muli %scan3A_17, %mul3A_59 : i32
      %swap3A = arith.index_cast %mul3A_60 : i32 to index
      %swap3A_61 = tpu.vector_load %arg10[%swap3A] {strides = array<i32>} : memref<5120xf32, #tpu.memory_space<vmem>>, vector<16xf32>,
      tpu.vector_store %arg10[%swap3A], %mul3A_58 {strides = array<i32>} : memref<5120xf32, #tpu.memory_space<vmem>>, vector<16xf32>,
      %scan3A_62 = arith.constant 0 : i32
      scf.yield %scan3A_62 : i32
    }
    %scan3A_16 = arith.constant 320 : i32
    "tpu.region"() ({
      %run_scoped3A_17 = tpu.sem_alloc : memref<!tpu.dma_semaphore, #tpu.memory_space<semaphore_mem>>
      %dma_start3A = tpu.memref_slice %arg5[%mul3A_2] : memref<163840xf32, #tpu.memory_space<hbm>> -> memref<5120xf32, #tpu.memory_space<hbm>>
      %dma_start3A_18 = tpu.memref_slice %arg5[%mul3A_2] : memref<163840xf32, #tpu.memory_space<hbm>> -> memref<5120xf32, #tpu.memory_space<hbm>>
      tpu.enqueue_dma source(%arg10 : memref<5120xf32, #tpu.memory_space<vmem>>) target(%dma_start3A_18 : memref<5120xf32, #tpu.memory_space<hbm>>) target_semaphore(%run_scoped3A_17 : memref<!tpu.dma_semaphore, #tpu.memory_space<semaphore_mem>>)
      %dma_wait3A = tpu.memref_slice %arg5[%mul3A_2] : memref<163840xf32, #tpu.memory_space<hbm>> -> memref<5120xf32, #tpu.memory_space<hbm>>
      %dma_wait3A_19 = tpu.memref_slice %arg5[%mul3A_2] : memref<163840xf32, #tpu.memory_space<hbm>> -> memref<5120xf32, #tpu.memory_space<hbm>>
      tpu.wait_dma2 semaphore(%run_scoped3A_17 : memref<!tpu.dma_semaphore, #tpu.memory_space<semaphore_mem>>) src(%arg10 : memref<5120xf32, #tpu.memory_space<vmem>>) dst(%dma_wait3A_19 : memref<5120xf32, #tpu.memory_space<hbm>>)
      tpu.yield
    }) : () -> ()
    return
  }
}

#map = affine_map<(d0, d1) -> (0, 0)>
#map1 = affine_map<(d0, d1) -> (0)>
#map2 = affine_map<(d0, d1) -> (0, 0, 0)>
module attributes {stable_mosaic.version = 14 : i64} {
  func.func @scat_k(%arg0: i32, %arg1: i32, %arg2: memref<163840x16xf32, #tpu.memory_space<hbm>>, %arg3: memref<163840xi32, #tpu.memory_space<hbm>>, %arg4: memref<10240x16xf32, #tpu.memory_space<hbm>>, %arg5: memref<2x10240x16xf32, #tpu.memory_space<hbm>>, %arg6: memref<512xi32, #tpu.memory_space<vmem>>, %arg7: memref<512x16xf32, #tpu.memory_space<vmem>>, %arg8: memref<10240x16xf32, #tpu.memory_space<vmem_shared>>) attributes {dimension_semantics = [#tpu.dimension_semantics<core_parallel>, #tpu.dimension_semantics<subcore_parallel>], iteration_bounds = array<i64: 2, 16>, scalar_prefetch = 0 : i64, scratch_operands = 3 : i64, tpu.core_type = #tpu.core_type<sc_vector_subcore>, window_params = [{transform_indices = #map}, {transform_indices = #map1}, {transform_indices = #map}, {transform_indices = #map2}]} {
    %mul3A = arith.constant 2 : i32
    %mul3A_0 = arith.muli %arg1, %mul3A : i32
    %add3A = arith.addi %mul3A_0, %arg0 : i32
    %mul3A_1 = arith.constant 5120 : i32
    %mul3A_2 = arith.muli %add3A, %mul3A_1 : i32
    %mul3A_3 = arith.constant 640 : i32
    %mul3A_4 = arith.muli %arg1, %mul3A_3 : i32
    %mul3A_5 = arith.constant 640 : i32
    %mul3A_6 = arith.muli %arg1, %mul3A_5 : i32
    "tpu.region"() ({
      %run_scoped3A = tpu.sem_alloc : memref<!tpu.dma_semaphore, #tpu.memory_space<semaphore_mem>>
      %dma_start3A = arith.constant 0 : i32
      %dma_start3A_18 = tpu.memref_slice %arg8[%mul3A_6, %dma_start3A] : memref<10240x16xf32, #tpu.memory_space<vmem_shared>> -> memref<640x16xf32, #tpu.memory_space<vmem_shared>>
      %dma_start3A_19 = arith.constant 0 : i32
      %dma_start3A_20 = tpu.memref_slice %arg4[%mul3A_4, %dma_start3A_19] : memref<10240x16xf32, #tpu.memory_space<hbm>> -> memref<640x16xf32, #tpu.memory_space<hbm>>
      tpu.enqueue_dma source(%dma_start3A_20 : memref<640x16xf32, #tpu.memory_space<hbm>>) target(%dma_start3A_18 : memref<640x16xf32, #tpu.memory_space<vmem_shared>>) target_semaphore(%run_scoped3A : memref<!tpu.dma_semaphore, #tpu.memory_space<semaphore_mem>>)
      %dma_wait3A = arith.constant 0 : i32
      %dma_wait3A_21 = tpu.memref_slice %arg8[%mul3A_6, %dma_wait3A] : memref<10240x16xf32, #tpu.memory_space<vmem_shared>> -> memref<640x16xf32, #tpu.memory_space<vmem_shared>>
      %dma_wait3A_22 = arith.constant 0 : i32
      %dma_wait3A_23 = tpu.memref_slice %arg4[%mul3A_4, %dma_wait3A_22] : memref<10240x16xf32, #tpu.memory_space<hbm>> -> memref<640x16xf32, #tpu.memory_space<hbm>>
      tpu.wait_dma2 semaphore(%run_scoped3A : memref<!tpu.dma_semaphore, #tpu.memory_space<semaphore_mem>>) src(%dma_wait3A_23 : memref<640x16xf32, #tpu.memory_space<hbm>>) dst(%dma_wait3A_21 : memref<640x16xf32, #tpu.memory_space<vmem_shared>>)
      tpu.yield
    }) : () -> ()
    %barrier3A = arith.constant 0 : index
    tpu.barrier barrier_id(%barrier3A)
    %scan3A = arith.constant 0 : i32
    %scan3A_7 = arith.constant 0 : i32
    %scan3A_8 = arith.constant 10 : i32
    %scan3A_9 = arith.addi %scan3A_7, %scan3A_8 : i32
    %scan3A_10 = arith.constant 1 : i32
    %scan3A_11 = scf.for %scan3A_18 = %scan3A_7 to %scan3A_9 step %scan3A_10 iter_args(%scan3A_19 = %scan3A) -> (i32)  : i32 {
      %mul3A_20 = arith.constant 512 : i32
      %mul3A_21 = arith.muli %scan3A_18, %mul3A_20 : i32
      %add3A_22 = arith.addi %mul3A_2, %mul3A_21 : i32
      "tpu.region"() ({
        %run_scoped3A = tpu.sem_alloc : memref<!tpu.dma_semaphore, #tpu.memory_space<semaphore_mem>>
        %dma_start3A = tpu.memref_slice %arg3[%add3A_22] : memref<163840xi32, #tpu.memory_space<hbm>> -> memref<512xi32, #tpu.memory_space<hbm>>
        %dma_start3A_24 = tpu.memref_slice %arg3[%add3A_22] : memref<163840xi32, #tpu.memory_space<hbm>> -> memref<512xi32, #tpu.memory_space<hbm>>
        tpu.enqueue_dma source(%dma_start3A_24 : memref<512xi32, #tpu.memory_space<hbm>>) target(%arg6 : memref<512xi32, #tpu.memory_space<vmem>>) target_semaphore(%run_scoped3A : memref<!tpu.dma_semaphore, #tpu.memory_space<semaphore_mem>>)
        %dma_wait3A = tpu.memref_slice %arg3[%add3A_22] : memref<163840xi32, #tpu.memory_space<hbm>> -> memref<512xi32, #tpu.memory_space<hbm>>
        %dma_wait3A_25 = tpu.memref_slice %arg3[%add3A_22] : memref<163840xi32, #tpu.memory_space<hbm>> -> memref<512xi32, #tpu.memory_space<hbm>>
        tpu.wait_dma2 semaphore(%run_scoped3A : memref<!tpu.dma_semaphore, #tpu.memory_space<semaphore_mem>>) src(%dma_wait3A_25 : memref<512xi32, #tpu.memory_space<hbm>>) dst(%arg6 : memref<512xi32, #tpu.memory_space<vmem>>)
        tpu.yield
      }) : () -> ()
      "tpu.region"() ({
        %run_scoped3A = tpu.sem_alloc : memref<!tpu.dma_semaphore, #tpu.memory_space<semaphore_mem>>
        %dma_start3A = arith.constant 0 : i32
        %dma_start3A_24 = tpu.memref_slice %arg2[%add3A_22, %dma_start3A] : memref<163840x16xf32, #tpu.memory_space<hbm>> -> memref<512x16xf32, #tpu.memory_space<hbm>>
        %dma_start3A_25 = arith.constant 0 : i32
        %dma_start3A_26 = tpu.memref_slice %arg2[%add3A_22, %dma_start3A_25] : memref<163840x16xf32, #tpu.memory_space<hbm>> -> memref<512x16xf32, #tpu.memory_space<hbm>>
        tpu.enqueue_dma source(%dma_start3A_26 : memref<512x16xf32, #tpu.memory_space<hbm>>) target(%arg7 : memref<512x16xf32, #tpu.memory_space<vmem>>) target_semaphore(%run_scoped3A : memref<!tpu.dma_semaphore, #tpu.memory_space<semaphore_mem>>)
        %dma_wait3A = arith.constant 0 : i32
        %dma_wait3A_27 = tpu.memref_slice %arg2[%add3A_22, %dma_wait3A] : memref<163840x16xf32, #tpu.memory_space<hbm>> -> memref<512x16xf32, #tpu.memory_space<hbm>>
        %dma_wait3A_28 = arith.constant 0 : i32
        %dma_wait3A_29 = tpu.memref_slice %arg2[%add3A_22, %dma_wait3A_28] : memref<163840x16xf32, #tpu.memory_space<hbm>> -> memref<512x16xf32, #tpu.memory_space<hbm>>
        tpu.wait_dma2 semaphore(%run_scoped3A : memref<!tpu.dma_semaphore, #tpu.memory_space<semaphore_mem>>) src(%dma_wait3A_29 : memref<512x16xf32, #tpu.memory_space<hbm>>) dst(%arg7 : memref<512x16xf32, #tpu.memory_space<vmem>>)
        tpu.yield
      }) : () -> ()
      "tpu.region"() ({
        %run_scoped3A = tpu.sem_alloc : memref<!tpu.dma_semaphore, #tpu.memory_space<semaphore_mem>>
        %dma_start3A = arith.constant 0 : i32
        %dma_start3A_24 = arith.constant 0 : i32
        %dma_start3A_25 = tpu.memref_slice %arg8[%dma_start3A, %dma_start3A_24] : memref<10240x16xf32, #tpu.memory_space<vmem_shared>> -> memref<10240x16xf32, #tpu.memory_space<vmem_shared>>
        tpu.enqueue_indirect_dma source(%arg7 : memref<512x16xf32, #tpu.memory_space<vmem>>) target(%dma_start3A_25 : memref<10240x16xf32, #tpu.memory_space<vmem_shared>>) offsets(%arg6 : memref<512xi32, #tpu.memory_space<vmem>>) semaphore(%run_scoped3A : memref<!tpu.dma_semaphore, #tpu.memory_space<semaphore_mem>>) {add = true}
        %dma_wait3A = arith.constant 0 : i32
        %dma_wait3A_26 = arith.constant 0 : i32
        %dma_wait3A_27 = tpu.memref_slice %arg8[%dma_wait3A, %dma_wait3A_26] : memref<10240x16xf32, #tpu.memory_space<vmem_shared>> -> memref<10240x16xf32, #tpu.memory_space<vmem_shared>>
        tpu.wait_indirect_dma semaphore(%run_scoped3A : memref<!tpu.dma_semaphore, #tpu.memory_space<semaphore_mem>>) src(%arg7 : memref<512x16xf32, #tpu.memory_space<vmem>>) dst(%dma_wait3A_27 : memref<10240x16xf32, #tpu.memory_space<vmem_shared>>)
        tpu.yield
      }) : () -> ()
      %scan3A_23 = arith.constant 0 : i32
      scf.yield %scan3A_23 : i32
    }
    %scan3A_12 = arith.constant 10 : i32
    %barrier3A_13 = arith.constant 0 : index
    tpu.barrier barrier_id(%barrier3A_13)
    %mul3A_14 = arith.constant 640 : i32
    %mul3A_15 = arith.muli %arg1, %mul3A_14 : i32
    %mul3A_16 = arith.constant 640 : i32
    %mul3A_17 = arith.muli %arg1, %mul3A_16 : i32
    "tpu.region"() ({
      %run_scoped3A = tpu.sem_alloc : memref<!tpu.dma_semaphore, #tpu.memory_space<semaphore_mem>>
      %dma_start3A = arith.constant 0 : i32
      %dma_start3A_18 = tpu.memref_slice %arg5[%arg0, %mul3A_17, %dma_start3A] : memref<2x10240x16xf32, #tpu.memory_space<hbm>> -> memref<1x640x16xf32, #tpu.memory_space<hbm>>
      %dma_start3A_19 = tpu.memref_squeeze %dma_start3A_18 : memref<1x640x16xf32, #tpu.memory_space<hbm>> -> memref<640x16xf32, #tpu.memory_space<hbm>>
      %dma_start3A_20 = arith.constant 0 : i32
      %dma_start3A_21 = tpu.memref_slice %arg8[%mul3A_15, %dma_start3A_20] : memref<10240x16xf32, #tpu.memory_space<vmem_shared>> -> memref<640x16xf32, #tpu.memory_space<vmem_shared>>
      tpu.enqueue_dma source(%dma_start3A_21 : memref<640x16xf32, #tpu.memory_space<vmem_shared>>) target(%dma_start3A_19 : memref<640x16xf32, #tpu.memory_space<hbm>>) target_semaphore(%run_scoped3A : memref<!tpu.dma_semaphore, #tpu.memory_space<semaphore_mem>>)
      %dma_wait3A = arith.constant 0 : i32
      %dma_wait3A_22 = tpu.memref_slice %arg5[%arg0, %mul3A_17, %dma_wait3A] : memref<2x10240x16xf32, #tpu.memory_space<hbm>> -> memref<1x640x16xf32, #tpu.memory_space<hbm>>
      %dma_wait3A_23 = tpu.memref_squeeze %dma_wait3A_22 : memref<1x640x16xf32, #tpu.memory_space<hbm>> -> memref<640x16xf32, #tpu.memory_space<hbm>>
      %dma_wait3A_24 = arith.constant 0 : i32
      %dma_wait3A_25 = tpu.memref_slice %arg8[%mul3A_15, %dma_wait3A_24] : memref<10240x16xf32, #tpu.memory_space<vmem_shared>> -> memref<640x16xf32, #tpu.memory_space<vmem_shared>>
      tpu.wait_dma2 semaphore(%run_scoped3A : memref<!tpu.dma_semaphore, #tpu.memory_space<semaphore_mem>>) src(%dma_wait3A_25 : memref<640x16xf32, #tpu.memory_space<vmem_shared>>) dst(%dma_wait3A_23 : memref<640x16xf32, #tpu.memory_space<hbm>>)
      tpu.yield
    }) : () -> ()
    return
  }
}

module attributes {stable_mosaic.version = 14 : i64} {
  func.func @_edge_dense_body(%arg0: i32, %arg1: memref<2048x32xf32, #tpu.memory_space<vmem>>, %arg2: memref<2048x16xf32, #tpu.memory_space<vmem>>, %arg3: memref<16x16xf32, #tpu.memory_space<vmem>>, %arg4: memref<16x16xf32, #tpu.memory_space<vmem>>, %arg5: memref<32x32xf32, #tpu.memory_space<vmem>>, %arg6: memref<32x256xf32, #tpu.memory_space<vmem>>, %arg7: memref<32x32xf32, #tpu.memory_space<vmem>>, %arg8: memref<32x256xf32, #tpu.memory_space<vmem>>, %arg9: memref<2048x1xf32, #tpu.memory_space<vmem>>, %arg10: memref<2048x16xf32, #tpu.memory_space<vmem>>) attributes {dimension_semantics = [#tpu.dimension_semantics<arbitrary>], iteration_bounds = array<i64: 80>, scalar_prefetch = 0 : i64, scratch_operands = 0 : i64, tpu.core_type = #tpu.core_type<tc>, window_params = [{transform_indices = @transform_0, window_bounds = array<i64: 2048, 32>}, {transform_indices = @transform_1, window_bounds = array<i64: 2048, 16>}, {pipeline_mode = #tpu.pipeline_mode<synchronous>, transform_indices = @transform_2, window_bounds = array<i64: 16, 16>}, {pipeline_mode = #tpu.pipeline_mode<synchronous>, transform_indices = @transform_3, window_bounds = array<i64: 16, 16>}, {pipeline_mode = #tpu.pipeline_mode<synchronous>, transform_indices = @transform_4, window_bounds = array<i64: 32, 32>}, {pipeline_mode = #tpu.pipeline_mode<synchronous>, transform_indices = @transform_5, window_bounds = array<i64: 32, 256>}, {pipeline_mode = #tpu.pipeline_mode<synchronous>, transform_indices = @transform_6, window_bounds = array<i64: 32, 32>}, {pipeline_mode = #tpu.pipeline_mode<synchronous>, transform_indices = @transform_7, window_bounds = array<i64: 32, 256>}, {transform_indices = @transform_8, window_bounds = array<i64: 2048, 1>}, {transform_indices = @transform_9, window_bounds = array<i64: 2048, 16>}]} {
    %get3A = arith.constant 0 : index
    %get3A_0 = arith.constant 0 : index
    %get3A_1 = vector.load %arg1[%get3A, %get3A_0] : memref<2048x32xf32, #tpu.memory_space<vmem>>, vector<2048x32xf32>
    %slice3A = vector.extract_strided_slice %get3A_1 {offsets = [0, 0], sizes = [2048, 16], strides = [1, 1]} : vector<2048x32xf32> to vector<2048x16xf32>
    %slice3A_2 = vector.extract_strided_slice %get3A_1 {offsets = [0, 16], sizes = [2048, 3], strides = [1, 1]} : vector<2048x32xf32> to vector<2048x3xf32>
    %get3A_3 = arith.constant 0 : index
    %get3A_4 = arith.constant 0 : index
    %get3A_5 = vector.load %arg2[%get3A_3, %get3A_4] : memref<2048x16xf32, #tpu.memory_space<vmem>>, vector<2048x16xf32>
    %slice3A_6 = vector.extract_strided_slice %get3A_5 {offsets = [0, 0], sizes = [2048, 3], strides = [1, 1]} : vector<2048x16xf32> to vector<2048x3xf32>
    %sub3A = arith.subf %slice3A_2, %slice3A_6 : vector<2048x3xf32>
    %mul3A = arith.mulf %sub3A, %sub3A : vector<2048x3xf32>
    %reduce_sum3A = arith.constant dense<0.000000e+00> : vector<2048xf32>
    %reduce_sum3A_7 = vector.multi_reduction <add>, %mul3A, %reduce_sum3A [1] : vector<2048x3xf32> to vector<2048xf32>
    %broadcast_in_dim3A = vector.shape_cast %reduce_sum3A_7 : vector<2048xf32> to vector<2048x1xf32>
    %gt3A = arith.constant 0.000000e+00 : f32
    %gt3A_8 = vector.broadcast %gt3A : f32 to vector<2048x1xf32>
    %gt3A_9 = arith.cmpf ogt, %broadcast_in_dim3A, %gt3A_8 : vector<2048x1xf32>
    %jit3A = arith.constant 1.000000e+00 : f32
    %broadcast_in_dim3A_10 = vector.broadcast %jit3A : f32 to vector<2048x1xf32>
    %select_n3A = arith.select %gt3A_9, %broadcast_in_dim3A, %broadcast_in_dim3A_10 : vector<2048x1xi1>, vector<2048x1xf32>
    %sqrt3A = math.sqrt %select_n3A : vector<2048x1xf32>
    %jit3A_11 = arith.constant 0.000000e+00 : f32
    %broadcast_in_dim3A_12 = vector.broadcast %jit3A_11 : f32 to vector<2048x1xf32>
    %select_n3A_13 = arith.select %gt3A_9, %sqrt3A, %broadcast_in_dim3A_12 : vector<2048x1xi1>, vector<2048x1xf32>
    %jit3A_14 = arith.constant 1.000000e+00 : f32
    %broadcast_in_dim3A_15 = vector.broadcast %jit3A_14 : f32 to vector<2048x1xf32>
    %select_n3A_16 = arith.select %gt3A_9, %select_n3A_13, %broadcast_in_dim3A_15 : vector<2048x1xi1>, vector<2048x1xf32>
    %iota3A = tpu.iota {dimensions = array<i32: 1>} : vector<1x32xi32>
    %add3A = arith.constant 1 : i32
    %add3A_17 = vector.broadcast %add3A : i32 to vector<1x32xi32>
    %add3A_18 = arith.addi %iota3A, %add3A_17 : vector<1x32xi32>
    %convert_element_type3A = arith.sitofp %add3A_18 : vector<1x32xi32> to vector<1x32xf32>
    %mul3A_19 = arith.constant 1.2566371 : f32
    %mul3A_20 = vector.broadcast %mul3A_19 : f32 to vector<1x32xf32>
    %mul3A_21 = arith.mulf %convert_element_type3A, %mul3A_20 : vector<1x32xf32>
    %mul3A_22 = vector.broadcast %mul3A_21 : vector<1x32xf32> to vector<2048x32xf32>
    %mul3A_23 = vector.broadcast %select_n3A_16 : vector<2048x1xf32> to vector<2048x32xf32>
    %mul3A_24 = arith.mulf %mul3A_22, %mul3A_23 : vector<2048x32xf32>
    %mul3A_25 = arith.constant 0.318309873 : f32
    %mul3A_26 = vector.broadcast %mul3A_25 : f32 to vector<2048x32xf32>
    %mul3A_27 = arith.mulf %mul3A_24, %mul3A_26 : vector<2048x32xf32>
    %round3A = math.roundeven %mul3A_27 : vector<2048x32xf32>
    %mul3A_28 = arith.constant 3.140625 : f32
    %mul3A_29 = vector.broadcast %mul3A_28 : f32 to vector<2048x32xf32>
    %mul3A_30 = arith.mulf %round3A, %mul3A_29 : vector<2048x32xf32>
    %sub3A_31 = arith.subf %mul3A_24, %mul3A_30 : vector<2048x32xf32>
    %mul3A_32 = arith.constant 9.67653584E-4 : f32
    %mul3A_33 = vector.broadcast %mul3A_32 : f32 to vector<2048x32xf32>
    %mul3A_34 = arith.mulf %round3A, %mul3A_33 : vector<2048x32xf32>
    %sub3A_35 = arith.subf %sub3A_31, %mul3A_34 : vector<2048x32xf32>
    %convert_element_type3A_36 = arith.fptosi %round3A : vector<2048x32xf32> to vector<2048x32xi32>
    %and3A = arith.constant 1 : i32
    %and3A_37 = vector.broadcast %and3A : i32 to vector<2048x32xi32>
    %and3A_38 = arith.andi %convert_element_type3A_36, %and3A_37 : vector<2048x32xi32>
    %eq3A = arith.constant 0 : i32
    %eq3A_39 = vector.broadcast %eq3A : i32 to vector<2048x32xi32>
    %eq3A_40 = arith.cmpi eq, %and3A_38, %eq3A_39 : vector<2048x32xi32>
    %jit3A_41 = arith.constant 1.000000e+00 : f32
    %jit3A_42 = arith.constant -1.000000e+00 : f32
    %broadcast_in_dim3A_43 = vector.broadcast %jit3A_41 : f32 to vector<2048x32xf32>
    %broadcast_in_dim3A_44 = vector.broadcast %jit3A_42 : f32 to vector<2048x32xf32>
    %select_n3A_45 = arith.select %eq3A_40, %broadcast_in_dim3A_43, %broadcast_in_dim3A_44 : vector<2048x32xi1>, vector<2048x32xf32>
    %mul3A_46 = arith.mulf %sub3A_35, %sub3A_35 : vector<2048x32xf32>
    %mul3A_47 = arith.constant -2.50521079E-8 : f32
    %mul3A_48 = vector.broadcast %mul3A_47 : f32 to vector<2048x32xf32>
    %mul3A_49 = arith.mulf %mul3A_48, %mul3A_46 : vector<2048x32xf32>
    %add3A_50 = arith.constant 2.75573188E-6 : f32
    %add3A_51 = vector.broadcast %add3A_50 : f32 to vector<2048x32xf32>
    %add3A_52 = arith.addf %mul3A_49, %add3A_51 : vector<2048x32xf32>
    %mul3A_53 = arith.mulf %add3A_52, %mul3A_46 : vector<2048x32xf32>
    %add3A_54 = arith.constant -1.98412701E-4 : f32
    %add3A_55 = vector.broadcast %add3A_54 : f32 to vector<2048x32xf32>
    %add3A_56 = arith.addf %mul3A_53, %add3A_55 : vector<2048x32xf32>
    %mul3A_57 = arith.mulf %add3A_56, %mul3A_46 : vector<2048x32xf32>
    %add3A_58 = arith.constant 0.00833333377 : f32
    %add3A_59 = vector.broadcast %add3A_58 : f32 to vector<2048x32xf32>
    %add3A_60 = arith.addf %mul3A_57, %add3A_59 : vector<2048x32xf32>
    %mul3A_61 = arith.mulf %add3A_60, %mul3A_46 : vector<2048x32xf32>
    %add3A_62 = arith.constant -0.166666672 : f32
    %add3A_63 = vector.broadcast %add3A_62 : f32 to vector<2048x32xf32>
    %add3A_64 = arith.addf %mul3A_61, %add3A_63 : vector<2048x32xf32>
    %mul3A_65 = arith.mulf %add3A_64, %mul3A_46 : vector<2048x32xf32>
    %add3A_66 = arith.constant 1.000000e+00 : f32
    %add3A_67 = vector.broadcast %add3A_66 : f32 to vector<2048x32xf32>
    %add3A_68 = arith.addf %mul3A_65, %add3A_67 : vector<2048x32xf32>
    %mul3A_69 = arith.mulf %select_n3A_45, %sub3A_35 : vector<2048x32xf32>
    %mul3A_70 = arith.mulf %mul3A_69, %add3A_68 : vector<2048x32xf32>
    %sqrt3A_71 = arith.constant 8.000000e-01 : f32
    %sqrt3A_72 = math.sqrt %sqrt3A_71 : f32
    %mul3A_73 = vector.broadcast %sqrt3A_72 : f32 to vector<2048x32xf32>
    %mul3A_74 = arith.mulf %mul3A_73, %mul3A_70 : vector<2048x32xf32>
    %div3A = vector.broadcast %select_n3A_16 : vector<2048x1xf32> to vector<2048x32xf32>
    %div3A_75 = arith.divf %mul3A_74, %div3A : vector<2048x32xf32>
    %lt3A = arith.constant 2.500000e+00 : f32
    %lt3A_76 = vector.broadcast %lt3A : f32 to vector<2048x1xf32>
    %lt3A_77 = arith.cmpf olt, %select_n3A_13, %lt3A_76 : vector<2048x1xf32>
    %and3A_78 = arith.andi %gt3A_9, %lt3A_77 : vector<2048x1xi1>
    %mul3A_79 = arith.constant 5.65685415 : f32
    %mul3A_80 = vector.broadcast %mul3A_79 : f32 to vector<2048x32xf32>
    %mul3A_81 = arith.mulf %div3A_75, %mul3A_80 : vector<2048x32xf32>
    %jit3A_82 = arith.constant 0.000000e+00 : f32
    %broadcast_in_dim3A_83 = vector.shape_cast %and3A_78 : vector<2048x1xi1> to vector<2048x1xi1>
    %broadcast_in_dim3A_84 = vector.broadcast %broadcast_in_dim3A_83 : vector<2048x1xi1> to vector<2048x32xi1>
    %broadcast_in_dim3A_85 = vector.broadcast %jit3A_82 : f32 to vector<2048x32xf32>
    %select_n3A_86 = arith.select %broadcast_in_dim3A_84, %mul3A_81, %broadcast_in_dim3A_85 : vector<2048x32xi1>, vector<2048x32xf32>
    %div3A_87 = arith.constant 2.500000e+00 : f32
    %div3A_88 = vector.broadcast %div3A_87 : f32 to vector<2048x1xf32>
    %div3A_89 = arith.divf %select_n3A_13, %div3A_88 : vector<2048x1xf32>
    %sub3A_90 = arith.constant 1.000000e+00 : f32
    %sub3A_91 = vector.broadcast %sub3A_90 : f32 to vector<2048x1xf32>
    %sub3A_92 = arith.subf %sub3A_91, %div3A_89 : vector<2048x1xf32>
    %mul3A_93 = arith.constant 1.000000e+01 : f32
    %mul3A_94 = vector.broadcast %mul3A_93 : f32 to vector<2048x1xf32>
    %mul3A_95 = arith.mulf %mul3A_94, %sub3A_92 : vector<2048x1xf32>
    %gt3A_96 = arith.constant 0.000000e+00 : f32
    %gt3A_97 = vector.broadcast %gt3A_96 : f32 to vector<2048x1xf32>
    %gt3A_98 = arith.cmpf ogt, %mul3A_95, %gt3A_97 : vector<2048x1xf32>
    %jit3A_99 = arith.constant 1.000000e+00 : f32
    %broadcast_in_dim3A_100 = vector.broadcast %jit3A_99 : f32 to vector<2048x1xf32>
    %select_n3A_101 = arith.select %gt3A_98, %mul3A_95, %broadcast_in_dim3A_100 : vector<2048x1xi1>, vector<2048x1xf32>
    %gt3A_102 = arith.constant 0.000000e+00 : f32
    %gt3A_103 = vector.broadcast %gt3A_102 : f32 to vector<2048x1xf32>
    %gt3A_104 = arith.cmpf ogt, %mul3A_95, %gt3A_103 : vector<2048x1xf32>
    %div3A_105 = arith.constant -1.000000e+00 : f32
    %div3A_106 = vector.broadcast %div3A_105 : f32 to vector<2048x1xf32>
    %div3A_107 = arith.divf %div3A_106, %select_n3A_101 : vector<2048x1xf32>
    %exp3A = math.exp %div3A_107 : vector<2048x1xf32>
    %jit3A_108 = arith.constant 0.000000e+00 : f32
    %broadcast_in_dim3A_109 = vector.broadcast %jit3A_108 : f32 to vector<2048x1xf32>
    %select_n3A_110 = arith.select %gt3A_104, %exp3A, %broadcast_in_dim3A_109 : vector<2048x1xi1>, vector<2048x1xf32>
    %sqrt3A_111 = arith.constant 3.200000e+01 : f32
    %sqrt3A_112 = math.sqrt %sqrt3A_111 : f32
    %div3A_113 = arith.constant 1.000000e+00 : f32
    %div3A_114 = arith.divf %div3A_113, %sqrt3A_112 : f32
    %sqrt3A_115 = arith.constant 3.200000e+01 : f32
    %sqrt3A_116 = math.sqrt %sqrt3A_115 : f32
    %div3A_117 = arith.constant 1.000000e+00 : f32
    %div3A_118 = arith.divf %div3A_117, %sqrt3A_116 : f32
    %iota3A_119 = tpu.iota {dimensions = array<i32: 1>} : vector<16x256xi32>
    %iota3A_120 = tpu.iota {dimensions = array<i32: 0>} : vector<16x256xi32>
    %jit3A_121 = arith.constant 16 : i32
    %div3A_122 = vector.broadcast %jit3A_121 : i32 to vector<16x256xi32>
    %div3A_123 = arith.divsi %iota3A_119, %div3A_122 : vector<16x256xi32>
    %sign3A = arith.constant 0 : i32
    %sign3A_124 = vector.broadcast %sign3A : i32 to vector<16x256xi32>
    %sign3A_125 = arith.cmpi sgt, %iota3A_119, %sign3A_124 : vector<16x256xi32>
    %sign3A_126 = arith.extui %sign3A_125 : vector<16x256xi1> to vector<16x256xi32>
    %sign3A_127 = arith.constant 0 : i32
    %sign3A_128 = vector.broadcast %sign3A_127 : i32 to vector<16x256xi32>
    %sign3A_129 = arith.cmpi slt, %iota3A_119, %sign3A_128 : vector<16x256xi32>
    %sign3A_130 = arith.extui %sign3A_129 : vector<16x256xi1> to vector<16x256xi32>
    %sign3A_131 = arith.subi %sign3A_126, %sign3A_130 : vector<16x256xi32>
    %sign3A_132 = arith.constant 0 : i32
    %sign3A_133 = arith.cmpi sgt, %jit3A_121, %sign3A_132 : i32
    %sign3A_134 = arith.extui %sign3A_133 : i1 to i32
    %sign3A_135 = arith.constant 0 : i32
    %sign3A_136 = arith.cmpi slt, %jit3A_121, %sign3A_135 : i32
    %sign3A_137 = arith.extui %sign3A_136 : i1 to i32
    %sign3A_138 = arith.subi %sign3A_134, %sign3A_137 : i32
    %ne3A = vector.broadcast %sign3A_138 : i32 to vector<16x256xi32>
    %ne3A_139 = arith.cmpi ne, %sign3A_131, %ne3A : vector<16x256xi32>
    %rem3A = vector.broadcast %jit3A_121 : i32 to vector<16x256xi32>
    %rem3A_140 = arith.remsi %iota3A_119, %rem3A : vector<16x256xi32>
    %ne3A_141 = arith.constant 0 : i32
    %ne3A_142 = vector.broadcast %ne3A_141 : i32 to vector<16x256xi32>
    %ne3A_143 = arith.cmpi ne, %rem3A_140, %ne3A_142 : vector<16x256xi32>
    %and3A_144 = arith.andi %ne3A_139, %ne3A_143 : vector<16x256xi1>
    %sub3A_145 = arith.constant 1 : i32
    %sub3A_146 = vector.broadcast %sub3A_145 : i32 to vector<16x256xi32>
    %sub3A_147 = arith.subi %div3A_123, %sub3A_146 : vector<16x256xi32>
    %select_n3A_148 = arith.select %and3A_144, %sub3A_147, %div3A_123 : vector<16x256xi1>, vector<16x256xi32>
    %eq3A_149 = arith.cmpi eq, %select_n3A_148, %iota3A_120 : vector<16x256xi32>
    %convert_element_type3A_150 = arith.extui %eq3A_149 : vector<16x256xi1> to vector<16x256xi32>
    %convert_element_type3A_151 = arith.sitofp %convert_element_type3A_150 : vector<16x256xi32> to vector<16x256xf32>
    %iota3A_152 = tpu.iota {dimensions = array<i32: 0>} : vector<256x16xi32>
    %iota3A_153 = tpu.iota {dimensions = array<i32: 1>} : vector<256x16xi32>
    %jit3A_154 = arith.constant 16 : i32
    %eq3A_155 = arith.constant 0 : i32
    %eq3A_156 = arith.cmpi eq, %jit3A_154, %eq3A_155 : i32
    %jit3A_157 = arith.constant 1 : i32
    %select_n3A_158 = arith.select %eq3A_156, %jit3A_157, %jit3A_154 : i32
    %rem3A_159 = vector.broadcast %select_n3A_158 : i32 to vector<256x16xi32>
    %rem3A_160 = arith.remsi %iota3A_152, %rem3A_159 : vector<256x16xi32>
    %ne3A_161 = arith.constant 0 : i32
    %ne3A_162 = vector.broadcast %ne3A_161 : i32 to vector<256x16xi32>
    %ne3A_163 = arith.cmpi ne, %rem3A_160, %ne3A_162 : vector<256x16xi32>
    %lt3A_164 = arith.constant 0 : i32
    %lt3A_165 = vector.broadcast %lt3A_164 : i32 to vector<256x16xi32>
    %lt3A_166 = arith.cmpi slt, %rem3A_160, %lt3A_165 : vector<256x16xi32>
    %lt3A_167 = arith.constant 0 : i32
    %lt3A_168 = arith.cmpi slt, %select_n3A_158, %lt3A_167 : i32
    %ne3A_169 = vector.broadcast %lt3A_168 : i1 to vector<256x16xi1>
    %ne3A_170 = vector.broadcast %ne3A_169 : vector<256x16xi1> to vector<256x16xi1>
    %ne3A_171 = arith.xori %lt3A_166, %ne3A_170 : vector<256x16xi1>
    %and3A_172 = arith.andi %ne3A_171, %ne3A_163 : vector<256x16xi1>
    %add3A_173 = vector.broadcast %select_n3A_158 : i32 to vector<256x16xi32>
    %add3A_174 = arith.addi %rem3A_160, %add3A_173 : vector<256x16xi32>
    %select_n3A_175 = arith.select %and3A_172, %add3A_174, %rem3A_160 : vector<256x16xi1>, vector<256x16xi32>
    %eq3A_176 = arith.cmpi eq, %select_n3A_175, %iota3A_153 : vector<256x16xi32>
    %convert_element_type3A_177 = arith.extui %eq3A_176 : vector<256x16xi1> to vector<256x16xi32>
    %convert_element_type3A_178 = arith.sitofp %convert_element_type3A_177 : vector<256x16xi32> to vector<256x16xf32>
    %dot_general3A = arith.constant dense<0.000000e+00> : vector<2048x256xf32>
    %dot_general3A_179 = tpu.matmul %slice3A, %convert_element_type3A_151, %dot_general3A {dimension_numbers = #tpu.dot_dimension_numbers<[1], [0], [0], [1], [0, 0, 1, 1], [], []>, precision = #tpu.contract_precision<fp32>, transpose_lhs_hint = false} : vector<2048x16xf32>, vector<16x256xf32>, vector<2048x256xf32> -> vector<2048x256xf32>
    %get3A_180 = arith.constant 0 : index
    %get3A_181 = arith.constant 0 : index
    %get3A_182 = vector.load %arg5[%get3A_180, %get3A_181] : memref<32x32xf32, #tpu.memory_space<vmem>>, vector<32x32xf32>
    %dot_general3A_183 = arith.constant dense<0.000000e+00> : vector<2048x32xf32>
    %dot_general3A_184 = tpu.matmul %select_n3A_86, %get3A_182, %dot_general3A_183 {dimension_numbers = #tpu.dot_dimension_numbers<[1], [0], [0], [1], [0, 0, 1, 1], [], []>, transpose_lhs_hint = false} : vector<2048x32xf32>, vector<32x32xf32>, vector<2048x32xf32> -> vector<2048x32xf32>
    %mul3A_185 = vector.broadcast %div3A_118 : f32 to vector<2048x32xf32>
    %mul3A_186 = arith.mulf %dot_general3A_184, %mul3A_185 : vector<2048x32xf32>
    %logistic3A = arith.negf %mul3A_186 : vector<2048x32xf32>
    %logistic3A_187 = math.exp %logistic3A : vector<2048x32xf32>
    %logistic3A_188 = arith.constant 1.000000e+00 : f32
    %logistic3A_189 = vector.broadcast %logistic3A_188 : f32 to vector<2048x32xf32>
    %logistic3A_190 = arith.addf %logistic3A_189, %logistic3A_187 : vector<2048x32xf32>
    %logistic3A_191 = arith.divf %logistic3A_189, %logistic3A_190 : vector<2048x32xf32>
    %mul3A_192 = arith.mulf %mul3A_186, %logistic3A_191 : vector<2048x32xf32>
    %mul3A_193 = arith.constant 1.679000e+00 : f32
    %mul3A_194 = vector.broadcast %mul3A_193 : f32 to vector<2048x32xf32>
    %mul3A_195 = arith.mulf %mul3A_194, %mul3A_192 : vector<2048x32xf32>
    %get3A_196 = arith.constant 0 : index
    %get3A_197 = arith.constant 0 : index
    %get3A_198 = vector.load %arg6[%get3A_196, %get3A_197] : memref<32x256xf32, #tpu.memory_space<vmem>>, vector<32x256xf32>
    %dot_general3A_199 = arith.constant dense<0.000000e+00> : vector<2048x256xf32>
    %dot_general3A_200 = tpu.matmul %mul3A_195, %get3A_198, %dot_general3A_199 {dimension_numbers = #tpu.dot_dimension_numbers<[1], [0], [0], [1], [0, 0, 1, 1], [], []>, transpose_lhs_hint = false} : vector<2048x32xf32>, vector<32x256xf32>, vector<2048x256xf32> -> vector<2048x256xf32>
    %mul3A_201 = vector.broadcast %div3A_114 : f32 to vector<2048x256xf32>
    %mul3A_202 = arith.mulf %dot_general3A_200, %mul3A_201 : vector<2048x256xf32>
    %mul3A_203 = arith.mulf %dot_general3A_179, %mul3A_202 : vector<2048x256xf32>
    %dot_general3A_204 = arith.constant dense<0.000000e+00> : vector<2048x16xf32>
    %dot_general3A_205 = tpu.matmul %mul3A_203, %convert_element_type3A_178, %dot_general3A_204 {dimension_numbers = #tpu.dot_dimension_numbers<[1], [0], [0], [1], [0, 0, 1, 1], [], []>, precision = #tpu.contract_precision<fp32>, transpose_lhs_hint = false} : vector<2048x256xf32>, vector<256x16xf32>, vector<2048x16xf32> -> vector<2048x16xf32>
    %mul3A_206 = arith.constant 2.500000e-01 : f32
    %mul3A_207 = vector.broadcast %mul3A_206 : f32 to vector<2048x16xf32>
    %mul3A_208 = arith.mulf %dot_general3A_205, %mul3A_207 : vector<2048x16xf32>
    %get3A_209 = arith.constant 0 : index
    %get3A_210 = arith.constant 0 : index
    %get3A_211 = vector.load %arg7[%get3A_209, %get3A_210] : memref<32x32xf32, #tpu.memory_space<vmem>>, vector<32x32xf32>
    %dot_general3A_212 = arith.constant dense<0.000000e+00> : vector<2048x32xf32>
    %dot_general3A_213 = tpu.matmul %select_n3A_86, %get3A_211, %dot_general3A_212 {dimension_numbers = #tpu.dot_dimension_numbers<[1], [0], [0], [1], [0, 0, 1, 1], [], []>, transpose_lhs_hint = false} : vector<2048x32xf32>, vector<32x32xf32>, vector<2048x32xf32> -> vector<2048x32xf32>
    %mul3A_214 = vector.broadcast %div3A_118 : f32 to vector<2048x32xf32>
    %mul3A_215 = arith.mulf %dot_general3A_213, %mul3A_214 : vector<2048x32xf32>
    %logistic3A_216 = arith.negf %mul3A_215 : vector<2048x32xf32>
    %logistic3A_217 = math.exp %logistic3A_216 : vector<2048x32xf32>
    %logistic3A_218 = arith.constant 1.000000e+00 : f32
    %logistic3A_219 = vector.broadcast %logistic3A_218 : f32 to vector<2048x32xf32>
    %logistic3A_220 = arith.addf %logistic3A_219, %logistic3A_217 : vector<2048x32xf32>
    %logistic3A_221 = arith.divf %logistic3A_219, %logistic3A_220 : vector<2048x32xf32>
    %mul3A_222 = arith.mulf %mul3A_215, %logistic3A_221 : vector<2048x32xf32>
    %mul3A_223 = arith.constant 1.679000e+00 : f32
    %mul3A_224 = vector.broadcast %mul3A_223 : f32 to vector<2048x32xf32>
    %mul3A_225 = arith.mulf %mul3A_224, %mul3A_222 : vector<2048x32xf32>
    %get3A_226 = arith.constant 0 : index
    %get3A_227 = arith.constant 0 : index
    %get3A_228 = vector.load %arg8[%get3A_226, %get3A_227] : memref<32x256xf32, #tpu.memory_space<vmem>>, vector<32x256xf32>
    %dot_general3A_229 = arith.constant dense<0.000000e+00> : vector<2048x256xf32>
    %dot_general3A_230 = tpu.matmul %mul3A_225, %get3A_228, %dot_general3A_229 {dimension_numbers = #tpu.dot_dimension_numbers<[1], [0], [0], [1], [0, 0, 1, 1], [], []>, transpose_lhs_hint = false} : vector<2048x32xf32>, vector<32x256xf32>, vector<2048x256xf32> -> vector<2048x256xf32>
    %mul3A_231 = vector.broadcast %div3A_114 : f32 to vector<2048x256xf32>
    %mul3A_232 = arith.mulf %dot_general3A_230, %mul3A_231 : vector<2048x256xf32>
    %mul3A_233 = arith.mulf %dot_general3A_179, %mul3A_232 : vector<2048x256xf32>
    %dot_general3A_234 = arith.constant dense<0.000000e+00> : vector<2048x16xf32>
    %dot_general3A_235 = tpu.matmul %mul3A_233, %convert_element_type3A_178, %dot_general3A_234 {dimension_numbers = #tpu.dot_dimension_numbers<[1], [0], [0], [1], [0, 0, 1, 1], [], []>, precision = #tpu.contract_precision<fp32>, transpose_lhs_hint = false} : vector<2048x256xf32>, vector<256x16xf32>, vector<2048x16xf32> -> vector<2048x16xf32>
    %mul3A_236 = arith.constant 2.500000e-01 : f32
    %mul3A_237 = vector.broadcast %mul3A_236 : f32 to vector<2048x16xf32>
    %mul3A_238 = arith.mulf %dot_general3A_235, %mul3A_237 : vector<2048x16xf32>
    %get3A_239 = arith.constant 0 : index
    %get3A_240 = arith.constant 0 : index
    %get3A_241 = vector.load %arg3[%get3A_239, %get3A_240] : memref<16x16xf32, #tpu.memory_space<vmem>>, vector<16x16xf32>
    %dot_general3A_242 = arith.constant dense<0.000000e+00> : vector<2048x16xf32>
    %dot_general3A_243 = tpu.matmul %slice3A, %get3A_241, %dot_general3A_242 {dimension_numbers = #tpu.dot_dimension_numbers<[1], [0], [0], [1], [0, 0, 1, 1], [], []>, transpose_lhs_hint = false} : vector<2048x16xf32>, vector<16x16xf32>, vector<2048x16xf32> -> vector<2048x16xf32>
    %mul3A_244 = arith.constant 2.500000e-01 : f32
    %mul3A_245 = vector.broadcast %mul3A_244 : f32 to vector<2048x16xf32>
    %mul3A_246 = arith.mulf %dot_general3A_243, %mul3A_245 : vector<2048x16xf32>
    %get3A_247 = arith.constant 0 : index
    %get3A_248 = arith.constant 0 : index
    %get3A_249 = vector.load %arg4[%get3A_247, %get3A_248] : memref<16x16xf32, #tpu.memory_space<vmem>>, vector<16x16xf32>
    %dot_general3A_250 = arith.constant dense<0.000000e+00> : vector<2048x16xf32>
    %dot_general3A_251 = tpu.matmul %mul3A_246, %get3A_249, %dot_general3A_250 {dimension_numbers = #tpu.dot_dimension_numbers<[1], [0], [0], [1], [0, 0, 1, 1], [], []>, transpose_lhs_hint = false} : vector<2048x16xf32>, vector<16x16xf32>, vector<2048x16xf32> -> vector<2048x16xf32>
    %mul3A_252 = arith.mulf %dot_general3A_251, %mul3A_208 : vector<2048x16xf32>
    %reduce_sum3A_253 = arith.constant dense<0.000000e+00> : vector<2048xf32>
    %reduce_sum3A_254 = vector.multi_reduction <add>, %mul3A_252, %reduce_sum3A_253 [1] : vector<2048x16xf32> to vector<2048xf32>
    %broadcast_in_dim3A_255 = vector.shape_cast %reduce_sum3A_254 : vector<2048xf32> to vector<2048x1xf32>
    %mul3A_256 = arith.constant 6.250000e-02 : f32
    %mul3A_257 = vector.broadcast %mul3A_256 : f32 to vector<2048x1xf32>
    %mul3A_258 = arith.mulf %broadcast_in_dim3A_255, %mul3A_257 : vector<2048x1xf32>
    %mul3A_259 = arith.mulf %select_n3A_110, %mul3A_258 : vector<2048x1xf32>
    %swap3A = arith.constant 0 : index
    %swap3A_260 = arith.constant 0 : index
    %swap3A_261 = vector.load %arg9[%swap3A, %swap3A_260] : memref<2048x1xf32, #tpu.memory_space<vmem>>, vector<2048x1xf32>
    tpu.vector_store %arg9[%swap3A, %swap3A_260], %mul3A_259 {strides = array<i32>} : memref<2048x1xf32, #tpu.memory_space<vmem>>, vector<2048x1xf32>,
    %swap3A_262 = arith.constant 0 : index
    %swap3A_263 = arith.constant 0 : index
    %swap3A_264 = vector.load %arg10[%swap3A_262, %swap3A_263] : memref<2048x16xf32, #tpu.memory_space<vmem>>, vector<2048x16xf32>
    tpu.vector_store %arg10[%swap3A_262, %swap3A_263], %mul3A_238 {strides = array<i32>} : memref<2048x16xf32, #tpu.memory_space<vmem>>, vector<2048x16xf32>,
    return
  }
  func.func @transform_0(%arg0: i32) -> (i32, i32) {
    %c0_i32 = arith.constant 0 : i32
    %c0_i32_0 = arith.constant 0 : i32
    return %arg0, %c0_i32 : i32, i32
  }
  func.func @transform_1(%arg0: i32) -> (i32, i32) {
    %c0_i32 = arith.constant 0 : i32
    %c0_i32_0 = arith.constant 0 : i32
    return %arg0, %c0_i32 : i32, i32
  }
  func.func @transform_2(%arg0: i32) -> (i32, i32) {
    %c0_i32 = arith.constant 0 : i32
    %c0_i32_0 = arith.constant 0 : i32
    %c0_i32_1 = arith.constant 0 : i32
    return %c0_i32, %c0_i32_0 : i32, i32
  }
  func.func @transform_3(%arg0: i32) -> (i32, i32) {
    %c0_i32 = arith.constant 0 : i32
    %c0_i32_0 = arith.constant 0 : i32
    %c0_i32_1 = arith.constant 0 : i32
    return %c0_i32, %c0_i32_0 : i32, i32
  }
  func.func @transform_4(%arg0: i32) -> (i32, i32) {
    %c0_i32 = arith.constant 0 : i32
    %c0_i32_0 = arith.constant 0 : i32
    %c0_i32_1 = arith.constant 0 : i32
    return %c0_i32, %c0_i32_0 : i32, i32
  }
  func.func @transform_5(%arg0: i32) -> (i32, i32) {
    %c0_i32 = arith.constant 0 : i32
    %c0_i32_0 = arith.constant 0 : i32
    %c0_i32_1 = arith.constant 0 : i32
    return %c0_i32, %c0_i32_0 : i32, i32
  }
  func.func @transform_6(%arg0: i32) -> (i32, i32) {
    %c0_i32 = arith.constant 0 : i32
    %c0_i32_0 = arith.constant 0 : i32
    %c0_i32_1 = arith.constant 0 : i32
    return %c0_i32, %c0_i32_0 : i32, i32
  }
  func.func @transform_7(%arg0: i32) -> (i32, i32) {
    %c0_i32 = arith.constant 0 : i32
    %c0_i32_0 = arith.constant 0 : i32
    %c0_i32_1 = arith.constant 0 : i32
    return %c0_i32, %c0_i32_0 : i32, i32
  }
  func.func @transform_8(%arg0: i32) -> (i32, i32) {
    %c0_i32 = arith.constant 0 : i32
    %c0_i32_0 = arith.constant 0 : i32
    return %arg0, %c0_i32 : i32, i32
  }
  func.func @transform_9(%arg0: i32) -> (i32, i32) {
    %c0_i32 = arith.constant 0 : i32
    %c0_i32_0 = arith.constant 0 : i32
    return %arg0, %c0_i32 : i32, i32
  }
}

module attributes {stable_mosaic.version = 14 : i64} {
  func.func @_scale_body(%arg0: i32, %arg1: memref<4096x1xf32, #tpu.memory_space<vmem>>, %arg2: memref<4096x16xf32, #tpu.memory_space<vmem>>, %arg3: memref<4096x16xf32, #tpu.memory_space<vmem>>) attributes {dimension_semantics = [#tpu.dimension_semantics<arbitrary>], iteration_bounds = array<i64: 40>, scalar_prefetch = 0 : i64, scratch_operands = 0 : i64, tpu.core_type = #tpu.core_type<tc>, window_params = [{transform_indices = @transform_0, window_bounds = array<i64: 4096, 1>}, {transform_indices = @transform_1, window_bounds = array<i64: 4096, 16>}, {transform_indices = @transform_2, window_bounds = array<i64: 4096, 16>}]} {
    %get3A = arith.constant 0 : index
    %get3A_0 = arith.constant 0 : index
    %get3A_1 = vector.load %arg1[%get3A, %get3A_0] : memref<4096x1xf32, #tpu.memory_space<vmem>>, vector<4096x1xf32>
    %get3A_2 = arith.constant 0 : index
    %get3A_3 = arith.constant 0 : index
    %get3A_4 = vector.load %arg2[%get3A_2, %get3A_3] : memref<4096x16xf32, #tpu.memory_space<vmem>>, vector<4096x16xf32>
    %mul3A = vector.broadcast %get3A_1 : vector<4096x1xf32> to vector<4096x16xf32>
    %mul3A_5 = arith.mulf %mul3A, %get3A_4 : vector<4096x16xf32>
    %mul3A_6 = arith.constant 6.250000e-02 : f32
    %mul3A_7 = vector.broadcast %mul3A_6 : f32 to vector<4096x16xf32>
    %mul3A_8 = arith.mulf %mul3A_5, %mul3A_7 : vector<4096x16xf32>
    %swap3A = arith.constant 0 : index
    %swap3A_9 = arith.constant 0 : index
    %swap3A_10 = vector.load %arg3[%swap3A, %swap3A_9] : memref<4096x16xf32, #tpu.memory_space<vmem>>, vector<4096x16xf32>
    tpu.vector_store %arg3[%swap3A, %swap3A_9], %mul3A_8 {strides = array<i32>} : memref<4096x16xf32, #tpu.memory_space<vmem>>, vector<4096x16xf32>,
    return
  }
  func.func @transform_0(%arg0: i32) -> (i32, i32) {
    %c0_i32 = arith.constant 0 : i32
    %c0_i32_0 = arith.constant 0 : i32
    return %arg0, %c0_i32 : i32, i32
  }
  func.func @transform_1(%arg0: i32) -> (i32, i32) {
    %c0_i32 = arith.constant 0 : i32
    %c0_i32_0 = arith.constant 0 : i32
    return %arg0, %c0_i32 : i32, i32
  }
  func.func @transform_2(%arg0: i32) -> (i32, i32) {
    %c0_i32 = arith.constant 0 : i32
    %c0_i32_0 = arith.constant 0 : i32
    return %arg0, %c0_i32 : i32, i32
  }
}

module attributes {stable_mosaic.version = 14 : i64} {
  func.func @_combine_body(%arg0: i32, %arg1: memref<2048x16xf32, #tpu.memory_space<vmem>>, %arg2: memref<2048x16xf32, #tpu.memory_space<vmem>>, %arg3: memref<2048x16xf32, #tpu.memory_space<vmem>>) attributes {dimension_semantics = [#tpu.dimension_semantics<arbitrary>], iteration_bounds = array<i64: 5>, scalar_prefetch = 0 : i64, scratch_operands = 0 : i64, tpu.core_type = #tpu.core_type<tc>, window_params = [{transform_indices = @transform_0, window_bounds = array<i64: 2048, 16>}, {transform_indices = @transform_1, window_bounds = array<i64: 2048, 16>}, {transform_indices = @transform_2, window_bounds = array<i64: 2048, 16>}]} {
    %get3A = arith.constant 0 : index
    %get3A_0 = arith.constant 0 : index
    %get3A_1 = vector.load %arg1[%get3A, %get3A_0] : memref<2048x16xf32, #tpu.memory_space<vmem>>, vector<2048x16xf32>
    %get3A_2 = arith.constant 0 : index
    %get3A_3 = arith.constant 0 : index
    %get3A_4 = vector.load %arg2[%get3A_2, %get3A_3] : memref<2048x16xf32, #tpu.memory_space<vmem>>, vector<2048x16xf32>
    %add3A = arith.addf %get3A_1, %get3A_4 : vector<2048x16xf32>
    %swap3A = arith.constant 0 : index
    %swap3A_5 = arith.constant 0 : index
    %swap3A_6 = vector.load %arg3[%swap3A, %swap3A_5] : memref<2048x16xf32, #tpu.memory_space<vmem>>, vector<2048x16xf32>
    tpu.vector_store %arg3[%swap3A, %swap3A_5], %add3A {strides = array<i32>} : memref<2048x16xf32, #tpu.memory_space<vmem>>, vector<2048x16xf32>,
    return
  }
  func.func @transform_0(%arg0: i32) -> (i32, i32) {
    %c0_i32 = arith.constant 0 : i32
    %c0_i32_0 = arith.constant 0 : i32
    return %arg0, %c0_i32 : i32, i32
  }
  func.func @transform_1(%arg0: i32) -> (i32, i32) {
    %c0_i32 = arith.constant 0 : i32
    %c0_i32_0 = arith.constant 0 : i32
    return %arg0, %c0_i32 : i32, i32
  }
  func.func @transform_2(%arg0: i32) -> (i32, i32) {
    %c0_i32 = arith.constant 0 : i32
    %c0_i32_0 = arith.constant 0 : i32
    return %arg0, %c0_i32 : i32, i32
  }
}

</mosaic_0001>

<sc_bundles>
// kernel: kernel.11.cloned.1.call-start
scs
__scs_entry_jumppad:
0x0: {  	(pc) =	sbr.rel $0x88, $3  }
0x1: {  	(tag) =	ssettag $0x0;
	lr =	simm.s32 $0x1  }
0x2: {  	[smem:$0x3F98] =	sst lr;
	_ =	strace $0xD0000000  }
0x3: {  	_ = 	snop  }
0x4: {  	_ = 	snop  }
0x5: {  	_ = 	snop  }
0x6: {  	_ = 	snop  }
0x7: {  	_ = 	snop  }
__scs_overlays_trampoline_lowered:
0x8: {  	[smem:$0x3FA7] =	sst s0  }
0x9: {  	[smem:$0x3FA8] =	sst s1  }
0xa: {  	[smem:$0x3FA9] =	sst s2  }
0xb: {  	[smem:$0x3FAA] =	sst s3  }
0xc: {  	[smem:$0x3FAB] =	sst s4  }
0xd: {  	[smem:$0x3FAC] =	sst s5  }
0xe: {  	[smem:$0x3FAD] =	sst s6  }
0xf: {  	[smem:$0x3FAE] =	sst s7  }
0x10: {  	[smem:$0x3FAF] =	sst s8  }
0x11: {  	[smem:$0x3FB0] =	sst s9;
	s0 =	simm.s32 @!p0 $0x0  }
0x12: {  	s1 =	sld [smem:$0x3F96];
	s0 =	simm.s32 @p0 $0x1  }
0x13: {  	[smem:$0x3FB1] =	sst s0;
	s0 =	simm.s32 @!p1 $0x0  }
0x14: {  	s2 =	sld [smem:$0x3F95];
	s0 =	simm.s32 @p1 $0x1  }
0x15: {  	[smem:$0x3FB2] =	sst s0;
	s0 =	simm.s32 @!p2 $0x0  }
0x16: {  	s3 =	sld [smem:$0x3FDB];
	s0 =	simm.s32 @p2 $0x1  }
0x17: {  	s4 =	simm.s32 $0x1BF5;
	[smem:$0x3FB4] =	sst s0  }
0x18: {  	s0 =	sld [smem:$0x3F97];
	_ =	swait.ge [sflag:s4], $0x0  }
0x19: {  	s7 =	sld [smem:$0x3F98]  }
0x1a: {  	s8 =	sadd.s32 $0xFFFFE003, lr  }
0x1b: {  	s9 =	sadd.s32 $0xFFFFFEF7, lr;
	s5 =	simm.s32 $0xFFFFFFFF;
	p2 =	slt.u32 s8, $0xFFFFF086  }
0x1c: {  	p1 =	slt.u32 s9, $0xF7A;
	s5 =	simm.s32 @!p2 $0x0  }
0x1d: {  	s5 =	simm.s32 @p1 $0x1;
	p0 =	seq.s32 s7, s2  }
0x1e: {  	s7 =	smul.u32 @!p0 $0xF7A, s2;
	p2 =	seq.s32 @!p0 s5, $0x0  }
0x1f: {  	s9 =	smul.u32 $0xF7A, s1;
	s8 =	simm.s32 @!p0 $0x1BF5;
	p2 =	por !p2, p0  }
0x20: {  	[sflag:s8] =	ssyncset.s32 @!p0 $0xFFFFF086;
	s6 =	sadd.s32 @!p0 s3, s7;
	s7 =	simm.s32 @!p0 $0x108  }
0x21: {  	s3 =	sadd.s32 s3, s9;
	s6 =	sadd.s32 @!p0 $0x88, s6;
	s7 =	simm.s32 @p2 $0x1082  }
0x22: {  	[simem:s7], [sflag:s8] =	dma.local @!p0 [hbm:s6], $0xF7A  }
0x23: {  	s9 =	sor.u32 $0xD0000000, s2;
	s6 =	simm.s32 $0x108;
	_ =	swait.ge @!p0 [sflag:s8], $0x0  }
0x24: {  	s3 =	sadd.s32 $0x88, s3;
	s6 =	simm.s32 @!p1 $0x1082;
	[sflag:s4] =	ssyncset.s32 $0xFFFFF086  }
0x25: {  	[simem:s6], [sflag:s4] =	dma.local [hbm:s3], $0xF7A  }
0x26: {  	[smem:$0x3F98] =	sst s1;
	(tag) =	ssettag s2;
	_ =	strace s9  }
0x27: {  	s1 =	sld [smem:$0x3FA8]  }
0x28: {  	s2 =	sld [smem:$0x3FA9]  }
0x29: {  	s4 =	sld [smem:$0x3FAB]  }
0x2a: {  	p0 =	seq.s32 s5, $0x0;
	s5 =	sld [smem:$0x3FAC]  }
0x2b: {  	s6 =	sld [smem:$0x3FAD]  }
0x2c: {  	s7 =	sld [smem:$0x3FAE]  }
0x2d: {  	s3 =	simm.s32 $0x108;
	s8 =	sld [smem:$0x3FAF]  }
0x2e: {  	s3 =	simm.s32 @!p0 $0x1082;
	s9 =	sld [smem:$0x3FB0]  }
0x2f: {  	lr =	sadd.s32 s0, s3;
	s0 =	sld [smem:$0x3FA7]  }
0x30: {  	s3 =	sld [smem:$0x3FAA]  }
0x31: {  	[smem:$0x3FB3] =	sst s10  }
0x32: {  	s10 =	sld [smem:$0x3FB1];
	_ =	sdelay $0x3  }
0x33: {  	p0 =	seq.s32 s10, $0x1;
	s10 =	sld [smem:$0x3FB3];
	_ =	sdelay $0x3  }
0x34: {  	[smem:$0x3FB3] =	sst s10  }
0x35: {  	s10 =	sld [smem:$0x3FB2];
	_ =	sdelay $0x3  }
0x36: {  	p1 =	seq.s32 s10, $0x1;
	s10 =	sld [smem:$0x3FB3];
	_ =	sdelay $0x3  }
0x37: {  	[smem:$0x3FB3] =	sst s10  }
0x38: {  	s10 =	sld [smem:$0x3FB4]  }
0x39: {  	_ = 	snop;
	(pc) =	sbr.ind lr, $3  }
0x3a: {  	_ = 	snop  }
0x3b: {  	_ = 	snop  }
0x3c: {  	p2 =	seq.s32 s10, $0x1;
	s10 =	sld [smem:$0x3FB3]  }
0x3d: {  	_ =	shalt  }
0x3e: {  	_ =	shalt  }
0x3f: {  	_ =	shalt  }
0x40: {  	_ =	shalt  }
0x41: {  	_ =	shalt  }
0x42: {  	_ =	shalt  }
0x43: {  	_ =	shalt  }
0x44: {  	_ =	shalt  }
0x45: {  	_ =	shalt  }
0x46: {  	_ =	shalt  }
0x47: {  	_ =	shalt  }
0x48: {  	_ =	shalt  }
0x49: {  	_ =	shalt  }
0x4a: {  	_ =	shalt  }
0x4b: {  	_ =	shalt  }
0x4c: {  	_ =	shalt  }
0x4d: {  	_ =	shalt  }
0x4e: {  	_ =	shalt  }
0x4f: {  	_ =	shalt  }
0x50: {  	_ =	shalt  }
0x51: {  	_ =	shalt  }
0x52: {  	_ =	shalt  }
0x53: {  	_ =	shalt  }
0x54: {  	_ =	shalt  }
0x55: {  	_ =	shalt  }
0x56: {  	_ =	shalt  }
0x57: {  	_ =	shalt  }
0x58: {  	_ =	shalt  }
0x59: {  	_ =	shalt  }
0x5a: {  	_ =	shalt  }
0x5b: {  	_ =	shalt  }
0x5c: {  	_ =	shalt  }
0x5d: {  	_ =	shalt  }
0x5e: {  	_ =	shalt  }
0x5f: {  	_ =	shalt  }
0x60: {  	_ =	shalt  }
0x61: {  	_ =	shalt  }
0x62: {  	_ =	shalt  }
0x63: {  	_ =	shalt  }
0x64: {  	_ =	shalt  }
0x65: {  	_ =	shalt  }
0x66: {  	_ =	shalt  }
0x67: {  	_ =	shalt  }
0x68: {  	_ =	shalt  }
0x69: {  	_ =	shalt  }
0x6a: {  	_ =	shalt  }
0x6b: {  	_ =	shalt  }
0x6c: {  	_ =	shalt  }
0x6d: {  	_ =	shalt  }
0x6e: {  	_ =	shalt  }
0x6f: {  	_ =	shalt  }
0x70: {  	_ =	shalt  }
0x71: {  	_ =	shalt  }
0x72: {  	_ =	shalt  }
0x73: {  	_ =	shalt  }
0x74: {  	_ =	shalt  }
0x75: {  	_ =	shalt  }
0x76: {  	_ =	shalt  }
0x77: {  	_ =	shalt  }
0x78: {  	_ =	shalt  }
0x79: {  	_ =	shalt  }
0x7a: {  	_ =	shalt  }
0x7b: {  	_ =	shalt  }
0x7c: {  	_ =	shalt  }
0x7d: {  	_ =	shalt  }
0x7e: {  	_ =	shalt  }
0x7f: {  	_ =	shalt  }
0x80: {  	_ =	shalt  }
0x81: {  	_ =	shalt  }
0x82: {  	_ =	shalt  }
0x83: {  	_ =	shalt  }
0x84: {  	_ =	shalt  }
0x85: {  	_ =	shalt  }
0x86: {  	_ =	shalt  }
0x87: {  	_ =	shalt  }
.Lfunc_end0:
.L_simem_size_0:
called_computation_lowered:
.L_overlay_start_0:
0x88: {  	s2 =	sld [smem:$0x3FD9]  }
0x89: {  	s3 =	sld [smem:$0x3FFE];
	_ =	sdelay $0x1  }
0x8a: {  	s1 =	srdreg.scid  }
0x8b: {  	s0 =	sand.u32 $0x1, s1  }
0x8c: {  	s16 =	sshll.u32 s0, $0xA;
	s2 =	sadd.s32 s3, s2  }
0x8d: {  	s2 =	sadd.s32 s2, s16  }
0x8e: {  	[smem:$0x3FBF] =	sst s2  }
0x8f: {  	_ = 	snop  }
0x90: {  	(tm) =	ssettm $0x1  }
0x91: {  	s17 =	sld [smem:$0x3FFB];
	_ =	sdelay $0x3  }
0x92: {  	_ =	strace s17  }
0x93: {  	s2 =	sld [smem:$0x3FFC];
	_ =	sdelay $0x3  }
0x94: {  	_ =	strace s2  }
0x95: {  	s2 =	sld [smem:$0x3FFD];
	_ =	sdelay $0x3  }
0x96: {  	_ =	strace s2  }
0x97: {  	_ =	strace $0x8FFFFFFF  }
0x98: {  	s18 =	sld [smem:$0x3FDB];
	_ =	sdelay $0x1  }
0x99: {  	s19 =	simm.s32 $_scs_section_size  }
0x9a: {  	s4 =	simm.s32 $_size__tile_overlayer_lowered;
	s5 =	simm.s32 $_tile_overlayer_lowered  }
0x9b: {  	s22 =	simm.s32 $0x1BFF;
	s21 =	sshll.u32 s5, $0x1;
	s2 =	sadd.s32 s19, s18  }
0x9c: {  	s6 =	simm.s32 $0x0;
	s20 =	sshll.u32 s4, $0x1;
	s4 =	sadd.s32 s21, s2  }
0x9d: {  	[timem:s6], [sflag:s22] =	dma.local [hbm:s4], s20  }
0x9e: {  	_ =	swait.ge [sflag:s22], s20  }
0x9f: {  	s3 =	ssub.s32 $0x0, s20;
	[sflag:s22] =	ssyncset.done $0x0  }
0xa0: {  	[sflag:s22] =	ssyncadd.s32 s3;
	_ =	sdelay $0x1  }
0xa1: {  	s23 =	simm.s32 $0x1B8B  }
0xa2: {  	_ =	swait.ge [sflag:s23], $0x1  }
0xa3: {  	[sflag:s23] =	ssyncset.done $0x0  }
0xa4: {  	s25 =	simm.s32 $0x1B8E;
	s24 =	sld [smem:$0x3FFE];
	[sflag:s23] =	ssyncadd.s32 $0xFFFFFFFF  }
0xa5: {  	s26 =	simm.s32 $execute0_lowered;
	[smem:$0x3FD2] =	sst s25  }
0xa6: {  	s4 =	sshll.u32 s26, $0x1;
	_ =	strace $0x80000046;
	[dreg:$0x1] =	wrdreg $0xFFFFFFFF  }
0xa7: {  	s28 =	simm.s32 $_size_execute0_lowered;
	s2 =	sadd.s32 s2, s4;
	[dreg:$0x0] =	wrdreg $0x0  }
0xa8: {  	s4 =	sshll.u32 s28, $0x1;
	[dreg:$0x2] =	wrdreg s2  }
0xa9: {  	[dreg:$0x3] =	wrdreg s4  }
0xaa: {  	[dreg:$0x4] =	wrdreg $0xC0  }
0xab: {  	_ =	task [dreg:s6], $0x5FFFF  }
0xac: {  	[dreg:$0x1] =	wrdreg $0xFFFFFFFF  }
0xad: {  	[dreg:$0x0] =	wrdreg $0x60  }
0xae: {  	[dreg:$0x2] =	wrdreg s24  }
0xaf: {  	[dreg:$0x3] =	wrdreg $0x9  }
0xb0: {  	_ =	task.clear_ibuf [dreg:s6], $0x4FFFF;
	_ =	strace $0x90000046  }
0xb1: {  	s29 =	simm.s32 $0x9;
	_ =	strace $0x80000048  }
0xb2: {  	_ =	swait.ge [sflag:s29], $0x1  }
0xb3: {  	[sflag:s29] =	ssyncadd.s32 $0xFFFFFFFF  }
0xb4: {  	_ =	strace $0x90000048  }
0xb5: {  	_ =	sfence  }
0xb6: {  	s30 =	sld [smem:$0x0];
	_ =	sdelay $0x2  }
0xb7: {  	s31 =	sshll.u32 s1, $0xD;
	s1 =	sshrl.u32 s1, $0x2  }
0xb8: {  	s3 =	sand.u32 $0x4000, s31;
	s1 =	sadd.s32 s1, s30  }
0xb9: {  	s0 =	sor.u32 s3, s0;
	s1 =	sshll.u32 s1, $0x11  }
0xba: {  	s0 =	sor.u32 s1, s0  }
0xbb: {  	s0 =	sadd.s32 $0x8F2B, s0  }
0xbc: {  	[sflag:s0] =	ssyncadd.remote.s32 $0x1  }
0xbd: {  	_ =	sfence.sel $0xFFFF  }
0xbe: {  	[dreg:$0x0] =	wrdreg $0xFFFFFFFF;
	(pc) =	sbr.abs _section_cstart, $3  }
0xbf: {  	[dreg:$0x1] =	wrdreg $0xFFFFFFFF  }
0xc0: {  	_ =	task.clear_ibuf [dreg:s6], $0x2FFFF;
	_ =	strace $0x9FFFFFFF  }
0xc1: {  	(tm) =	ssettm $0x7FFFFFFF  }
tec
execute0_lowered:
.L_overlay_start_1:
0x0: {  	(tag) =	ssettag $0x1  }
0x1: {  	s1 =	srdreg.scid;
	s0 =	stileid.u32  }
0x2: {  	s16 =	sand.u32 $0x1, s1;
	s26 =	sshll.u32 s0, $0x1  }
0x3: {  	s8 =	sor.u32 s16, s26  }
0x4: {  	s9 =	rddreg [dreg:$0x0];
	s17 =	smul.u32 $0x1400, s8  }
0x5: {  	s2 =	simm.s32 $0x0;
	s1 =	rddreg [dreg:$0x1]  }
0x6: {  	[smem:$0x7FF] =	sst s2;
	s15 =	sadd.s32 $0xC000, s9;
	s3 =	sshrl.u32 s17, $0x3  }
0x7: {  	_ =	strace $0x80000047;
	s4 =	sadd.s32 s15, s3;
	s3 =	simm.s32 $0x2  }
0x8: {  	[tilespmem:s2], [sflag:$0x2] =	stream.linear.gather [hbm4b:s4+s2], $0x400, $0x38;
	[tilespmem:$0x8400] =	vst v63  }
0x9: {  	_ =	swait.ge [sflag:s3], $0x400  }
0xa: {  	s6 =	simm.s32 $0x400;
	[sflag:s3] =	ssyncset.done $0x0  }
0xb: {  	s7 =	simm.s32 $0x1;
	s5 =	sadd.s32 $0x2000, s9;
	[sflag:s3] =	ssyncadd.s32 $0xFFFFFC00  }
0xc: {  	[tilespmem:s6], [sflag:$0x1] =	stream.indirect.gather [hbm4b:s5+s6], $0x20, s2, s6, $0xb8;
	[tilespmem:$0x8400] =	vst v63  }
0xd: {  	s8 =	smul.u32 $0x5000, s8;
	_ =	swait.ge [sflag:s7], $0x8000  }
0xe: {  	s18 =	sadd.s32 $0x11000, s9;
	[sflag:s7] =	ssyncset.done $0x0  }
0xf: {  	s8 =	sadd.s32 s18, s8;
	[sflag:s7] =	ssyncadd.s32 $0xFFFF8000  }
0x10: {  	[hbm4b:s8+s2] =	stream.linear.scatter [tilespmem:s6], [sflag:$0x2], $0x8000, $0x38;
	[tilespmem:$0x8400] =	vst v63  }
0x11: {  	s10 =	sadd.s32 $0x400, s17;
	_ =	swait.ge [sflag:s3], $0x8000  }
0x12: {  	s28 =	sshrl.u32 s10, $0x3;
	[sflag:s3] =	ssyncset.done $0x0  }
0x13: {  	s9 =	sadd.s32 s15, s28;
	[sflag:s3] =	ssyncadd.s32 $0xFFFF8000  }
0x14: {  	[tilespmem:s2], [sflag:$0x2] =	stream.linear.gather [hbm4b:s9+s2], $0x400, $0x38;
	[tilespmem:$0x8400] =	vst v63  }
0x15: {  	_ =	swait.ge [sflag:s3], $0x400  }
0x16: {  	[sflag:s3] =	ssyncset.done $0x0  }
0x17: {  	[sflag:s3] =	ssyncadd.s32 $0xFFFFFC00  }
0x18: {  	[tilespmem:s6], [sflag:$0x1] =	stream.indirect.gather [hbm4b:s5+s6], $0x20, s2, s6, $0xb8;
	[tilespmem:$0x8400] =	vst v63  }
0x19: {  	_ =	swait.ge [sflag:s7], $0x8000  }
0x1a: {  	s10 =	sshll.u32 s10, $0x2;
	[sflag:s7] =	ssyncset.done $0x0  }
0x1b: {  	s10 =	sadd.s32 s18, s10;
	[sflag:s7] =	ssyncadd.s32 $0xFFFF8000  }
0x1c: {  	[hbm4b:s10+s2] =	stream.linear.scatter [tilespmem:s6], [sflag:$0x2], $0x8000, $0x38;
	[tilespmem:$0x8400] =	vst v63  }
0x1d: {  	s12 =	sadd.s32 $0x800, s17;
	_ =	swait.ge [sflag:s3], $0x8000  }
0x1e: {  	s11 =	sshrl.u32 s12, $0x3;
	[sflag:s3] =	ssyncset.done $0x0  }
0x1f: {  	s11 =	sadd.s32 s15, s11;
	[sflag:s3] =	ssyncadd.s32 $0xFFFF8000  }
0x20: {  	[tilespmem:s2], [sflag:$0x2] =	stream.linear.gather [hbm4b:s11+s2], $0x400, $0x38;
	[tilespmem:$0x8400] =	vst v63  }
0x21: {  	_ =	swait.ge [sflag:s3], $0x400  }
0x22: {  	[sflag:s3] =	ssyncset.done $0x0  }
0x23: {  	[sflag:s3] =	ssyncadd.s32 $0xFFFFFC00  }
0x24: {  	[tilespmem:s6], [sflag:$0x1] =	stream.indirect.gather [hbm4b:s5+s6], $0x20, s2, s6, $0xb8;
	[tilespmem:$0x8400] =	vst v63  }
0x25: {  	_ =	swait.ge [sflag:s7], $0x8000  }
0x26: {  	s12 =	sshll.u32 s12, $0x2;
	[sflag:s7] =	ssyncset.done $0x0  }
0x27: {  	s12 =	sadd.s32 s18, s12;
	[sflag:s7] =	ssyncadd.s32 $0xFFFF8000  }
0x28: {  	[hbm4b:s12+s2] =	stream.linear.scatter [tilespmem:s6], [sflag:$0x2], $0x8000, $0x38;
	[tilespmem:$0x8400] =	vst v63  }
0x29: {  	s14 =	sadd.s32 $0xC00, s17;
	_ =	swait.ge [sflag:s3], $0x8000  }
0x2a: {  	s13 =	sshrl.u32 s14, $0x3;
	[sflag:s3] =	ssyncset.done $0x0  }
0x2b: {  	s13 =	sadd.s32 s15, s13;
	[sflag:s3] =	ssyncadd.s32 $0xFFFF8000  }
0x2c: {  	[tilespmem:s2], [sflag:$0x2] =	stream.linear.gather [hbm4b:s13+s2], $0x400, $0x38;
	[tilespmem:$0x8400] =	vst v63  }
0x2d: {  	_ =	swait.ge [sflag:s3], $0x400  }
0x2e: {  	[sflag:s3] =	ssyncset.done $0x0  }
0x2f: {  	[sflag:s3] =	ssyncadd.s32 $0xFFFFFC00  }
0x30: {  	[tilespmem:s6], [sflag:$0x1] =	stream.indirect.gather [hbm4b:s5+s6], $0x20, s2, s6, $0xb8;
	[tilespmem:$0x8400] =	vst v63  }
0x31: {  	_ =	swait.ge [sflag:s7], $0x8000  }
0x32: {  	s14 =	sshll.u32 s14, $0x2;
	[sflag:s7] =	ssyncset.done $0x0  }
0x33: {  	s14 =	sadd.s32 s18, s14;
	[sflag:s7] =	ssyncadd.s32 $0xFFFF8000  }
0x34: {  	[hbm4b:s14+s2] =	stream.linear.scatter [tilespmem:s6], [sflag:$0x2], $0x8000, $0x38;
	[tilespmem:$0x8400] =	vst v63  }
0x35: {  	s17 =	sadd.s32 $0x1000, s17;
	_ =	swait.ge [sflag:s3], $0x8000  }
0x36: {  	s19 =	sshrl.u32 s17, $0x3;
	[sflag:s3] =	ssyncset.done $0x0  }
0x37: {  	s16 =	ssub.s32 $0x2, s16;
	s15 =	sadd.s32 s15, s19;
	[sflag:s3] =	ssyncadd.s32 $0xFFFF8000  }
0x38: {  	[tilespmem:s2], [sflag:$0x2] =	stream.linear.gather [hbm4b:s15+s2], $0x400, $0x38;
	[tilespmem:$0x8400] =	vst v63  }
0x39: {  	s29 =	sshrl.u32 s16, $0x1;
	_ =	swait.ge [sflag:s3], $0x400  }
0x3a: {  	s19 =	ssub.s32 s16, s29;
	[sflag:s3] =	ssyncset.done $0x0  }
0x3b: {  	s31 =	smax.u32 s19, $0x1;
	[sflag:s3] =	ssyncadd.s32 $0xFFFFFC00  }
0x3c: {  	[tilespmem:s6], [sflag:$0x1] =	stream.indirect.gather [hbm4b:s5+s6], $0x20, s2, s6, $0xb8;
	[tilespmem:$0x8400] =	vst v63  }
0x3d: {  	p0 =	sne.s32 s31, $0x1;
	_ =	swait.ge [sflag:s7], $0x8000  }
.Ltmp0:
0x3e: {  	s30 =	sshll.u32 s17, $0x2;
	[sflag:s7] =	ssyncset.done $0x0;
	(pc) =	sbr.rel @!p0 .LBB2_2-.Ltmp0, $4  }
0x3f: {  	s16 =	sadd.s32 s18, s30;
	[sflag:s7] =	ssyncadd.s32 $0xFFFF8000  }
0x40: {  	[hbm4b:s16+s2] =	stream.linear.scatter [tilespmem:s6], [sflag:$0x2], $0x8000, $0x38;
	[tilespmem:$0x8400] =	vst v63  }
0x41: {  	_ =	swait.ge [sflag:s3], $0x8000  }
0x42: {  	s17 =	sadd.s32 $0xFFFFFFFF, s31;
	[sflag:s3] =	ssyncset.done $0x0  }
.LBB2_1:
0x43: {  	p0 =	sne.s32 s17, $0x1;
	s17 =	sadd.s32 $0xFFFFFFFF, s17;
	[sflag:s3] =	ssyncadd.s32 $0xFFFF8000  }
0x44: {  	[tilespmem:s2], [sflag:$0x2] =	stream.linear.gather [hbm4b:s4+s2], $0x400, $0x38;
	[tilespmem:$0x8400] =	vst v63  }
0x45: {  	_ =	swait.ge [sflag:s3], $0x400  }
0x46: {  	[sflag:s3] =	ssyncset.done $0x0  }
0x47: {  	[sflag:s3] =	ssyncadd.s32 $0xFFFFFC00  }
0x48: {  	[tilespmem:s6], [sflag:$0x1] =	stream.indirect.gather [hbm4b:s5+s6], $0x20, s2, s6, $0xb8;
	[tilespmem:$0x8400] =	vst v63  }
0x49: {  	_ =	swait.ge [sflag:s7], $0x8000  }
0x4a: {  	[sflag:s7] =	ssyncset.done $0x0  }
0x4b: {  	[sflag:s7] =	ssyncadd.s32 $0xFFFF8000  }
0x4c: {  	[hbm4b:s8+s2] =	stream.linear.scatter [tilespmem:s6], [sflag:$0x2], $0x8000, $0x38;
	[tilespmem:$0x8400] =	vst v63  }
0x4d: {  	_ =	swait.ge [sflag:s3], $0x8000  }
0x4e: {  	[sflag:s3] =	ssyncset.done $0x0  }
0x4f: {  	[sflag:s3] =	ssyncadd.s32 $0xFFFF8000  }
0x50: {  	[tilespmem:s2], [sflag:$0x2] =	stream.linear.gather [hbm4b:s9+s2], $0x400, $0x38;
	[tilespmem:$0x8400] =	vst v63  }
0x51: {  	_ =	swait.ge [sflag:s3], $0x400  }
0x52: {  	[sflag:s3] =	ssyncset.done $0x0  }
0x53: {  	[sflag:s3] =	ssyncadd.s32 $0xFFFFFC00  }
0x54: {  	[tilespmem:s6], [sflag:$0x1] =	stream.indirect.gather [hbm4b:s5+s6], $0x20, s2, s6, $0xb8;
	[tilespmem:$0x8400] =	vst v63  }
0x55: {  	_ =	swait.ge [sflag:s7], $0x8000  }
0x56: {  	[sflag:s7] =	ssyncset.done $0x0  }
0x57: {  	[sflag:s7] =	ssyncadd.s32 $0xFFFF8000  }
0x58: {  	[hbm4b:s10+s2] =	stream.linear.scatter [tilespmem:s6], [sflag:$0x2], $0x8000, $0x38;
	[tilespmem:$0x8400] =	vst v63  }
0x59: {  	_ =	swait.ge [sflag:s3], $0x8000  }
0x5a: {  	[sflag:s3] =	ssyncset.done $0x0  }
0x5b: {  	[sflag:s3] =	ssyncadd.s32 $0xFFFF8000  }
0x5c: {  	[tilespmem:s2], [sflag:$0x2] =	stream.linear.gather [hbm4b:s11+s2], $0x400, $0x38;
	[tilespmem:$0x8400] =	vst v63  }
0x5d: {  	_ =	swait.ge [sflag:s3], $0x400  }
0x5e: {  	[sflag:s3] =	ssyncset.done $0x0  }
0x5f: {  	[sflag:s3] =	ssyncadd.s32 $0xFFFFFC00  }
0x60: {  	[tilespmem:s6], [sflag:$0x1] =	stream.indirect.gather [hbm4b:s5+s6], $0x20, s2, s6, $0xb8;
	[tilespmem:$0x8400] =	vst v63  }
0x61: {  	_ =	swait.ge [sflag:s7], $0x8000  }
0x62: {  	[sflag:s7] =	ssyncset.done $0x0  }
0x63: {  	[sflag:s7] =	ssyncadd.s32 $0xFFFF8000  }
0x64: {  	[hbm4b:s12+s2] =	stream.linear.scatter [tilespmem:s6], [sflag:$0x2], $0x8000, $0x38;
	[tilespmem:$0x8400] =	vst v63  }
0x65: {  	_ =	swait.ge [sflag:s3], $0x8000  }
0x66: {  	[sflag:s3] =	ssyncset.done $0x0  }
0x67: {  	[sflag:s3] =	ssyncadd.s32 $0xFFFF8000  }
0x68: {  	[tilespmem:s2], [sflag:$0x2] =	stream.linear.gather [hbm4b:s13+s2], $0x400, $0x38;
	[tilespmem:$0x8400] =	vst v63  }
0x69: {  	_ =	swait.ge [sflag:s3], $0x400  }
0x6a: {  	[sflag:s3] =	ssyncset.done $0x0  }
0x6b: {  	[sflag:s3] =	ssyncadd.s32 $0xFFFFFC00  }
0x6c: {  	[tilespmem:s6], [sflag:$0x1] =	stream.indirect.gather [hbm4b:s5+s6], $0x20, s2, s6, $0xb8;
	[tilespmem:$0x8400] =	vst v63  }
0x6d: {  	_ =	swait.ge [sflag:s7], $0x8000  }
0x6e: {  	[sflag:s7] =	ssyncset.done $0x0  }
0x6f: {  	[sflag:s7] =	ssyncadd.s32 $0xFFFF8000  }
0x70: {  	[hbm4b:s14+s2] =	stream.linear.scatter [tilespmem:s6], [sflag:$0x2], $0x8000, $0x38;
	[tilespmem:$0x8400] =	vst v63  }
0x71: {  	_ =	swait.ge [sflag:s3], $0x8000  }
0x72: {  	[sflag:s3] =	ssyncset.done $0x0  }
0x73: {  	[sflag:s3] =	ssyncadd.s32 $0xFFFF8000  }
0x74: {  	[tilespmem:s2], [sflag:$0x2] =	stream.linear.gather [hbm4b:s15+s2], $0x400, $0x38;
	[tilespmem:$0x8400] =	vst v63  }
0x75: {  	_ =	swait.ge [sflag:s3], $0x400  }
0x76: {  	[sflag:s3] =	ssyncset.done $0x0  }
0x77: {  	[sflag:s3] =	ssyncadd.s32 $0xFFFFFC00  }
0x78: {  	[tilespmem:s6], [sflag:$0x1] =	stream.indirect.gather [hbm4b:s5+s6], $0x20, s2, s6, $0xb8;
	[tilespmem:$0x8400] =	vst v63  }
0x79: {  	_ =	swait.ge [sflag:s7], $0x8000  }
.Ltmp1:
0x7a: {  	[sflag:s7] =	ssyncset.done $0x0;
	(pc) =	sbr.rel @p0 .LBB2_1-.Ltmp1, $4  }
0x7b: {  	[sflag:s7] =	ssyncadd.s32 $0xFFFF8000  }
0x7c: {  	[hbm4b:s16+s2] =	stream.linear.scatter [tilespmem:s6], [sflag:$0x2], $0x8000, $0x38;
	[tilespmem:$0x8400] =	vst v63  }
0x7d: {  	_ =	swait.ge [sflag:s3], $0x8000  }
0x7e: {  	[sflag:s3] =	ssyncset.done $0x0  }
.LBB2_2:
0x7f: {  	[sflag:s3] =	ssyncadd.s32 $0xFFFF8000  }
0x80: {  	_ =	sfence.sel $0x180000  }
0x81: {  	[bflag:$0x0] =	sbarrier.arrive $0xFFFF  }
0x82: {  	p0 =	sne.s32 s0, $0x0;
	_ =	strace $0x90000047  }
0x83: {  	s0 =	sadd.s32 @!p0 $0x100000, s1;
	[bflag:$0x2] =	sbarrier.arrive $0xFFFF  }
0x84: {  	[sflag:s0] =	ssyncadd.tile.s32 @!p0 $0x1;
	_ =	shalt  }
.Lfunc_end2:
_tile_overlayer_lowered:
.L_overlay_start_2:
0x85: {  	(tag) =	ssettag $0x2  }
0x86: {  	s0 =	rddreg [dreg:$0x0];
	s2 =	stileid.u32  }
0x87: {  	s1 =	rddreg [dreg:$0x1];
	p0 =	sne.s32 s2, $0x0  }
0x88: {  	s3 =	rddreg [dreg:$0x2];
	[bflag:$0x3] =	sbarrier.arrive $0xFFFF;
	s2 =	simm.s32 @!p0 $0x1C02  }
0x89: {  	[timem:s3], [sflag:s2] =	dma.local @!p0 [hbm:s0], s1  }
0x8a: {  	s0 =	simm.s32 @!p0 $0x2  }
0x8b: {  	_ =	swait.ge @!p0 [sflag:s0], s1  }
0x8c: {  	s1 =	ssub.s32 @!p0 $0x0, s1;
	[sflag:s0] =	ssyncset.done @!p0 $0x0  }
0x8d: {  	[sflag:s0] =	ssyncadd.s32 @!p0 s1  }
0x8e: {  	[bflag:$0x3] =	sbarrier.arrive $0xFFFF  }
0x8f: {  	_ =	shalt  }

// kernel: kernel.14.cloned.1.call-start
scs
__scs_entry_jumppad:
0x0: {  	(pc) =	sbr.rel $0x88, $3  }
0x1: {  	(tag) =	ssettag $0x0;
	lr =	simm.s32 $0x1  }
0x2: {  	[smem:$0x3F98] =	sst lr;
	_ =	strace $0xD0000000  }
0x3: {  	_ = 	snop  }
0x4: {  	_ = 	snop  }
0x5: {  	_ = 	snop  }
0x6: {  	_ = 	snop  }
0x7: {  	_ = 	snop  }
__scs_overlays_trampoline_lowered:
0x8: {  	[smem:$0x3FA7] =	sst s0  }
0x9: {  	[smem:$0x3FA8] =	sst s1  }
0xa: {  	[smem:$0x3FA9] =	sst s2  }
0xb: {  	[smem:$0x3FAA] =	sst s3  }
0xc: {  	[smem:$0x3FAB] =	sst s4  }
0xd: {  	[smem:$0x3FAC] =	sst s5  }
0xe: {  	[smem:$0x3FAD] =	sst s6  }
0xf: {  	[smem:$0x3FAE] =	sst s7  }
0x10: {  	[smem:$0x3FAF] =	sst s8  }
0x11: {  	[smem:$0x3FB0] =	sst s9;
	s0 =	simm.s32 @!p0 $0x0  }
0x12: {  	s1 =	sld [smem:$0x3F96];
	s0 =	simm.s32 @p0 $0x1  }
0x13: {  	[smem:$0x3FB1] =	sst s0;
	s0 =	simm.s32 @!p1 $0x0  }
0x14: {  	s2 =	sld [smem:$0x3F95];
	s0 =	simm.s32 @p1 $0x1  }
0x15: {  	[smem:$0x3FB2] =	sst s0;
	s0 =	simm.s32 @!p2 $0x0  }
0x16: {  	s3 =	sld [smem:$0x3FDB];
	s0 =	simm.s32 @p2 $0x1  }
0x17: {  	s4 =	simm.s32 $0x1BF5;
	[smem:$0x3FB4] =	sst s0  }
0x18: {  	s0 =	sld [smem:$0x3F97];
	_ =	swait.ge [sflag:s4], $0x0  }
0x19: {  	s7 =	sld [smem:$0x3F98]  }
0x1a: {  	s8 =	sadd.s32 $0xFFFFE003, lr  }
0x1b: {  	s9 =	sadd.s32 $0xFFFFFEF7, lr;
	s5 =	simm.s32 $0xFFFFFFFF;
	p2 =	slt.u32 s8, $0xFFFFF086  }
0x1c: {  	p1 =	slt.u32 s9, $0xF7A;
	s5 =	simm.s32 @!p2 $0x0  }
0x1d: {  	s5 =	simm.s32 @p1 $0x1;
	p0 =	seq.s32 s7, s2  }
0x1e: {  	s7 =	smul.u32 @!p0 $0xF7A, s2;
	p2 =	seq.s32 @!p0 s5, $0x0  }
0x1f: {  	s9 =	smul.u32 $0xF7A, s1;
	s8 =	simm.s32 @!p0 $0x1BF5;
	p2 =	por !p2, p0  }
0x20: {  	[sflag:s8] =	ssyncset.s32 @!p0 $0xFFFFF086;
	s6 =	sadd.s32 @!p0 s3, s7;
	s7 =	simm.s32 @!p0 $0x108  }
0x21: {  	s3 =	sadd.s32 s3, s9;
	s6 =	sadd.s32 @!p0 $0x88, s6;
	s7 =	simm.s32 @p2 $0x1082  }
0x22: {  	[simem:s7], [sflag:s8] =	dma.local @!p0 [hbm:s6], $0xF7A  }
0x23: {  	s9 =	sor.u32 $0xD0000000, s2;
	s6 =	simm.s32 $0x108;
	_ =	swait.ge @!p0 [sflag:s8], $0x0  }
0x24: {  	s3 =	sadd.s32 $0x88, s3;
	s6 =	simm.s32 @!p1 $0x1082;
	[sflag:s4] =	ssyncset.s32 $0xFFFFF086  }
0x25: {  	[simem:s6], [sflag:s4] =	dma.local [hbm:s3], $0xF7A  }
0x26: {  	[smem:$0x3F98] =	sst s1;
	(tag) =	ssettag s2;
	_ =	strace s9  }
0x27: {  	s1 =	sld [smem:$0x3FA8]  }
0x28: {  	s2 =	sld [smem:$0x3FA9]  }
0x29: {  	s4 =	sld [smem:$0x3FAB]  }
0x2a: {  	p0 =	seq.s32 s5, $0x0;
	s5 =	sld [smem:$0x3FAC]  }
0x2b: {  	s6 =	sld [smem:$0x3FAD]  }
0x2c: {  	s7 =	sld [smem:$0x3FAE]  }
0x2d: {  	s3 =	simm.s32 $0x108;
	s8 =	sld [smem:$0x3FAF]  }
0x2e: {  	s3 =	simm.s32 @!p0 $0x1082;
	s9 =	sld [smem:$0x3FB0]  }
0x2f: {  	lr =	sadd.s32 s0, s3;
	s0 =	sld [smem:$0x3FA7]  }
0x30: {  	s3 =	sld [smem:$0x3FAA]  }
0x31: {  	[smem:$0x3FB3] =	sst s10  }
0x32: {  	s10 =	sld [smem:$0x3FB1];
	_ =	sdelay $0x3  }
0x33: {  	p0 =	seq.s32 s10, $0x1;
	s10 =	sld [smem:$0x3FB3];
	_ =	sdelay $0x3  }
0x34: {  	[smem:$0x3FB3] =	sst s10  }
0x35: {  	s10 =	sld [smem:$0x3FB2];
	_ =	sdelay $0x3  }
0x36: {  	p1 =	seq.s32 s10, $0x1;
	s10 =	sld [smem:$0x3FB3];
	_ =	sdelay $0x3  }
0x37: {  	[smem:$0x3FB3] =	sst s10  }
0x38: {  	s10 =	sld [smem:$0x3FB4]  }
0x39: {  	_ = 	snop;
	(pc) =	sbr.ind lr, $3  }
0x3a: {  	_ = 	snop  }
0x3b: {  	_ = 	snop  }
0x3c: {  	p2 =	seq.s32 s10, $0x1;
	s10 =	sld [smem:$0x3FB3]  }
0x3d: {  	_ =	shalt  }
0x3e: {  	_ =	shalt  }
0x3f: {  	_ =	shalt  }
0x40: {  	_ =	shalt  }
0x41: {  	_ =	shalt  }
0x42: {  	_ =	shalt  }
0x43: {  	_ =	shalt  }
0x44: {  	_ =	shalt  }
0x45: {  	_ =	shalt  }
0x46: {  	_ =	shalt  }
0x47: {  	_ =	shalt  }
0x48: {  	_ =	shalt  }
0x49: {  	_ =	shalt  }
0x4a: {  	_ =	shalt  }
0x4b: {  	_ =	shalt  }
0x4c: {  	_ =	shalt  }
0x4d: {  	_ =	shalt  }
0x4e: {  	_ =	shalt  }
0x4f: {  	_ =	shalt  }
0x50: {  	_ =	shalt  }
0x51: {  	_ =	shalt  }
0x52: {  	_ =	shalt  }
0x53: {  	_ =	shalt  }
0x54: {  	_ =	shalt  }
0x55: {  	_ =	shalt  }
0x56: {  	_ =	shalt  }
0x57: {  	_ =	shalt  }
0x58: {  	_ =	shalt  }
0x59: {  	_ =	shalt  }
0x5a: {  	_ =	shalt  }
0x5b: {  	_ =	shalt  }
0x5c: {  	_ =	shalt  }
0x5d: {  	_ =	shalt  }
0x5e: {  	_ =	shalt  }
0x5f: {  	_ =	shalt  }
0x60: {  	_ =	shalt  }
0x61: {  	_ =	shalt  }
0x62: {  	_ =	shalt  }
0x63: {  	_ =	shalt  }
0x64: {  	_ =	shalt  }
0x65: {  	_ =	shalt  }
0x66: {  	_ =	shalt  }
0x67: {  	_ =	shalt  }
0x68: {  	_ =	shalt  }
0x69: {  	_ =	shalt  }
0x6a: {  	_ =	shalt  }
0x6b: {  	_ =	shalt  }
0x6c: {  	_ =	shalt  }
0x6d: {  	_ =	shalt  }
0x6e: {  	_ =	shalt  }
0x6f: {  	_ =	shalt  }
0x70: {  	_ =	shalt  }
0x71: {  	_ =	shalt  }
0x72: {  	_ =	shalt  }
0x73: {  	_ =	shalt  }
0x74: {  	_ =	shalt  }
0x75: {  	_ =	shalt  }
0x76: {  	_ =	shalt  }
0x77: {  	_ =	shalt  }
0x78: {  	_ =	shalt  }
0x79: {  	_ =	shalt  }
0x7a: {  	_ =	shalt  }
0x7b: {  	_ =	shalt  }
0x7c: {  	_ =	shalt  }
0x7d: {  	_ =	shalt  }
0x7e: {  	_ =	shalt  }
0x7f: {  	_ =	shalt  }
0x80: {  	_ =	shalt  }
0x81: {  	_ =	shalt  }
0x82: {  	_ =	shalt  }
0x83: {  	_ =	shalt  }
0x84: {  	_ =	shalt  }
0x85: {  	_ =	shalt  }
0x86: {  	_ =	shalt  }
0x87: {  	_ =	shalt  }
.Lfunc_end0:
.L_simem_size_0:
called_computation.1_lowered:
.L_overlay_start_0:
0x88: {  	s2 =	sld [smem:$0x3FD9]  }
0x89: {  	s3 =	sld [smem:$0x3FFE];
	_ =	sdelay $0x1  }
0x8a: {  	s1 =	srdreg.scid  }
0x8b: {  	s0 =	sand.u32 $0x1, s1  }
0x8c: {  	s17 =	sshll.u32 s0, $0xA;
	s2 =	sadd.s32 s3, s2  }
0x8d: {  	s2 =	sadd.s32 s2, s17  }
0x8e: {  	[smem:$0x3FBF] =	sst s2  }
0x8f: {  	_ = 	snop  }
0x90: {  	(tm) =	ssettm $0x1  }
0x91: {  	s18 =	sld [smem:$0x3FFB];
	_ =	sdelay $0x3  }
0x92: {  	_ =	strace s18  }
0x93: {  	s2 =	sld [smem:$0x3FFC];
	_ =	sdelay $0x3  }
0x94: {  	_ =	strace s2  }
0x95: {  	s2 =	sld [smem:$0x3FFD];
	_ =	sdelay $0x3  }
0x96: {  	_ =	strace s2  }
0x97: {  	_ =	strace $0x8FFFFFFF  }
0x98: {  	s19 =	sld [smem:$0x3FDB];
	_ =	sdelay $0x1  }
0x99: {  	s20 =	simm.s32 $_scs_section_size  }
0x9a: {  	s4 =	simm.s32 $_size__tile_overlayer_lowered;
	s5 =	simm.s32 $_tile_overlayer_lowered  }
0x9b: {  	s6 =	simm.s32 $0x1BFF;
	s21 =	sshll.u32 s5, $0x1;
	s3 =	sadd.s32 s20, s19  }
0x9c: {  	s22 =	simm.s32 $0x0;
	s4 =	sshll.u32 s4, $0x1;
	s5 =	sadd.s32 s21, s3  }
0x9d: {  	[timem:s22], [sflag:s6] =	dma.local [hbm:s5], s4  }
0x9e: {  	_ =	swait.ge [sflag:s6], s4  }
0x9f: {  	s4 =	ssub.s32 $0x0, s4;
	[sflag:s6] =	ssyncset.done $0x0  }
0xa0: {  	[sflag:s6] =	ssyncadd.s32 s4;
	_ =	sdelay $0x1  }
0xa1: {  	s23 =	simm.s32 $0x1B8B  }
0xa2: {  	_ =	swait.ge [sflag:s23], $0x1  }
0xa3: {  	[sflag:s23] =	ssyncset.done $0x0  }
0xa4: {  	[sflag:s23] =	ssyncadd.s32 $0xFFFFFFFF  }
0xa5: {  	s4 =	sld [smem:$0x0]  }
0xa6: {  	s5 =	sand.u32 $0xFFFFFFFE, s1  }
0xa7: {  	p0 =	sne.s32 s1, s5  }
0xa8: {  	s5 =	sshll.u32 @p0 s5, $0xE  }
0xa9: {  	s5 =	sadd.s32 @p0 $0x11B8D, s5;
	s6 =	sshll.u32 @p0 s4, $0x11  }
0xaa: {  	s5 =	sor.u32 @p0 s6, s5  }
0xab: {  	[sflag:s5] =	ssyncadd.remote.s32 @p0 $0x1;
	_ =	sdelay $0x1  }
0xac: {  	s5 =	simm.s32 @p0 $0x1B8D  }
0xad: {  	_ =	swait.eq @p0 [sflag:s5], $0x1  }
0xae: {  	[sflag:s5] =	ssyncadd.s32 @p0 $0xFFFFFFFF  }
0xaf: {  	s6 =	sshll.u32 @!p0 s1, $0xE  }
0xb0: {  	s6 =	sor.u32 @!p0 $0x4000, s6;
	s5 =	simm.s32 @!p0 $0x1B8D  }
0xb1: {  	s4 =	sshll.u32 @!p0 s4, $0x11;
	s6 =	sadd.s32 @!p0 $0x11B8D, s6;
	_ =	swait.eq @!p0 [sflag:s5], $0x1  }
0xb2: {  	s4 =	sor.u32 @!p0 s4, s6;
	[sflag:s5] =	ssyncadd.s32 @!p0 $0xFFFFFFFF  }
0xb3: {  	s25 =	simm.s32 $0x1B8E;
	s24 =	sld [smem:$0x3FFE];
	[sflag:s4] =	ssyncadd.remote.s32 @!p0 $0x1  }
0xb4: {  	s26 =	simm.s32 $execute0_lowered;
	[smem:$0x3FD2] =	sst s25  }
0xb5: {  	s5 =	sshll.u32 s26, $0x1;
	_ =	strace $0x80000049;
	[dreg:$0x1] =	wrdreg $0xFFFFFFFF  }
0xb6: {  	s28 =	simm.s32 $_size_execute0_lowered;
	s3 =	sadd.s32 s3, s5;
	[dreg:$0x0] =	wrdreg $0x0  }
0xb7: {  	s5 =	sshll.u32 s28, $0x1;
	[dreg:$0x2] =	wrdreg s3  }
0xb8: {  	[dreg:$0x3] =	wrdreg s5  }
0xb9: {  	[dreg:$0x4] =	wrdreg $0xC0  }
0xba: {  	_ =	task [dreg:s22], $0x5FFFF  }
0xbb: {  	[dreg:$0x1] =	wrdreg $0xFFFFFFFF  }
0xbc: {  	[dreg:$0x0] =	wrdreg $0x60  }
0xbd: {  	[dreg:$0x2] =	wrdreg s24  }
0xbe: {  	[dreg:$0x3] =	wrdreg $0xA  }
0xbf: {  	_ =	task.clear_ibuf [dreg:s22], $0x4FFFF;
	_ =	strace $0x90000049  }
0xc0: {  	s29 =	simm.s32 $0xA;
	_ =	strace $0x8000004B  }
0xc1: {  	_ =	swait.ge [sflag:s29], $0x1  }
0xc2: {  	[sflag:s29] =	ssyncadd.s32 $0xFFFFFFFF  }
0xc3: {  	_ =	strace $0x9000004B  }
0xc4: {  	_ =	sfence  }
0xc5: {  	s30 =	sld [smem:$0x0];
	_ =	sdelay $0x2  }
0xc6: {  	s31 =	sshll.u32 s1, $0xD;
	s1 =	sshrl.u32 s1, $0x2  }
0xc7: {  	s4 =	sand.u32 $0x4000, s31;
	s1 =	sadd.s32 s1, s30  }
0xc8: {  	s0 =	sor.u32 s4, s0;
	s1 =	sshll.u32 s1, $0x11  }
0xc9: {  	s0 =	sor.u32 s1, s0  }
0xca: {  	s0 =	sadd.s32 $0x8F2B, s0  }
0xcb: {  	[sflag:s0] =	ssyncadd.remote.s32 $0x1  }
0xcc: {  	_ =	sfence.sel $0xFFFF  }
0xcd: {  	[dreg:$0x0] =	wrdreg $0xFFFFFFFF;
	(pc) =	sbr.abs _section_cstart, $3  }
0xce: {  	[dreg:$0x1] =	wrdreg $0xFFFFFFFF  }
0xcf: {  	_ =	task.clear_ibuf [dreg:s22], $0x2FFFF;
	_ =	strace $0x9FFFFFFF  }
0xd0: {  	(tm) =	ssettm $0x7FFFFFFF  }
0xd1: {  	_ =	shalt  }
tec
execute0_lowered:
.L_overlay_start_1:
0x0: {  	(tag) =	ssettag $0x1  }
0x1: {  	s1 =	srdreg.scid;
	s0 =	stileid.u32  }
0x2: {  	s16 =	sand.u32 $0x1, s1;
	s26 =	sshll.u32 s0, $0x1  }
0x3: {  	s8 =	sor.u32 s16, s26  }
0x4: {  	s9 =	rddreg [dreg:$0x0];
	s17 =	smul.u32 $0x1400, s8  }
0x5: {  	s2 =	simm.s32 $0x0;
	s1 =	rddreg [dreg:$0x1]  }
0x6: {  	[smem:$0x7FF] =	sst s2;
	s15 =	sadd.s32 $0xB1000, s9;
	s3 =	sshrl.u32 s17, $0x3  }
0x7: {  	_ =	strace $0x8000004A;
	s4 =	sadd.s32 s15, s3;
	s3 =	simm.s32 $0x2  }
0x8: {  	[tilespmem:s2], [sflag:$0x2] =	stream.linear.gather [hbm4b:s4+s2], $0x400, $0x38;
	[tilespmem:$0x4400] =	vst v63  }
0x9: {  	_ =	swait.ge [sflag:s3], $0x400  }
0xa: {  	s6 =	simm.s32 $0x400;
	[sflag:s3] =	ssyncset.done $0x0  }
0xb: {  	s7 =	simm.s32 $0x1;
	s5 =	sadd.s32 $0xB6000, s9;
	[sflag:s3] =	ssyncadd.s32 $0xFFFFFC00  }
0xc: {  	[tilespmem:s6], [sflag:$0x1] =	stream.indirect.gather [hbm4b:s5+s6], $0x10, s2, s6, $0xb8;
	[tilespmem:$0x4400] =	vst v63  }
0xd: {  	s8 =	smul.u32 $0x2800, s8;
	_ =	swait.ge [sflag:s7], $0x4000  }
0xe: {  	s18 =	sadd.s32 $0xBB000, s9;
	[sflag:s7] =	ssyncset.done $0x0  }
0xf: {  	s8 =	sadd.s32 s18, s8;
	[sflag:s7] =	ssyncadd.s32 $0xFFFFC000  }
0x10: {  	[hbm4b:s8+s2] =	stream.linear.scatter [tilespmem:s6], [sflag:$0x2], $0x4000, $0x38;
	[tilespmem:$0x4400] =	vst v63  }
0x11: {  	s10 =	sadd.s32 $0x400, s17;
	_ =	swait.ge [sflag:s3], $0x4000  }
0x12: {  	s28 =	sshrl.u32 s10, $0x3;
	[sflag:s3] =	ssyncset.done $0x0  }
0x13: {  	s9 =	sadd.s32 s15, s28;
	[sflag:s3] =	ssyncadd.s32 $0xFFFFC000  }
0x14: {  	[tilespmem:s2], [sflag:$0x2] =	stream.linear.gather [hbm4b:s9+s2], $0x400, $0x38;
	[tilespmem:$0x4400] =	vst v63  }
0x15: {  	_ =	swait.ge [sflag:s3], $0x400  }
0x16: {  	[sflag:s3] =	ssyncset.done $0x0  }
0x17: {  	[sflag:s3] =	ssyncadd.s32 $0xFFFFFC00  }
0x18: {  	[tilespmem:s6], [sflag:$0x1] =	stream.indirect.gather [hbm4b:s5+s6], $0x10, s2, s6, $0xb8;
	[tilespmem:$0x4400] =	vst v63  }
0x19: {  	_ =	swait.ge [sflag:s7], $0x4000  }
0x1a: {  	s10 =	sshll.u32 s10, $0x1;
	[sflag:s7] =	ssyncset.done $0x0  }
0x1b: {  	s10 =	sadd.s32 s18, s10;
	[sflag:s7] =	ssyncadd.s32 $0xFFFFC000  }
0x1c: {  	[hbm4b:s10+s2] =	stream.linear.scatter [tilespmem:s6], [sflag:$0x2], $0x4000, $0x38;
	[tilespmem:$0x4400] =	vst v63  }
0x1d: {  	s12 =	sadd.s32 $0x800, s17;
	_ =	swait.ge [sflag:s3], $0x4000  }
0x1e: {  	s11 =	sshrl.u32 s12, $0x3;
	[sflag:s3] =	ssyncset.done $0x0  }
0x1f: {  	s11 =	sadd.s32 s15, s11;
	[sflag:s3] =	ssyncadd.s32 $0xFFFFC000  }
0x20: {  	[tilespmem:s2], [sflag:$0x2] =	stream.linear.gather [hbm4b:s11+s2], $0x400, $0x38;
	[tilespmem:$0x4400] =	vst v63  }
0x21: {  	_ =	swait.ge [sflag:s3], $0x400  }
0x22: {  	[sflag:s3] =	ssyncset.done $0x0  }
0x23: {  	[sflag:s3] =	ssyncadd.s32 $0xFFFFFC00  }
0x24: {  	[tilespmem:s6], [sflag:$0x1] =	stream.indirect.gather [hbm4b:s5+s6], $0x10, s2, s6, $0xb8;
	[tilespmem:$0x4400] =	vst v63  }
0x25: {  	_ =	swait.ge [sflag:s7], $0x4000  }
0x26: {  	s12 =	sshll.u32 s12, $0x1;
	[sflag:s7] =	ssyncset.done $0x0  }
0x27: {  	s12 =	sadd.s32 s18, s12;
	[sflag:s7] =	ssyncadd.s32 $0xFFFFC000  }
0x28: {  	[hbm4b:s12+s2] =	stream.linear.scatter [tilespmem:s6], [sflag:$0x2], $0x4000, $0x38;
	[tilespmem:$0x4400] =	vst v63  }
0x29: {  	s14 =	sadd.s32 $0xC00, s17;
	_ =	swait.ge [sflag:s3], $0x4000  }
0x2a: {  	s13 =	sshrl.u32 s14, $0x3;
	[sflag:s3] =	ssyncset.done $0x0  }
0x2b: {  	s13 =	sadd.s32 s15, s13;
	[sflag:s3] =	ssyncadd.s32 $0xFFFFC000  }
0x2c: {  	[tilespmem:s2], [sflag:$0x2] =	stream.linear.gather [hbm4b:s13+s2], $0x400, $0x38;
	[tilespmem:$0x4400] =	vst v63  }
0x2d: {  	_ =	swait.ge [sflag:s3], $0x400  }
0x2e: {  	[sflag:s3] =	ssyncset.done $0x0  }
0x2f: {  	[sflag:s3] =	ssyncadd.s32 $0xFFFFFC00  }
0x30: {  	[tilespmem:s6], [sflag:$0x1] =	stream.indirect.gather [hbm4b:s5+s6], $0x10, s2, s6, $0xb8;
	[tilespmem:$0x4400] =	vst v63  }
0x31: {  	_ =	swait.ge [sflag:s7], $0x4000  }
0x32: {  	s14 =	sshll.u32 s14, $0x1;
	[sflag:s7] =	ssyncset.done $0x0  }
0x33: {  	s14 =	sadd.s32 s18, s14;
	[sflag:s7] =	ssyncadd.s32 $0xFFFFC000  }
0x34: {  	[hbm4b:s14+s2] =	stream.linear.scatter [tilespmem:s6], [sflag:$0x2], $0x4000, $0x38;
	[tilespmem:$0x4400] =	vst v63  }
0x35: {  	s17 =	sadd.s32 $0x1000, s17;
	_ =	swait.ge [sflag:s3], $0x4000  }
0x36: {  	s19 =	sshrl.u32 s17, $0x3;
	[sflag:s3] =	ssyncset.done $0x0  }
0x37: {  	s16 =	ssub.s32 $0x2, s16;
	s15 =	sadd.s32 s15, s19;
	[sflag:s3] =	ssyncadd.s32 $0xFFFFC000  }
0x38: {  	[tilespmem:s2], [sflag:$0x2] =	stream.linear.gather [hbm4b:s15+s2], $0x400, $0x38;
	[tilespmem:$0x4400] =	vst v63  }
0x39: {  	s29 =	sshrl.u32 s16, $0x1;
	_ =	swait.ge [sflag:s3], $0x400  }
0x3a: {  	s19 =	ssub.s32 s16, s29;
	[sflag:s3] =	ssyncset.done $0x0  }
0x3b: {  	s31 =	smax.u32 s19, $0x1;
	[sflag:s3] =	ssyncadd.s32 $0xFFFFFC00  }
0x3c: {  	[tilespmem:s6], [sflag:$0x1] =	stream.indirect.gather [hbm4b:s5+s6], $0x10, s2, s6, $0xb8;
	[tilespmem:$0x4400] =	vst v63  }
0x3d: {  	p0 =	sne.s32 s31, $0x1;
	_ =	swait.ge [sflag:s7], $0x4000  }
.Ltmp0:
0x3e: {  	s30 =	sshll.u32 s17, $0x1;
	[sflag:s7] =	ssyncset.done $0x0;
	(pc) =	sbr.rel @!p0 .LBB2_2-.Ltmp0, $4  }
0x3f: {  	s16 =	sadd.s32 s18, s30;
	[sflag:s7] =	ssyncadd.s32 $0xFFFFC000  }
0x40: {  	[hbm4b:s16+s2] =	stream.linear.scatter [tilespmem:s6], [sflag:$0x2], $0x4000, $0x38;
	[tilespmem:$0x4400] =	vst v63  }
0x41: {  	_ =	swait.ge [sflag:s3], $0x4000  }
0x42: {  	s17 =	sadd.s32 $0xFFFFFFFF, s31;
	[sflag:s3] =	ssyncset.done $0x0  }
.LBB2_1:
0x43: {  	p0 =	sne.s32 s17, $0x1;
	s17 =	sadd.s32 $0xFFFFFFFF, s17;
	[sflag:s3] =	ssyncadd.s32 $0xFFFFC000  }
0x44: {  	[tilespmem:s2], [sflag:$0x2] =	stream.linear.gather [hbm4b:s4+s2], $0x400, $0x38;
	[tilespmem:$0x4400] =	vst v63  }
0x45: {  	_ =	swait.ge [sflag:s3], $0x400  }
0x46: {  	[sflag:s3] =	ssyncset.done $0x0  }
0x47: {  	[sflag:s3] =	ssyncadd.s32 $0xFFFFFC00  }
0x48: {  	[tilespmem:s6], [sflag:$0x1] =	stream.indirect.gather [hbm4b:s5+s6], $0x10, s2, s6, $0xb8;
	[tilespmem:$0x4400] =	vst v63  }
0x49: {  	_ =	swait.ge [sflag:s7], $0x4000  }
0x4a: {  	[sflag:s7] =	ssyncset.done $0x0  }
0x4b: {  	[sflag:s7] =	ssyncadd.s32 $0xFFFFC000  }
0x4c: {  	[hbm4b:s8+s2] =	stream.linear.scatter [tilespmem:s6], [sflag:$0x2], $0x4000, $0x38;
	[tilespmem:$0x4400] =	vst v63  }
0x4d: {  	_ =	swait.ge [sflag:s3], $0x4000  }
0x4e: {  	[sflag:s3] =	ssyncset.done $0x0  }
0x4f: {  	[sflag:s3] =	ssyncadd.s32 $0xFFFFC000  }
0x50: {  	[tilespmem:s2], [sflag:$0x2] =	stream.linear.gather [hbm4b:s9+s2], $0x400, $0x38;
	[tilespmem:$0x4400] =	vst v63  }
0x51: {  	_ =	swait.ge [sflag:s3], $0x400  }
0x52: {  	[sflag:s3] =	ssyncset.done $0x0  }
0x53: {  	[sflag:s3] =	ssyncadd.s32 $0xFFFFFC00  }
0x54: {  	[tilespmem:s6], [sflag:$0x1] =	stream.indirect.gather [hbm4b:s5+s6], $0x10, s2, s6, $0xb8;
	[tilespmem:$0x4400] =	vst v63  }
0x55: {  	_ =	swait.ge [sflag:s7], $0x4000  }
0x56: {  	[sflag:s7] =	ssyncset.done $0x0  }
0x57: {  	[sflag:s7] =	ssyncadd.s32 $0xFFFFC000  }
0x58: {  	[hbm4b:s10+s2] =	stream.linear.scatter [tilespmem:s6], [sflag:$0x2], $0x4000, $0x38;
	[tilespmem:$0x4400] =	vst v63  }
0x59: {  	_ =	swait.ge [sflag:s3], $0x4000  }
0x5a: {  	[sflag:s3] =	ssyncset.done $0x0  }
0x5b: {  	[sflag:s3] =	ssyncadd.s32 $0xFFFFC000  }
0x5c: {  	[tilespmem:s2], [sflag:$0x2] =	stream.linear.gather [hbm4b:s11+s2], $0x400, $0x38;
	[tilespmem:$0x4400] =	vst v63  }
0x5d: {  	_ =	swait.ge [sflag:s3], $0x400  }
0x5e: {  	[sflag:s3] =	ssyncset.done $0x0  }
0x5f: {  	[sflag:s3] =	ssyncadd.s32 $0xFFFFFC00  }
0x60: {  	[tilespmem:s6], [sflag:$0x1] =	stream.indirect.gather [hbm4b:s5+s6], $0x10, s2, s6, $0xb8;
	[tilespmem:$0x4400] =	vst v63  }
0x61: {  	_ =	swait.ge [sflag:s7], $0x4000  }
0x62: {  	[sflag:s7] =	ssyncset.done $0x0  }
0x63: {  	[sflag:s7] =	ssyncadd.s32 $0xFFFFC000  }
0x64: {  	[hbm4b:s12+s2] =	stream.linear.scatter [tilespmem:s6], [sflag:$0x2], $0x4000, $0x38;
	[tilespmem:$0x4400] =	vst v63  }
0x65: {  	_ =	swait.ge [sflag:s3], $0x4000  }
0x66: {  	[sflag:s3] =	ssyncset.done $0x0  }
0x67: {  	[sflag:s3] =	ssyncadd.s32 $0xFFFFC000  }
0x68: {  	[tilespmem:s2], [sflag:$0x2] =	stream.linear.gather [hbm4b:s13+s2], $0x400, $0x38;
	[tilespmem:$0x4400] =	vst v63  }
0x69: {  	_ =	swait.ge [sflag:s3], $0x400  }
0x6a: {  	[sflag:s3] =	ssyncset.done $0x0  }
0x6b: {  	[sflag:s3] =	ssyncadd.s32 $0xFFFFFC00  }
0x6c: {  	[tilespmem:s6], [sflag:$0x1] =	stream.indirect.gather [hbm4b:s5+s6], $0x10, s2, s6, $0xb8;
	[tilespmem:$0x4400] =	vst v63  }
0x6d: {  	_ =	swait.ge [sflag:s7], $0x4000  }
0x6e: {  	[sflag:s7] =	ssyncset.done $0x0  }
0x6f: {  	[sflag:s7] =	ssyncadd.s32 $0xFFFFC000  }
0x70: {  	[hbm4b:s14+s2] =	stream.linear.scatter [tilespmem:s6], [sflag:$0x2], $0x4000, $0x38;
	[tilespmem:$0x4400] =	vst v63  }
0x71: {  	_ =	swait.ge [sflag:s3], $0x4000  }
0x72: {  	[sflag:s3] =	ssyncset.done $0x0  }
0x73: {  	[sflag:s3] =	ssyncadd.s32 $0xFFFFC000  }
0x74: {  	[tilespmem:s2], [sflag:$0x2] =	stream.linear.gather [hbm4b:s15+s2], $0x400, $0x38;
	[tilespmem:$0x4400] =	vst v63  }
0x75: {  	_ =	swait.ge [sflag:s3], $0x400  }
0x76: {  	[sflag:s3] =	ssyncset.done $0x0  }
0x77: {  	[sflag:s3] =	ssyncadd.s32 $0xFFFFFC00  }
0x78: {  	[tilespmem:s6], [sflag:$0x1] =	stream.indirect.gather [hbm4b:s5+s6], $0x10, s2, s6, $0xb8;
	[tilespmem:$0x4400] =	vst v63  }
0x79: {  	_ =	swait.ge [sflag:s7], $0x4000  }
.Ltmp1:
0x7a: {  	[sflag:s7] =	ssyncset.done $0x0;
	(pc) =	sbr.rel @p0 .LBB2_1-.Ltmp1, $4  }
0x7b: {  	[sflag:s7] =	ssyncadd.s32 $0xFFFFC000  }
0x7c: {  	[hbm4b:s16+s2] =	stream.linear.scatter [tilespmem:s6], [sflag:$0x2], $0x4000, $0x38;
	[tilespmem:$0x4400] =	vst v63  }
0x7d: {  	_ =	swait.ge [sflag:s3], $0x4000  }
0x7e: {  	[sflag:s3] =	ssyncset.done $0x0  }
.LBB2_2:
0x7f: {  	[sflag:s3] =	ssyncadd.s32 $0xFFFFC000  }
0x80: {  	_ =	sfence.sel $0x180000  }
0x81: {  	[bflag:$0x0] =	sbarrier.arrive $0xFFFF  }
0x82: {  	p0 =	sne.s32 s0, $0x0;
	_ =	strace $0x9000004A  }
0x83: {  	s0 =	sadd.s32 @!p0 $0x100000, s1;
	[bflag:$0x2] =	sbarrier.arrive $0xFFFF  }
0x84: {  	[sflag:s0] =	ssyncadd.tile.s32 @!p0 $0x1;
	_ =	shalt  }
.Lfunc_end2:
_tile_overlayer_lowered:
.L_overlay_start_2:
0x85: {  	(tag) =	ssettag $0x2  }
0x86: {  	s0 =	rddreg [dreg:$0x0];
	s2 =	stileid.u32  }
0x87: {  	s1 =	rddreg [dreg:$0x1];
	p0 =	sne.s32 s2, $0x0  }
0x88: {  	s3 =	rddreg [dreg:$0x2];
	[bflag:$0x3] =	sbarrier.arrive $0xFFFF;
	s2 =	simm.s32 @!p0 $0x1C02  }
0x89: {  	[timem:s3], [sflag:s2] =	dma.local @!p0 [hbm:s0], s1  }
0x8a: {  	s0 =	simm.s32 @!p0 $0x2  }
0x8b: {  	_ =	swait.ge @!p0 [sflag:s0], s1  }
0x8c: {  	s1 =	ssub.s32 @!p0 $0x0, s1;
	[sflag:s0] =	ssyncset.done @!p0 $0x0  }
0x8d: {  	[sflag:s0] =	ssyncadd.s32 @!p0 s1  }
0x8e: {  	[bflag:$0x3] =	sbarrier.arrive $0xFFFF  }
0x8f: {  	_ =	shalt  }

// kernel: kernel.17.cloned.1.call-start
scs
__scs_entry_jumppad:
0x0: {  	(pc) =	sbr.rel $0x88, $3  }
0x1: {  	(tag) =	ssettag $0x0;
	lr =	simm.s32 $0x1  }
0x2: {  	[smem:$0x3F98] =	sst lr;
	_ =	strace $0xD0000000  }
0x3: {  	_ = 	snop  }
0x4: {  	_ = 	snop  }
0x5: {  	_ = 	snop  }
0x6: {  	_ = 	snop  }
0x7: {  	_ = 	snop  }
__scs_overlays_trampoline_lowered:
0x8: {  	[smem:$0x3FA7] =	sst s0  }
0x9: {  	[smem:$0x3FA8] =	sst s1  }
0xa: {  	[smem:$0x3FA9] =	sst s2  }
0xb: {  	[smem:$0x3FAA] =	sst s3  }
0xc: {  	[smem:$0x3FAB] =	sst s4  }
0xd: {  	[smem:$0x3FAC] =	sst s5  }
0xe: {  	[smem:$0x3FAD] =	sst s6  }
0xf: {  	[smem:$0x3FAE] =	sst s7  }
0x10: {  	[smem:$0x3FAF] =	sst s8  }
0x11: {  	[smem:$0x3FB0] =	sst s9;
	s0 =	simm.s32 @!p0 $0x0  }
0x12: {  	s1 =	sld [smem:$0x3F96];
	s0 =	simm.s32 @p0 $0x1  }
0x13: {  	[smem:$0x3FB1] =	sst s0;
	s0 =	simm.s32 @!p1 $0x0  }
0x14: {  	s2 =	sld [smem:$0x3F95];
	s0 =	simm.s32 @p1 $0x1  }
0x15: {  	[smem:$0x3FB2] =	sst s0;
	s0 =	simm.s32 @!p2 $0x0  }
0x16: {  	s3 =	sld [smem:$0x3FDB];
	s0 =	simm.s32 @p2 $0x1  }
0x17: {  	s4 =	simm.s32 $0x1BF5;
	[smem:$0x3FB4] =	sst s0  }
0x18: {  	s0 =	sld [smem:$0x3F97];
	_ =	swait.ge [sflag:s4], $0x0  }
0x19: {  	s7 =	sld [smem:$0x3F98]  }
0x1a: {  	s8 =	sadd.s32 $0xFFFFE003, lr  }
0x1b: {  	s9 =	sadd.s32 $0xFFFFFEF7, lr;
	s5 =	simm.s32 $0xFFFFFFFF;
	p2 =	slt.u32 s8, $0xFFFFF086  }
0x1c: {  	p1 =	slt.u32 s9, $0xF7A;
	s5 =	simm.s32 @!p2 $0x0  }
0x1d: {  	s5 =	simm.s32 @p1 $0x1;
	p0 =	seq.s32 s7, s2  }
0x1e: {  	s7 =	smul.u32 @!p0 $0xF7A, s2;
	p2 =	seq.s32 @!p0 s5, $0x0  }
0x1f: {  	s9 =	smul.u32 $0xF7A, s1;
	s8 =	simm.s32 @!p0 $0x1BF5;
	p2 =	por !p2, p0  }
0x20: {  	[sflag:s8] =	ssyncset.s32 @!p0 $0xFFFFF086;
	s6 =	sadd.s32 @!p0 s3, s7;
	s7 =	simm.s32 @!p0 $0x108  }
0x21: {  	s3 =	sadd.s32 s3, s9;
	s6 =	sadd.s32 @!p0 $0x88, s6;
	s7 =	simm.s32 @p2 $0x1082  }
0x22: {  	[simem:s7], [sflag:s8] =	dma.local @!p0 [hbm:s6], $0xF7A  }
0x23: {  	s9 =	sor.u32 $0xD0000000, s2;
	s6 =	simm.s32 $0x108;
	_ =	swait.ge @!p0 [sflag:s8], $0x0  }
0x24: {  	s3 =	sadd.s32 $0x88, s3;
	s6 =	simm.s32 @!p1 $0x1082;
	[sflag:s4] =	ssyncset.s32 $0xFFFFF086  }
0x25: {  	[simem:s6], [sflag:s4] =	dma.local [hbm:s3], $0xF7A  }
0x26: {  	[smem:$0x3F98] =	sst s1;
	(tag) =	ssettag s2;
	_ =	strace s9  }
0x27: {  	s1 =	sld [smem:$0x3FA8]  }
0x28: {  	s2 =	sld [smem:$0x3FA9]  }
0x29: {  	s4 =	sld [smem:$0x3FAB]  }
0x2a: {  	p0 =	seq.s32 s5, $0x0;
	s5 =	sld [smem:$0x3FAC]  }
0x2b: {  	s6 =	sld [smem:$0x3FAD]  }
0x2c: {  	s7 =	sld [smem:$0x3FAE]  }
0x2d: {  	s3 =	simm.s32 $0x108;
	s8 =	sld [smem:$0x3FAF]  }
0x2e: {  	s3 =	simm.s32 @!p0 $0x1082;
	s9 =	sld [smem:$0x3FB0]  }
0x2f: {  	lr =	sadd.s32 s0, s3;
	s0 =	sld [smem:$0x3FA7]  }
0x30: {  	s3 =	sld [smem:$0x3FAA]  }
0x31: {  	[smem:$0x3FB3] =	sst s10  }
0x32: {  	s10 =	sld [smem:$0x3FB1];
	_ =	sdelay $0x3  }
0x33: {  	p0 =	seq.s32 s10, $0x1;
	s10 =	sld [smem:$0x3FB3];
	_ =	sdelay $0x3  }
0x34: {  	[smem:$0x3FB3] =	sst s10  }
0x35: {  	s10 =	sld [smem:$0x3FB2];
	_ =	sdelay $0x3  }
0x36: {  	p1 =	seq.s32 s10, $0x1;
	s10 =	sld [smem:$0x3FB3];
	_ =	sdelay $0x3  }
0x37: {  	[smem:$0x3FB3] =	sst s10  }
0x38: {  	s10 =	sld [smem:$0x3FB4]  }
0x39: {  	_ = 	snop;
	(pc) =	sbr.ind lr, $3  }
0x3a: {  	_ = 	snop  }
0x3b: {  	_ = 	snop  }
0x3c: {  	p2 =	seq.s32 s10, $0x1;
	s10 =	sld [smem:$0x3FB3]  }
0x3d: {  	_ =	shalt  }
0x3e: {  	_ =	shalt  }
0x3f: {  	_ =	shalt  }
0x40: {  	_ =	shalt  }
0x41: {  	_ =	shalt  }
0x42: {  	_ =	shalt  }
0x43: {  	_ =	shalt  }
0x44: {  	_ =	shalt  }
0x45: {  	_ =	shalt  }
0x46: {  	_ =	shalt  }
0x47: {  	_ =	shalt  }
0x48: {  	_ =	shalt  }
0x49: {  	_ =	shalt  }
0x4a: {  	_ =	shalt  }
0x4b: {  	_ =	shalt  }
0x4c: {  	_ =	shalt  }
0x4d: {  	_ =	shalt  }
0x4e: {  	_ =	shalt  }
0x4f: {  	_ =	shalt  }
0x50: {  	_ =	shalt  }
0x51: {  	_ =	shalt  }
0x52: {  	_ =	shalt  }
0x53: {  	_ =	shalt  }
0x54: {  	_ =	shalt  }
0x55: {  	_ =	shalt  }
0x56: {  	_ =	shalt  }
0x57: {  	_ =	shalt  }
0x58: {  	_ =	shalt  }
0x59: {  	_ =	shalt  }
0x5a: {  	_ =	shalt  }
0x5b: {  	_ =	shalt  }
0x5c: {  	_ =	shalt  }
0x5d: {  	_ =	shalt  }
0x5e: {  	_ =	shalt  }
0x5f: {  	_ =	shalt  }
0x60: {  	_ =	shalt  }
0x61: {  	_ =	shalt  }
0x62: {  	_ =	shalt  }
0x63: {  	_ =	shalt  }
0x64: {  	_ =	shalt  }
0x65: {  	_ =	shalt  }
0x66: {  	_ =	shalt  }
0x67: {  	_ =	shalt  }
0x68: {  	_ =	shalt  }
0x69: {  	_ =	shalt  }
0x6a: {  	_ =	shalt  }
0x6b: {  	_ =	shalt  }
0x6c: {  	_ =	shalt  }
0x6d: {  	_ =	shalt  }
0x6e: {  	_ =	shalt  }
0x6f: {  	_ =	shalt  }
0x70: {  	_ =	shalt  }
0x71: {  	_ =	shalt  }
0x72: {  	_ =	shalt  }
0x73: {  	_ =	shalt  }
0x74: {  	_ =	shalt  }
0x75: {  	_ =	shalt  }
0x76: {  	_ =	shalt  }
0x77: {  	_ =	shalt  }
0x78: {  	_ =	shalt  }
0x79: {  	_ =	shalt  }
0x7a: {  	_ =	shalt  }
0x7b: {  	_ =	shalt  }
0x7c: {  	_ =	shalt  }
0x7d: {  	_ =	shalt  }
0x7e: {  	_ =	shalt  }
0x7f: {  	_ =	shalt  }
0x80: {  	_ =	shalt  }
0x81: {  	_ =	shalt  }
0x82: {  	_ =	shalt  }
0x83: {  	_ =	shalt  }
0x84: {  	_ =	shalt  }
0x85: {  	_ =	shalt  }
0x86: {  	_ =	shalt  }
0x87: {  	_ =	shalt  }
.Lfunc_end0:
.L_simem_size_0:
called_computation.2_lowered:
.L_overlay_start_0:
0x88: {  	s2 =	sld [smem:$0x3FD9]  }
0x89: {  	s3 =	sld [smem:$0x3FFE];
	_ =	sdelay $0x1  }
0x8a: {  	s1 =	srdreg.scid  }
0x8b: {  	s0 =	sand.u32 $0x1, s1  }
0x8c: {  	s16 =	sshll.u32 s0, $0xA;
	s2 =	sadd.s32 s3, s2  }
0x8d: {  	s2 =	sadd.s32 s2, s16  }
0x8e: {  	[smem:$0x3FBF] =	sst s2  }
0x8f: {  	_ = 	snop  }
0x90: {  	(tm) =	ssettm $0x1  }
0x91: {  	s17 =	sld [smem:$0x3FFB];
	_ =	sdelay $0x3  }
0x92: {  	_ =	strace s17  }
0x93: {  	s2 =	sld [smem:$0x3FFC];
	_ =	sdelay $0x3  }
0x94: {  	_ =	strace s2  }
0x95: {  	s2 =	sld [smem:$0x3FFD];
	_ =	sdelay $0x3  }
0x96: {  	_ =	strace s2  }
0x97: {  	_ =	strace $0x8FFFFFFF  }
0x98: {  	s18 =	sld [smem:$0x3FDB];
	_ =	sdelay $0x1  }
0x99: {  	s19 =	simm.s32 $_scs_section_size  }
0x9a: {  	s4 =	simm.s32 $_size__tile_overlayer_lowered;
	s5 =	simm.s32 $_tile_overlayer_lowered  }
0x9b: {  	s22 =	simm.s32 $0x1BFF;
	s21 =	sshll.u32 s5, $0x1;
	s2 =	sadd.s32 s19, s18  }
0x9c: {  	s6 =	simm.s32 $0x0;
	s20 =	sshll.u32 s4, $0x1;
	s4 =	sadd.s32 s21, s2  }
0x9d: {  	[timem:s6], [sflag:s22] =	dma.local [hbm:s4], s20  }
0x9e: {  	_ =	swait.ge [sflag:s22], s20  }
0x9f: {  	s3 =	ssub.s32 $0x0, s20;
	[sflag:s22] =	ssyncset.done $0x0  }
0xa0: {  	[sflag:s22] =	ssyncadd.s32 s3;
	_ =	sdelay $0x1  }
0xa1: {  	s23 =	simm.s32 $0x1B8B  }
0xa2: {  	_ =	swait.ge [sflag:s23], $0x1  }
0xa3: {  	[sflag:s23] =	ssyncset.done $0x0  }
0xa4: {  	s25 =	simm.s32 $0x1B8E;
	s24 =	sld [smem:$0x3FFE];
	[sflag:s23] =	ssyncadd.s32 $0xFFFFFFFF  }
0xa5: {  	s26 =	simm.s32 $execute0_lowered;
	[smem:$0x3FD2] =	sst s25  }
0xa6: {  	s4 =	sshll.u32 s26, $0x1;
	_ =	strace $0x8000004C;
	[dreg:$0x1] =	wrdreg $0xFFFFFFFF  }
0xa7: {  	s28 =	simm.s32 $_size_execute0_lowered;
	s2 =	sadd.s32 s2, s4;
	[dreg:$0x0] =	wrdreg $0x0  }
0xa8: {  	s4 =	sshll.u32 s28, $0x1;
	[dreg:$0x2] =	wrdreg s2  }
0xa9: {  	[dreg:$0x3] =	wrdreg s4  }
0xaa: {  	[dreg:$0x4] =	wrdreg $0xC0  }
0xab: {  	_ =	task [dreg:s6], $0x5FFFF  }
0xac: {  	[dreg:$0x1] =	wrdreg $0xFFFFFFFF  }
0xad: {  	[dreg:$0x0] =	wrdreg $0x60  }
0xae: {  	[dreg:$0x2] =	wrdreg s24  }
0xaf: {  	[dreg:$0x3] =	wrdreg $0x50000  }
0xb0: {  	[dreg:$0x4] =	wrdreg $0x9  }
0xb1: {  	_ =	task.clear_ibuf [dreg:s6], $0x5FFFF;
	_ =	strace $0x9000004C  }
0xb2: {  	s29 =	simm.s32 $0x9;
	_ =	strace $0x8000004E  }
0xb3: {  	_ =	swait.ge [sflag:s29], $0x1  }
0xb4: {  	[sflag:s29] =	ssyncadd.s32 $0xFFFFFFFF  }
0xb5: {  	_ =	strace $0x9000004E  }
0xb6: {  	_ =	sfence  }
0xb7: {  	s30 =	sld [smem:$0x0];
	_ =	sdelay $0x2  }
0xb8: {  	s31 =	sshll.u32 s1, $0xD;
	s1 =	sshrl.u32 s1, $0x2  }
0xb9: {  	s3 =	sand.u32 $0x4000, s31;
	s1 =	sadd.s32 s1, s30  }
0xba: {  	s0 =	sor.u32 s3, s0;
	s1 =	sshll.u32 s1, $0x11  }
0xbb: {  	s0 =	sor.u32 s1, s0  }
0xbc: {  	s0 =	sadd.s32 $0x8F2B, s0  }
0xbd: {  	[sflag:s0] =	ssyncadd.remote.s32 $0x1  }
0xbe: {  	_ =	sfence.sel $0xFFFF  }
0xbf: {  	[dreg:$0x0] =	wrdreg $0xFFFFFFFF;
	(pc) =	sbr.abs _section_cstart, $3  }
0xc0: {  	[dreg:$0x1] =	wrdreg $0xFFFFFFFF  }
0xc1: {  	_ =	task.clear_ibuf [dreg:s6], $0x2FFFF;
	_ =	strace $0x9FFFFFFF  }
0xc2: {  	(tm) =	ssettm $0x7FFFFFFF  }
0xc3: {  	_ =	shalt  }
tec
execute0_lowered:
.L_overlay_start_1:
0x0: {  	(tag) =	ssettag $0x1  }
0x1: {  	v0 =	vimm.s32 $0xEDCBA987;
	v1 =	vimm.s32 $0x65432100;
	v2 =	vimm.s32 $0x54321000  }
0x2: {  	v3 =	vimm.s32 $0xDCBA9876;
	v4 =	vimm.s32 $0xBA987654;
	v5 =	vimm.s32 $0x32100000  }
0x3: {  	v6 =	vimm.s32 $0xE40000;
	v7 =	vimm.s32 $0xFFEDCBA9;
	v8 =	vimm.s32 $0x87654321  }
0x4: {  	v9 =	vimm.s32 $0xFFFEDCBA;
	v10 =	vimm.s32 $0x98765432;
	vm0 =	vcmask $0x3F30  }
0x5: {  	vm7 =	vcmask $0x1F00;
	vm1 =	vcmask $0x3F08;
	vm2 =	vcmask $0x3F10  }
0x6: {  	v0 =	vunpack.c.l.s4.s8 v0;
	v1 =	vunpack.c.l.s4.s8 v1;
	v2 =	vunpack.c.l.s4.s8 v2  }
0x7: {  	v3 =	vunpack.c.l.s4.s8 v3;
	v4 =	vunpack.c.l.s4.s8 v4;
	v5 =	vunpack.c.l.s4.s8 v5  }
0x8: {  	v6 =	vunpack.c.l.s2.s4 v6;
	v7 =	vunpack.c.l.s4.s8 v7;
	v0 =	vunpack.c.0.s8.s32 v0  }
0x9: {  	v8 =	vunpack.c.l.s4.s8 v8;
	v9 =	vunpack.c.l.s4.s8 v9;
	v1 =	vunpack.c.0.s8.s32 v1  }
0xa: {  	v10 =	vunpack.c.l.s4.s8 v10;
	v3 =	vunpack.c.0.s8.s32 v3;
	v0 =	vand.u32 $0xF, v0  }
0xb: {  	s3 =	rddreg [dreg:$0x0];
	v7 =	vunpack.c.0.s8.s32 v7;
	v0 =	vcombine.low v1, v0;
	v1 =	vunpack.c.0.s8.s32 v2  }
0xc: {  	s6 =	rddreg [dreg:$0x1];
	v2 =	vunpack.c.0.s8.s32 v4;
	v4 =	vunpack.c.0.s8.s32 v5;
	v5 =	vunpack.c.l.s4.s8 v6  }
0xd: {  	s0 =	rddreg [dreg:$0x2];
	s2 =	simm.s32 $0x0;
	s4 =	srdreg.scid;
	v8 =	vunpack.c.0.s8.s32 v8;
	v9 =	vunpack.c.0.s8.s32 v9;
	v10 =	vunpack.c.0.s8.s32 v10  }
0xe: {  	s1 =	stileid.u32;
	s11 =	simm.s32 $0x3C00;
	s12 =	simm.s32 $0x7800;
	v6 =	vand.u32 $0xF, v2;
	v2 =	vimm.s32 $0x7060504;
	v5 =	vunpack.c.0.s8.s32 v5  }
0xf: {  	vm3 =	vcmask $0x3F20;
	s13 =	simm.s32 $0x7A80;
	s14 =	simm.s32 $0x0;
	s7 =	smul.u32 $0x280, s1;
	v3 =	vand.u32 $0xF, v3;
	v2 =	vunpack.c.0.s8.s32 v2  }
0x10: {  	s4 =	sand.u32 $0x1, s4;
	s5 =	sshll.u32 s1, $0x1;
	s9 =	smul.u32 $0xA000, s1;
	v7 =	vcombine.low v8, v7;
	v8 =	vcombine.low v10, v9;
	v5 =	vand.u32 $0x3, v5  }
0x11: {  	[smem:$0x7FF] =	sst s2;
	s5 =	sor.u32 s4, s5;
	s8 =	smul.u32 $0x2800, s4;
	v1 =	vcombine.low v1, v3;
	v2 =	vsel vm0, v2, v5;
	v5 =	vimm.s32 $0xFEDCBA98  }
0x12: {  	_ =	strace $0x8000004D;
	s4 =	ssub.s32 $0x2, s4;
	s5 =	smul.u32 $0x280, s5;
	v3 =	vcombine.low v4, v6;
	v4 =	vimm.s32 $0xF0E0D0C;
	v9 =	vunpack.c.l.s4.s8 v5  }
0x13: {  	vm4 =	vmmov $0x7fff;
	vm5 =	vmmov $0x3fff;
	s10 =	sshrl.u32 s4, $0x1;
	s9 =	sshrl.u32 s9, $0x2;
	s8 =	sadd.s32 s7, s8;
	v4 =	vunpack.c.0.s8.s32 v4  }
0x14: {  	s10 =	ssub.s32 s4, s10;
	s5 =	sadd.s32 s5, s3;
	s8 =	sshrl.u32 s8, $0x3;
	v6 =	vnsel vm7, $0xF, v6;
	vm0 =	vcmask $0x2F20;
	v9 =	vunpack.c.0.s8.s32 v9  }
0x15: {  	vm6 =	vmmov $0xfff;
	s8 =	sadd.s32 s8, s3;
	s3 =	sadd.s32 $0xC000, s5;
	s4 =	sadd.s32 $0x2000, s5;
	v4 =	vsel vm0, v4, v6;
	v5 =	vimm.f32 $-3.000000010e+38  }
0x16: {  	s5 =	sadd.s32 s9, s6;
	s6 =	sadd.s32 s7, s6;
	s9 =	simm.s32 $0x2800;
	v6 =	vand.u32 $0xF, v7;
	v7 =	vand.u32 $0xF, v8;
	v8 =	vand.u32 $0xF, v9  }
0x17: {  	s7 =	sadd.s32 $0x7000, s8;
	s8 =	smax.u32 s10, $0x1;
	s10 =	simm.s32 $0x1;
	vm0 =	vcmask $0x3F04;
	v8 =	vnsel vm7, $0xF, v8;
	vm7 =	vmmov $0xff  }
.LBB2_1:
0x18: {  	s15 =	simm.s32 $0x40;
	s16 =	simm.s32 $0x0  }
.LBB2_2:
0x19: {  	p0 =	sne.s32 s15, $0x9FC0;
	[tilespmem:s16+$0x0] =	vst v5;
	s16 =	smov.u32 s15;
	s15 =	sadd.s32 $0x40, s15  }
.Ltmp0:
0x1a: {  	(pc) =	sbr.rel @p0 .LBB2_2-.Ltmp0, $2  }
0x1b: {  	_ =	sdelay $0x2  }
0x1c: {  	s16 =	sshra.s32 s16, $0x2  }
0x1d: {  	[tilespmem:s16+$0x0] =	vst v5;
	s15 =	simm.s32 $0x0  }
0x1e: {  	[tilespmem:s9], [sflag:$0x1] =	stream.linear.gather [hbm4b:s3+s15], $0x1400, $0x38;
	[tilespmem:$0x7D00] =	vst v63  }
0x1f: {  	_ =	swait.ge [sflag:s10], $0x1400  }
0x20: {  	[sflag:s10] =	ssyncset.done $0x0  }
0x21: {  	[sflag:s10] =	ssyncadd.s32 $0xFFFFEC00  }
0x22: {  	[tilespmem:s11], [sflag:$0x1] =	stream.linear.gather [hbm4b:s4+s15], $0x1400, $0x38;
	[tilespmem:$0x7D00] =	vst v63  }
0x23: {  	_ =	swait.ge [sflag:s10], $0x1400  }
0x24: {  	[sflag:s10] =	ssyncset.done $0x0  }
0x25: {  	s16 =	simm.s32 $0x0;
	s15 =	simm.s32 $0x40;
	[sflag:s10] =	ssyncadd.s32 $0xFFFFEC00  }
.LBB2_4:
0x26: {  	p0 =	sne.s32 s15, $0x4FC0;
	v9 =	vld [tilespmem:s16+$0x2800]  }
0x27: {  	v10 =	vld [tilespmem:s16+$0x3C00];
	_ =	sdelay $0x3  }
0x28: {  	v9 =	vxor.u32 $0x80000000, v9  }
0x29: {  	(xrf1) =	vsort.ascd.msk.u32 $0xffff, v9, v10;
	_ =	sdelay $0xd  }
0x2a: {  	v9, v10, _ =	vpop (xrf1)  }
0x2b: {  	v9 =	vxor.u32 $0x80000000, v9  }
0x2c: {  	v11 =	vperm.xlane v9, v0  }
0x2d: {  	v12 =	vperm.xlane v10, v0  }
0x2e: {  	vm8 =	veq.s32 v11, v9  }
0x2f: {  	v11 =	vmax.f32 v10, v12;
	vm8 =	vmand vm8, vm0  }
0x30: {  	v10 =	vsel vm8, v11, v10;
	v11 =	vperm.xlane v9, v1  }
0x31: {  	v12 =	vperm.xlane v10, v1  }
0x32: {  	vm8 =	veq.s32 v11, v9  }
0x33: {  	vm8 =	vmand vm8, vm1;
	v11 =	vmax.f32 v10, v12  }
0x34: {  	v10 =	vsel vm8, v11, v10;
	v11 =	vperm.xlane v9, v3  }
0x35: {  	v12 =	vperm.xlane v10, v3  }
0x36: {  	vm8 =	veq.s32 v11, v9  }
0x37: {  	vm8 =	vmand vm8, vm2;
	v11 =	vmax.f32 v10, v12  }
0x38: {  	v10 =	vsel vm8, v11, v10;
	v11 =	vperm.xlane v9, v2  }
0x39: {  	v12 =	vperm.xlane v10, v2  }
0x3a: {  	vm8 =	veq.s32 v11, v9  }
0x3b: {  	vm8 =	vmand vm8, vm3;
	v11 =	vmax.f32 v10, v12  }
0x3c: {  	v10 =	vsel vm8, v11, v10;
	v11 =	vperm.xlane v9, v6  }
0x3d: {  	v12 =	vperm.xlane v10, v6  }
0x3e: {  	vm8 =	veq.s32 v11, v9  }
0x3f: {  	vm8 =	vmand vm8, vm4;
	v11 =	vmax.f32 v10, v12  }
0x40: {  	v10 =	vsel vm8, v11, v10;
	v11 =	vperm.xlane v9, v7  }
0x41: {  	v12 =	vperm.xlane v10, v7  }
0x42: {  	vm8 =	veq.s32 v11, v9  }
0x43: {  	vm8 =	vmand vm8, vm5;
	v11 =	vmax.f32 v10, v12  }
0x44: {  	v10 =	vsel vm8, v11, v10;
	v11 =	vperm.xlane v9, v4  }
0x45: {  	v12 =	vperm.xlane v10, v4  }
0x46: {  	vm8 =	veq.s32 v11, v9  }
0x47: {  	vm8 =	vmand vm8, vm6;
	v11 =	vmax.f32 v10, v12;
	v12 =	vld.idx.msk [tilespmem:v9+s2+$0x0], $0xffff  }
0x48: {  	v10 =	vsel vm8, v11, v10;
	v11 =	vperm.xlane v9, v8  }
0x49: {  	v13 =	vperm.xlane v10, v8  }
.Ltmp1:
0x4a: {  	vm8 =	veq.s32 v11, v9;
	(pc) =	sbr.rel @p0 .LBB2_4-.Ltmp1, $4  }
0x4b: {  	vm8 =	vmand vm8, vm7;
	v11 =	vmax.f32 v10, v13  }
0x4c: {  	v10 =	vsel vm8, v11, v10  }
0x4d: {  	v10 =	vmax.f32 v12, v10  }
0x4e: {  	s16 =	sshra.s32 s15, $0x2;
	s15 =	sadd.s32 $0x40, s15;
	[tilespmem:v9+s2+$0x0] =	vst.idx.msk $0xffff, v10  }
0x4f: {  	v9 =	vld [tilespmem:s16+$0x2800]  }
0x50: {  	v10 =	vld [tilespmem:s16+$0x3C00];
	_ =	sdelay $0x3  }
0x51: {  	v9 =	vxor.u32 $0x80000000, v9  }
0x52: {  	(xrf1) =	vsort.ascd.msk.u32 $0xffff, v9, v10;
	_ =	sdelay $0xd  }
0x53: {  	v9, v10, _ =	vpop (xrf1)  }
0x54: {  	v9 =	vxor.u32 $0x80000000, v9  }
0x55: {  	v11 =	vperm.xlane v9, v0  }
0x56: {  	v12 =	vperm.xlane v10, v0  }
0x57: {  	vm8 =	veq.s32 v11, v9  }
0x58: {  	v11 =	vmax.f32 v10, v12;
	vm8 =	vmand vm8, vm0  }
0x59: {  	v10 =	vsel vm8, v11, v10;
	v11 =	vperm.xlane v9, v1  }
0x5a: {  	v57 =	vperm.xlane v10, v1  }
0x5b: {  	vm8 =	veq.s32 v11, v9  }
0x5c: {  	vm8 =	vmand vm8, vm1;
	v11 =	vmax.f32 v10, v57  }
0x5d: {  	v10 =	vsel vm8, v11, v10;
	v11 =	vperm.xlane v9, v3  }
0x5e: {  	v58 =	vperm.xlane v10, v3  }
0x5f: {  	vm8 =	veq.s32 v11, v9  }
0x60: {  	vm8 =	vmand vm8, vm2;
	v11 =	vmax.f32 v10, v58  }
0x61: {  	v10 =	vsel vm8, v11, v10;
	v11 =	vperm.xlane v9, v2  }
0x62: {  	v59 =	vperm.xlane v10, v2  }
0x63: {  	vm8 =	veq.s32 v11, v9  }
0x64: {  	vm8 =	vmand vm8, vm3;
	v11 =	vmax.f32 v10, v59  }
0x65: {  	v10 =	vsel vm8, v11, v10;
	v11 =	vperm.xlane v9, v6  }
0x66: {  	v60 =	vperm.xlane v10, v6  }
0x67: {  	vm8 =	veq.s32 v11, v9  }
0x68: {  	vm8 =	vmand vm8, vm4;
	v11 =	vmax.f32 v10, v60  }
0x69: {  	v10 =	vsel vm8, v11, v10;
	v11 =	vperm.xlane v9, v7  }
0x6a: {  	v61 =	vperm.xlane v10, v7  }
0x6b: {  	vm8 =	veq.s32 v11, v9  }
0x6c: {  	vm8 =	vmand vm8, vm5;
	v11 =	vmax.f32 v10, v61  }
0x6d: {  	v10 =	vsel vm8, v11, v10;
	v11 =	vperm.xlane v9, v4  }
0x6e: {  	v62 =	vperm.xlane v10, v4  }
0x6f: {  	vm8 =	veq.s32 v11, v9  }
0x70: {  	vm8 =	vmand vm8, vm6;
	v11 =	vmax.f32 v10, v62  }
0x71: {  	v63 =	vld.idx.msk [tilespmem:v9+s2+$0x0], $0xffff;
	v10 =	vsel vm8, v11, v10;
	v11 =	vperm.xlane v9, v8  }
0x72: {  	v13 =	vperm.xlane v10, v8  }
0x73: {  	vm8 =	veq.s32 v11, v9  }
0x74: {  	vm8 =	vmand vm8, vm7;
	v11 =	vmax.f32 v10, v13  }
0x75: {  	v10 =	vsel vm8, v11, v10  }
0x76: {  	v10 =	vmax.f32 v63, v10  }
0x77: {  	s15 =	simm.s32 $0x1;
	[tilespmem:v9+s2+$0x0] =	vst.idx.msk $0xffff, v10  }
0x78: {  	[spmem:s5] =	stream.linear.scatter [tilespmem:s2], [sflag:$0x1], $0x2800, $0x38;
	[tilespmem:$0x7D00] =	vst v63  }
0x79: {  	_ =	swait.ge [sflag:s15], $0x2800  }
0x7a: {  	[sflag:s15] =	ssyncset.done $0x0  }
0x7b: {  	[sflag:s15] =	ssyncadd.s32 $0xFFFFD800  }
0x7c: {  	[bflag:$0x0] =	sbarrier.arrive $0xFFFF  }
0x7d: {  	[tilespmem:s12], [sflag:$0x1] =	stream.linear.gather [spmem:s6], $0x280, $0x38;
	[tilespmem:$0x7D00] =	vst v63  }
0x7e: {  	_ =	swait.ge [sflag:s15], $0x280  }
0x7f: {  	[sflag:s15] =	ssyncset.done $0x0  }
0x80: {  	[sflag:s15] =	ssyncadd.s32 $0xFFFFFD80  }
.LBB2_6:
0x81: {  	s16 =	smul.u32 $0xA000, s15;
	_ =	sdelay $0x1  }
0x82: {  	s16 =	sshra.s32 s16, $0x2  }
0x83: {  	s16 =	sadd.s32 s16, s6  }
0x84: {  	[tilespmem:s13], [sflag:$0x1] =	stream.linear.gather [spmem:s16], $0x280, $0x38;
	[tilespmem:$0x7D00] =	vst v63  }
0x85: {  	_ =	swait.ge [sflag:s10], $0x280  }
0x86: {  	[sflag:s10] =	ssyncset.done $0x0  }
0x87: {  	s16 =	simm.s32 $0x0;
	[sflag:s10] =	ssyncadd.s32 $0xFFFFFD80  }
0x88: {  	s17 =	simm.s32 $0x40;
	v9 =	vld [tilespmem:s16+$0x7A80]  }
.LBB2_7:
0x89: {  	p0 =	sne.s32 s17, $0x9C0;
	v10 =	vld [tilespmem:s16+$0x7800];
	_ =	sdelay $0x1  }
.Ltmp2:
0x8a: {  	(pc) =	sbr.rel @p0 .LBB2_7-.Ltmp2, $3  }
0x8b: {  	_ =	sdelay $0x1  }
0x8c: {  	s18 =	sshra.s32 s17, $0x2;
	v10 =	vmax.f32 v10, v9  }
0x8d: {  	s17 =	sadd.s32 $0x40, s17;
	v9 =	vld [tilespmem:s18+$0x7A80];
	[tilespmem:s16+$0x7800] =	vst v10;
	s16 =	smov.u32 s18  }
0x8e: {  	v10 =	vld [tilespmem:s16+$0x7800];
	s15 =	sadd.s32 $0x1, s15  }
0x8f: {  	p0 =	sne.s32 s15, $0x10  }
.Ltmp3:
0x90: {  	_ = 	snop;
	(pc) =	sbr.rel @p0 .LBB2_6-.Ltmp3, $3  }
0x91: {  	_ =	sdelay $0x1  }
0x92: {  	v9 =	vmax.f32 v10, v9  }
0x93: {  	[tilespmem:s16+$0x7800] =	vst v9  }
0x94: {  	s14 =	sadd.s32 $0x1, s14  }
0x95: {  	p0 =	sne.s32 s14, s8  }
.Ltmp4:
0x96: {  	_ = 	snop;
	(pc) =	sbr.rel @p0 .LBB2_1-.Ltmp4, $4  }
0x97: {  	[hbm4b:s7+s2] =	stream.linear.scatter [tilespmem:s12], [sflag:$0x1], $0x280, $0x38;
	[tilespmem:$0x7D00] =	vst v63  }
0x98: {  	_ =	swait.ge [sflag:s10], $0x280  }
0x99: {  	[sflag:s10] =	ssyncset.done $0x0  }
0x9a: {  	[sflag:s10] =	ssyncadd.s32 $0xFFFFFD80  }
0x9b: {  	_ =	sfence.sel $0x180000  }
0x9c: {  	[bflag:$0x0] =	sbarrier.arrive $0xFFFF  }
0x9d: {  	p0 =	sne.s32 s1, $0x0;
	_ =	strace $0x9000004D  }
0x9e: {  	s0 =	sadd.s32 @!p0 $0x100000, s0;
	[bflag:$0x2] =	sbarrier.arrive $0xFFFF  }
0x9f: {  	[sflag:s0] =	ssyncadd.tile.s32 @!p0 $0x1;
	_ =	shalt  }
.Lfunc_end2:
_tile_overlayer_lowered:
.L_overlay_start_2:
0xa0: {  	(tag) =	ssettag $0x2  }
0xa1: {  	s0 =	rddreg [dreg:$0x0];
	s2 =	stileid.u32  }
0xa2: {  	s1 =	rddreg [dreg:$0x1];
	p0 =	sne.s32 s2, $0x0  }
0xa3: {  	s3 =	rddreg [dreg:$0x2];
	[bflag:$0x3] =	sbarrier.arrive $0xFFFF;
	s2 =	simm.s32 @!p0 $0x1C01  }
0xa4: {  	[timem:s3], [sflag:s2] =	dma.local @!p0 [hbm:s0], s1  }
0xa5: {  	s0 =	simm.s32 @!p0 $0x1  }
0xa6: {  	_ =	swait.ge @!p0 [sflag:s0], s1  }
0xa7: {  	s1 =	ssub.s32 @!p0 $0x0, s1;
	[sflag:s0] =	ssyncset.done @!p0 $0x0  }
0xa8: {  	[sflag:s0] =	ssyncadd.s32 @!p0 s1  }
0xa9: {  	[bflag:$0x3] =	sbarrier.arrive $0xFFFF  }
0xaa: {  	_ =	shalt  }

// kernel: kernel.20.cloned.1.call-start
scs
__scs_entry_jumppad:
0x0: {  	(pc) =	sbr.rel $0x88, $3  }
0x1: {  	(tag) =	ssettag $0x0;
	lr =	simm.s32 $0x1  }
0x2: {  	[smem:$0x3F98] =	sst lr;
	_ =	strace $0xD0000000  }
0x3: {  	_ = 	snop  }
0x4: {  	_ = 	snop  }
0x5: {  	_ = 	snop  }
0x6: {  	_ = 	snop  }
0x7: {  	_ = 	snop  }
__scs_overlays_trampoline_lowered:
0x8: {  	[smem:$0x3FA7] =	sst s0  }
0x9: {  	[smem:$0x3FA8] =	sst s1  }
0xa: {  	[smem:$0x3FA9] =	sst s2  }
0xb: {  	[smem:$0x3FAA] =	sst s3  }
0xc: {  	[smem:$0x3FAB] =	sst s4  }
0xd: {  	[smem:$0x3FAC] =	sst s5  }
0xe: {  	[smem:$0x3FAD] =	sst s6  }
0xf: {  	[smem:$0x3FAE] =	sst s7  }
0x10: {  	[smem:$0x3FAF] =	sst s8  }
0x11: {  	[smem:$0x3FB0] =	sst s9;
	s0 =	simm.s32 @!p0 $0x0  }
0x12: {  	s1 =	sld [smem:$0x3F96];
	s0 =	simm.s32 @p0 $0x1  }
0x13: {  	[smem:$0x3FB1] =	sst s0;
	s0 =	simm.s32 @!p1 $0x0  }
0x14: {  	s2 =	sld [smem:$0x3F95];
	s0 =	simm.s32 @p1 $0x1  }
0x15: {  	[smem:$0x3FB2] =	sst s0;
	s0 =	simm.s32 @!p2 $0x0  }
0x16: {  	s3 =	sld [smem:$0x3FDB];
	s0 =	simm.s32 @p2 $0x1  }
0x17: {  	s4 =	simm.s32 $0x1BF5;
	[smem:$0x3FB4] =	sst s0  }
0x18: {  	s0 =	sld [smem:$0x3F97];
	_ =	swait.ge [sflag:s4], $0x0  }
0x19: {  	s7 =	sld [smem:$0x3F98]  }
0x1a: {  	s8 =	sadd.s32 $0xFFFFE003, lr  }
0x1b: {  	s9 =	sadd.s32 $0xFFFFFEF7, lr;
	s5 =	simm.s32 $0xFFFFFFFF;
	p2 =	slt.u32 s8, $0xFFFFF086  }
0x1c: {  	p1 =	slt.u32 s9, $0xF7A;
	s5 =	simm.s32 @!p2 $0x0  }
0x1d: {  	s5 =	simm.s32 @p1 $0x1;
	p0 =	seq.s32 s7, s2  }
0x1e: {  	s7 =	smul.u32 @!p0 $0xF7A, s2;
	p2 =	seq.s32 @!p0 s5, $0x0  }
0x1f: {  	s9 =	smul.u32 $0xF7A, s1;
	s8 =	simm.s32 @!p0 $0x1BF5;
	p2 =	por !p2, p0  }
0x20: {  	[sflag:s8] =	ssyncset.s32 @!p0 $0xFFFFF086;
	s6 =	sadd.s32 @!p0 s3, s7;
	s7 =	simm.s32 @!p0 $0x108  }
0x21: {  	s3 =	sadd.s32 s3, s9;
	s6 =	sadd.s32 @!p0 $0x88, s6;
	s7 =	simm.s32 @p2 $0x1082  }
0x22: {  	[simem:s7], [sflag:s8] =	dma.local @!p0 [hbm:s6], $0xF7A  }
0x23: {  	s9 =	sor.u32 $0xD0000000, s2;
	s6 =	simm.s32 $0x108;
	_ =	swait.ge @!p0 [sflag:s8], $0x0  }
0x24: {  	s3 =	sadd.s32 $0x88, s3;
	s6 =	simm.s32 @!p1 $0x1082;
	[sflag:s4] =	ssyncset.s32 $0xFFFFF086  }
0x25: {  	[simem:s6], [sflag:s4] =	dma.local [hbm:s3], $0xF7A  }
0x26: {  	[smem:$0x3F98] =	sst s1;
	(tag) =	ssettag s2;
	_ =	strace s9  }
0x27: {  	s1 =	sld [smem:$0x3FA8]  }
0x28: {  	s2 =	sld [smem:$0x3FA9]  }
0x29: {  	s4 =	sld [smem:$0x3FAB]  }
0x2a: {  	p0 =	seq.s32 s5, $0x0;
	s5 =	sld [smem:$0x3FAC]  }
0x2b: {  	s6 =	sld [smem:$0x3FAD]  }
0x2c: {  	s7 =	sld [smem:$0x3FAE]  }
0x2d: {  	s3 =	simm.s32 $0x108;
	s8 =	sld [smem:$0x3FAF]  }
0x2e: {  	s3 =	simm.s32 @!p0 $0x1082;
	s9 =	sld [smem:$0x3FB0]  }
0x2f: {  	lr =	sadd.s32 s0, s3;
	s0 =	sld [smem:$0x3FA7]  }
0x30: {  	s3 =	sld [smem:$0x3FAA]  }
0x31: {  	[smem:$0x3FB3] =	sst s10  }
0x32: {  	s10 =	sld [smem:$0x3FB1];
	_ =	sdelay $0x3  }
0x33: {  	p0 =	seq.s32 s10, $0x1;
	s10 =	sld [smem:$0x3FB3];
	_ =	sdelay $0x3  }
0x34: {  	[smem:$0x3FB3] =	sst s10  }
0x35: {  	s10 =	sld [smem:$0x3FB2];
	_ =	sdelay $0x3  }
0x36: {  	p1 =	seq.s32 s10, $0x1;
	s10 =	sld [smem:$0x3FB3];
	_ =	sdelay $0x3  }
0x37: {  	[smem:$0x3FB3] =	sst s10  }
0x38: {  	s10 =	sld [smem:$0x3FB4]  }
0x39: {  	_ = 	snop;
	(pc) =	sbr.ind lr, $3  }
0x3a: {  	_ = 	snop  }
0x3b: {  	_ = 	snop  }
0x3c: {  	p2 =	seq.s32 s10, $0x1;
	s10 =	sld [smem:$0x3FB3]  }
0x3d: {  	_ =	shalt  }
0x3e: {  	_ =	shalt  }
0x3f: {  	_ =	shalt  }
0x40: {  	_ =	shalt  }
0x41: {  	_ =	shalt  }
0x42: {  	_ =	shalt  }
0x43: {  	_ =	shalt  }
0x44: {  	_ =	shalt  }
0x45: {  	_ =	shalt  }
0x46: {  	_ =	shalt  }
0x47: {  	_ =	shalt  }
0x48: {  	_ =	shalt  }
0x49: {  	_ =	shalt  }
0x4a: {  	_ =	shalt  }
0x4b: {  	_ =	shalt  }
0x4c: {  	_ =	shalt  }
0x4d: {  	_ =	shalt  }
0x4e: {  	_ =	shalt  }
0x4f: {  	_ =	shalt  }
0x50: {  	_ =	shalt  }
0x51: {  	_ =	shalt  }
0x52: {  	_ =	shalt  }
0x53: {  	_ =	shalt  }
0x54: {  	_ =	shalt  }
0x55: {  	_ =	shalt  }
0x56: {  	_ =	shalt  }
0x57: {  	_ =	shalt  }
0x58: {  	_ =	shalt  }
0x59: {  	_ =	shalt  }
0x5a: {  	_ =	shalt  }
0x5b: {  	_ =	shalt  }
0x5c: {  	_ =	shalt  }
0x5d: {  	_ =	shalt  }
0x5e: {  	_ =	shalt  }
0x5f: {  	_ =	shalt  }
0x60: {  	_ =	shalt  }
0x61: {  	_ =	shalt  }
0x62: {  	_ =	shalt  }
0x63: {  	_ =	shalt  }
0x64: {  	_ =	shalt  }
0x65: {  	_ =	shalt  }
0x66: {  	_ =	shalt  }
0x67: {  	_ =	shalt  }
0x68: {  	_ =	shalt  }
0x69: {  	_ =	shalt  }
0x6a: {  	_ =	shalt  }
0x6b: {  	_ =	shalt  }
0x6c: {  	_ =	shalt  }
0x6d: {  	_ =	shalt  }
0x6e: {  	_ =	shalt  }
0x6f: {  	_ =	shalt  }
0x70: {  	_ =	shalt  }
0x71: {  	_ =	shalt  }
0x72: {  	_ =	shalt  }
0x73: {  	_ =	shalt  }
0x74: {  	_ =	shalt  }
0x75: {  	_ =	shalt  }
0x76: {  	_ =	shalt  }
0x77: {  	_ =	shalt  }
0x78: {  	_ =	shalt  }
0x79: {  	_ =	shalt  }
0x7a: {  	_ =	shalt  }
0x7b: {  	_ =	shalt  }
0x7c: {  	_ =	shalt  }
0x7d: {  	_ =	shalt  }
0x7e: {  	_ =	shalt  }
0x7f: {  	_ =	shalt  }
0x80: {  	_ =	shalt  }
0x81: {  	_ =	shalt  }
0x82: {  	_ =	shalt  }
0x83: {  	_ =	shalt  }
0x84: {  	_ =	shalt  }
0x85: {  	_ =	shalt  }
0x86: {  	_ =	shalt  }
0x87: {  	_ =	shalt  }
.Lfunc_end0:
.L_simem_size_0:
called_computation.3_lowered:
.L_overlay_start_0:
0x88: {  	s2 =	sld [smem:$0x3FD9]  }
0x89: {  	s3 =	sld [smem:$0x3FFE];
	_ =	sdelay $0x1  }
0x8a: {  	s1 =	srdreg.scid  }
0x8b: {  	s0 =	sand.u32 $0x1, s1  }
0x8c: {  	s17 =	sshll.u32 s0, $0xA;
	s2 =	sadd.s32 s3, s2  }
0x8d: {  	s2 =	sadd.s32 s2, s17  }
0x8e: {  	[smem:$0x3FBF] =	sst s2  }
0x8f: {  	_ = 	snop  }
0x90: {  	s2 =	sld [smem:$0x3FD0];
	(tm) =	ssettm $0x1  }
0x91: {  	s18 =	sld [smem:$0x3FFB];
	_ =	sdelay $0x3  }
0x92: {  	_ =	strace s18  }
0x93: {  	s3 =	sld [smem:$0x3FFC];
	_ =	sdelay $0x3  }
0x94: {  	_ =	strace s3  }
0x95: {  	s3 =	sld [smem:$0x3FFD];
	_ =	sdelay $0x3  }
0x96: {  	_ =	strace s3  }
0x97: {  	_ =	strace $0x8FFFFFFF  }
0x98: {  	s19 =	sld [smem:$0x3FDB];
	_ =	sdelay $0x1  }
0x99: {  	s4 =	simm.s32 $_scs_section_size  }
0x9a: {  	s5 =	simm.s32 $_size__tile_overlayer_lowered;
	s6 =	simm.s32 $_tile_overlayer_lowered  }
0x9b: {  	s22 =	simm.s32 $0x1BFF;
	s21 =	sshll.u32 s6, $0x1;
	s3 =	sadd.s32 s4, s19  }
0x9c: {  	s7 =	simm.s32 $0x0;
	s20 =	sshll.u32 s5, $0x1;
	s5 =	sadd.s32 s21, s3  }
0x9d: {  	[timem:s7], [sflag:s22] =	dma.local [hbm:s5], s20  }
0x9e: {  	_ =	swait.ge [sflag:s22], s20  }
0x9f: {  	s4 =	ssub.s32 $0x0, s20;
	[sflag:s22] =	ssyncset.done $0x0  }
0xa0: {  	[sflag:s22] =	ssyncadd.s32 s4;
	_ =	sdelay $0x1  }
0xa1: {  	s23 =	simm.s32 $0x1B8B  }
0xa2: {  	_ =	swait.ge [sflag:s23], $0x1  }
0xa3: {  	[sflag:s23] =	ssyncset.done $0x0  }
0xa4: {  	s25 =	simm.s32 $0x1B8E;
	s24 =	sld [smem:$0x3FFE];
	[sflag:s23] =	ssyncadd.s32 $0xFFFFFFFF  }
0xa5: {  	s26 =	simm.s32 $execute0_lowered;
	[smem:$0x3FD2] =	sst s25  }
0xa6: {  	s5 =	sshll.u32 s26, $0x1;
	_ =	strace $0x8000004F;
	[dreg:$0x1] =	wrdreg $0xFFFFFFFF  }
0xa7: {  	s28 =	simm.s32 $_size_execute0_lowered;
	s3 =	sadd.s32 s3, s5;
	[dreg:$0x0] =	wrdreg $0x0  }
0xa8: {  	s5 =	sshll.u32 s28, $0x1;
	[dreg:$0x2] =	wrdreg s3  }
0xa9: {  	[dreg:$0x3] =	wrdreg s5  }
0xaa: {  	[dreg:$0x4] =	wrdreg $0xC0  }
0xab: {  	_ =	task [dreg:s7], $0x5FFFF  }
0xac: {  	[dreg:$0x1] =	wrdreg $0xFFFFFFFF  }
0xad: {  	[dreg:$0x0] =	wrdreg $0x60  }
0xae: {  	[dreg:$0x2] =	wrdreg s24  }
0xaf: {  	[dreg:$0x3] =	wrdreg s2  }
0xb0: {  	[dreg:$0x4] =	wrdreg $0xB4000  }
0xb1: {  	[dreg:$0x5] =	wrdreg $0x9  }
0xb2: {  	_ =	task.clear_ibuf [dreg:s7], $0x6FFFF;
	_ =	strace $0x9000004F  }
0xb3: {  	s29 =	simm.s32 $0x9;
	_ =	strace $0x80000051  }
0xb4: {  	_ =	swait.ge [sflag:s29], $0x1  }
0xb5: {  	[sflag:s29] =	ssyncadd.s32 $0xFFFFFFFF  }
0xb6: {  	_ =	strace $0x90000051  }
0xb7: {  	_ =	sfence  }
0xb8: {  	s30 =	sld [smem:$0x0];
	_ =	sdelay $0x2  }
0xb9: {  	s31 =	sshll.u32 s1, $0xD;
	s1 =	sshrl.u32 s1, $0x2  }
0xba: {  	s3 =	sand.u32 $0x4000, s31;
	s1 =	sadd.s32 s1, s30  }
0xbb: {  	s0 =	sor.u32 s3, s0;
	s1 =	sshll.u32 s1, $0x11  }
0xbc: {  	s0 =	sor.u32 s1, s0  }
0xbd: {  	s0 =	sadd.s32 $0x8F2B, s0  }
0xbe: {  	[sflag:s0] =	ssyncadd.remote.s32 $0x1  }
0xbf: {  	_ =	sfence.sel $0xFFFF  }
0xc0: {  	[dreg:$0x0] =	wrdreg $0xFFFFFFFF;
	(pc) =	sbr.abs _section_cstart, $3  }
0xc1: {  	[dreg:$0x1] =	wrdreg $0xFFFFFFFF  }
0xc2: {  	_ =	task.clear_ibuf [dreg:s7], $0x2FFFF;
	_ =	strace $0x9FFFFFFF  }
0xc3: {  	(tm) =	ssettm $0x7FFFFFFF  }
tec
execute0_lowered:
.L_overlay_start_1:
0x0: {  	(tag) =	ssettag $0x1  }
0x1: {  	v0 =	vimm.s32 $0xEDCBA987;
	v1 =	vimm.s32 $0x65432100;
	v2 =	vimm.s32 $0x54321000  }
0x2: {  	v3 =	vimm.s32 $0xDCBA9876;
	v4 =	vimm.s32 $0xBA987654;
	v5 =	vimm.s32 $0x32100000  }
0x3: {  	v6 =	vimm.s32 $0xE40000;
	v7 =	vimm.s32 $0xFFEDCBA9;
	v8 =	vimm.s32 $0x87654321  }
0x4: {  	v9 =	vimm.s32 $0xFFFEDCBA;
	v10 =	vimm.s32 $0x98765432;
	vm0 =	vcmask $0x3F30  }
0x5: {  	vm7 =	vcmask $0x1F00;
	vm1 =	vcmask $0x3F08;
	vm2 =	vcmask $0x3F10  }
0x6: {  	v0 =	vunpack.c.l.s4.s8 v0;
	v1 =	vunpack.c.l.s4.s8 v1;
	v2 =	vunpack.c.l.s4.s8 v2  }
0x7: {  	v3 =	vunpack.c.l.s4.s8 v3;
	v4 =	vunpack.c.l.s4.s8 v4;
	v5 =	vunpack.c.l.s4.s8 v5  }
0x8: {  	v6 =	vunpack.c.l.s2.s4 v6;
	v7 =	vunpack.c.l.s4.s8 v7;
	v0 =	vunpack.c.0.s8.s32 v0  }
0x9: {  	s4 =	rddreg [dreg:$0x0];
	v8 =	vunpack.c.l.s4.s8 v8;
	v9 =	vunpack.c.l.s4.s8 v9;
	v1 =	vunpack.c.0.s8.s32 v1  }
0xa: {  	s10 =	rddreg [dreg:$0x1];
	s1 =	srdreg.scid;
	v10 =	vunpack.c.l.s4.s8 v10;
	v3 =	vunpack.c.0.s8.s32 v3;
	v0 =	vand.u32 $0xF, v0  }
0xb: {  	s0 =	stileid.u32;
	s9 =	rddreg [dreg:$0x2];
	v7 =	vunpack.c.0.s8.s32 v7;
	v0 =	vcombine.low v1, v0;
	v1 =	vunpack.c.0.s8.s32 v2  }
0xc: {  	s2 =	simm.s32 $0x0;
	s15 =	simm.s32 $0x8C00;
	s16 =	simm.s32 $0x5000;
	v2 =	vunpack.c.0.s8.s32 v4;
	v4 =	vunpack.c.0.s8.s32 v5;
	v5 =	vunpack.c.l.s4.s8 v6  }
0xd: {  	s17 =	simm.s32 $0xA000;
	s18 =	simm.s32 $0xDC00;
	s19 =	simm.s32 $0xDE80;
	v8 =	vunpack.c.0.s8.s32 v8;
	v9 =	vunpack.c.0.s8.s32 v9;
	v10 =	vunpack.c.0.s8.s32 v10  }
0xe: {  	s20 =	simm.s32 $0x0;
	s5 =	sand.u32 $0x1, s1;
	s7 =	smul.u32 $0xA000, s0;
	v6 =	vand.u32 $0xF, v2;
	v2 =	vimm.s32 $0x7060504;
	v5 =	vunpack.c.0.s8.s32 v5  }
0xf: {  	vm3 =	vcmask $0x3F20;
	s3 =	sshll.u32 s0, $0x1;
	s1 =	rddreg [dreg:$0x3];
	s11 =	smul.u32 $0x280, s0;
	v3 =	vand.u32 $0xF, v3;
	v2 =	vunpack.c.0.s8.s32 v2  }
0x10: {  	[smem:$0x7FF] =	sst s2;
	s3 =	sor.u32 s5, s3;
	s13 =	smul.u32 $0x2800, s5;
	v7 =	vcombine.low v8, v7;
	v8 =	vcombine.low v10, v9;
	v5 =	vand.u32 $0x3, v5  }
0x11: {  	_ =	strace $0x80000050;
	s8 =	ssub.s32 $0x2, s5;
	s6 =	smul.u32 $0x280, s3;
	v1 =	vcombine.low v1, v3;
	v2 =	vsel vm0, v2, v5;
	v5 =	vimm.s32 $0xFEDCBA98  }
0x12: {  	s3 =	sadd.s32 $0x7000, s4;
	s29 =	sshrl.u32 s8, $0x1;
	s30 =	sshrl.u32 s7, $0x2;
	v3 =	vcombine.low v4, v6;
	v4 =	vimm.s32 $0xF0E0D0C;
	v9 =	vunpack.c.l.s4.s8 v5  }
0x13: {  	vm4 =	vmmov $0x7fff;
	vm5 =	vmmov $0x3fff;
	s14 =	ssub.s32 s8, s29;
	s13 =	sadd.s32 s11, s13;
	s8 =	sadd.s32 s30, s9;
	v4 =	vunpack.c.0.s8.s32 v4  }
0x14: {  	s9 =	sadd.s32 s11, s9;
	s12 =	sadd.s32 s6, s4;
	s4 =	sadd.s32 $0x7500, s4;
	v6 =	vnsel vm7, $0xF, v6;
	vm0 =	vcmask $0x2F20;
	v9 =	vunpack.c.0.s8.s32 v9  }
0x15: {  	vm6 =	vmmov $0xfff;
	s31 =	sshrl.u32 s13, $0x3;
	s11 =	smax.u32 s14, $0x1;
	s13 =	simm.s32 $0x2800;
	v4 =	vsel vm0, v4, v6;
	v5 =	vimm.f32 $0.0e+00  }
0x16: {  	s14 =	simm.s32 $0x7800;
	s5 =	sadd.s32 $0xC000, s12;
	s6 =	sadd.s32 $0x2000, s12;
	v6 =	vand.u32 $0xF, v7;
	v7 =	vand.u32 $0xF, v8;
	v8 =	vand.u32 $0xF, v9  }
0x17: {  	s7 =	sadd.s32 $0x11000, s12;
	s10 =	sadd.s32 s10, s31;
	s12 =	simm.s32 $0x1;
	vm0 =	vcmask $0x3F04;
	v8 =	vnsel vm7, $0xF, v8;
	vm7 =	vmmov $0xff  }
.LBB2_1:
0x18: {  	[tilespmem:s2], [sflag:$0x1] =	stream.linear.gather [hbm4b:s3+s2], $0x2800, $0x38;
	[tilespmem:$0xE100] =	vst v63  }
0x19: {  	_ =	swait.ge [sflag:s12], $0x2800  }
0x1a: {  	[sflag:s12] =	ssyncset.done $0x0  }
0x1b: {  	[sflag:s12] =	ssyncadd.s32 $0xFFFFD800  }
0x1c: {  	[tilespmem:s13], [sflag:$0x1] =	stream.linear.gather [hbm4b:s4+s2], $0x2800, $0x38;
	[tilespmem:$0xE100] =	vst v63  }
0x1d: {  	_ =	swait.ge [sflag:s12], $0x2800  }
0x1e: {  	[sflag:s12] =	ssyncset.done $0x0  }
0x1f: {  	s21 =	simm.s32 $0x0;
	[sflag:s12] =	ssyncadd.s32 $0xFFFFD800  }
0x20: {  	s22 =	simm.s32 $0x40;
	v9 =	vld [tilespmem:s21+$0x2800]  }
.LBB2_2:
0x21: {  	p0 =	sne.s32 s22, $0x9FC0;
	v10 =	vld [tilespmem:s21+$0x0];
	_ =	sdelay $0x1  }
.Ltmp0:
0x22: {  	(pc) =	sbr.rel @p0 .LBB2_2-.Ltmp0, $3  }
0x23: {  	_ =	sdelay $0x1  }
0x24: {  	s23 =	sshra.s32 s22, $0x2;
	v10 =	vmax.f32 v10, v9  }
0x25: {  	s22 =	sadd.s32 $0x40, s22;
	v9 =	vld [tilespmem:s23+$0x2800];
	[tilespmem:s21+$0x0] =	vst v10;
	s21 =	smov.u32 s23  }
0x26: {  	v10 =	vld [tilespmem:s21+$0x0];
	_ =	sdelay $0x4  }
0x27: {  	v9 =	vmax.f32 v10, v9  }
0x28: {  	s22 =	simm.s32 $0x0;
	[tilespmem:s21+$0x0] =	vst v9;
	s21 =	simm.s32 $0x40  }
.LBB2_4:
0x29: {  	p0 =	sne.s32 s21, $0x9FC0;
	[tilespmem:s22+$0x5000] =	vst v5;
	s22 =	smov.u32 s21;
	s21 =	sadd.s32 $0x40, s21  }
.Ltmp1:
0x2a: {  	(pc) =	sbr.rel @p0 .LBB2_4-.Ltmp1, $2  }
0x2b: {  	_ =	sdelay $0x2  }
0x2c: {  	s22 =	sshra.s32 s22, $0x2  }
0x2d: {  	[tilespmem:s22+$0x5000] =	vst v5;
	s21 =	simm.s32 $0x0  }
0x2e: {  	[tilespmem:s14], [sflag:$0x1] =	stream.linear.gather [hbm4b:s5+s21], $0x1400, $0x38;
	[tilespmem:$0xE100] =	vst v63  }
0x2f: {  	_ =	swait.ge [sflag:s12], $0x1400  }
0x30: {  	[sflag:s12] =	ssyncset.done $0x0  }
0x31: {  	[sflag:s12] =	ssyncadd.s32 $0xFFFFEC00  }
0x32: {  	[tilespmem:s15], [sflag:$0x1] =	stream.linear.gather [hbm4b:s6+s21], $0x1400, $0x38;
	[tilespmem:$0xE100] =	vst v63  }
0x33: {  	_ =	swait.ge [sflag:s12], $0x1400  }
0x34: {  	[sflag:s12] =	ssyncset.done $0x0  }
0x35: {  	s22 =	simm.s32 $0x0;
	s21 =	simm.s32 $0x40;
	[sflag:s12] =	ssyncadd.s32 $0xFFFFEC00  }
.LBB2_6:
0x36: {  	p0 =	sne.s32 s21, $0x4FC0;
	v9 =	vld [tilespmem:s22+$0x7800];
	_ =	sdelay $0x7  }
0x37: {  	v10 =	vld.idx.msk [tilespmem:v9+s2+$0x0], $0xffff  }
0x38: {  	v11 =	vld [tilespmem:s22+$0x8C00];
	_ =	sdelay $0x4  }
0x39: {  	v10 =	vsub.f32 v11, v10;
	_ =	sdelay $0x1  }
0x3a: {  	v10 =	vmul.f32 $5.000000000e-01, v10;
	_ =	sdelay $0x1  }
0x3b: {  	v10 =	vmul.f32 $1.442695020e+00, v10;
	_ =	sdelay $0x1  }
0x3c: {  	(erf) = vpow2.f32 v10;
	_ =	sdelay $0x8  }
0x3d: {  	v10 =	vpop (erf)  }
0x3e: {  	[tilespmem:s22+$0xA000] =	vst v10;
	v10 =	vmul.f32 v10, v10  }
0x3f: {  	v9 =	vxor.u32 $0x80000000, v9  }
0x40: {  	(xrf1) =	vsort.ascd.msk.u32 $0xffff, v9, v10;
	_ =	sdelay $0xd  }
0x41: {  	v9, v10, _ =	vpop (xrf1)  }
0x42: {  	v9 =	vxor.u32 $0x80000000, v9  }
0x43: {  	v12 =	vperm.xlane v10, v0;
	v11 =	vperm.xlane v9, v0;
	_ =	sdelay $0x1  }
0x44: {  	vm8 =	veq.s32 v11, v9;
	v11 =	vadd.f32 v10, v12  }
0x45: {  	vm8 =	vmand vm8, vm0  }
0x46: {  	v10 =	vsel vm8, v11, v10  }
0x47: {  	v11 =	vperm.xlane v9, v1;
	v12 =	vperm.xlane v10, v1;
	_ =	sdelay $0x1  }
0x48: {  	vm8 =	veq.s32 v11, v9;
	v11 =	vadd.f32 v10, v12  }
0x49: {  	vm8 =	vmand vm8, vm1  }
0x4a: {  	v10 =	vsel vm8, v11, v10  }
0x4b: {  	v11 =	vperm.xlane v9, v3;
	v12 =	vperm.xlane v10, v3;
	_ =	sdelay $0x1  }
0x4c: {  	vm8 =	veq.s32 v11, v9;
	v11 =	vadd.f32 v10, v12  }
0x4d: {  	vm8 =	vmand vm8, vm2  }
0x4e: {  	v10 =	vsel vm8, v11, v10  }
0x4f: {  	v11 =	vperm.xlane v9, v2;
	v12 =	vperm.xlane v10, v2;
	_ =	sdelay $0x1  }
0x50: {  	vm8 =	veq.s32 v11, v9;
	v11 =	vadd.f32 v10, v12  }
0x51: {  	vm8 =	vmand vm8, vm3  }
0x52: {  	v10 =	vsel vm8, v11, v10;
	v11 =	vperm.xlane v9, v6  }
0x53: {  	v12 =	vperm.xlane v10, v6  }
0x54: {  	vm8 =	veq.s32 v11, v9  }
0x55: {  	vm8 =	vmand vm8, vm4;
	v11 =	vmax.f32 v10, v12  }
0x56: {  	v10 =	vsel vm8, v11, v10;
	v11 =	vperm.xlane v9, v7  }
0x57: {  	v12 =	vperm.xlane v10, v7  }
0x58: {  	vm8 =	veq.s32 v11, v9  }
0x59: {  	vm8 =	vmand vm8, vm5;
	v11 =	vmax.f32 v10, v12  }
0x5a: {  	v10 =	vsel vm8, v11, v10;
	v11 =	vperm.xlane v9, v4  }
0x5b: {  	v12 =	vperm.xlane v10, v4  }
0x5c: {  	vm8 =	veq.s32 v11, v9  }
0x5d: {  	vm8 =	vmand vm8, vm6;
	v11 =	vmax.f32 v10, v12;
	v12 =	vld.idx.msk [tilespmem:v9+s16+$0x0], $0xffff  }
0x5e: {  	v10 =	vsel vm8, v11, v10;
	v11 =	vperm.xlane v9, v8  }
0x5f: {  	v13 =	vperm.xlane v10, v8  }
0x60: {  	vm8 =	veq.s32 v11, v9  }
.Ltmp2:
0x61: {  	vm8 =	vmand vm8, vm7;
	v11 =	vmax.f32 v10, v13;
	(pc) =	sbr.rel @p0 .LBB2_6-.Ltmp2, $3  }
0x62: {  	v10 =	vsel vm8, v11, v10  }
0x63: {  	v10 =	vadd.f32 v10, v12;
	_ =	sdelay $0x1  }
0x64: {  	s22 =	sshra.s32 s21, $0x2;
	s21 =	sadd.s32 $0x40, s21;
	[tilespmem:v9+s16+$0x0] =	vst.idx.msk $0xffff, v10  }
0x65: {  	v9 =	vld [tilespmem:s22+$0x7800];
	_ =	sdelay $0x6  }
0x66: {  	v11 =	vld [tilespmem:s22+$0x8C00]  }
0x67: {  	v10 =	vld.idx.msk [tilespmem:v9+s2+$0x0], $0xffff;
	_ =	sdelay $0x4  }
0x68: {  	v10 =	vsub.f32 v11, v10;
	_ =	sdelay $0x1  }
0x69: {  	v10 =	vmul.f32 $5.000000000e-01, v10;
	_ =	sdelay $0x1  }
0x6a: {  	v10 =	vmul.f32 $1.442695020e+00, v10;
	_ =	sdelay $0x1  }
0x6b: {  	(erf) = vpow2.f32 v10;
	_ =	sdelay $0x8  }
0x6c: {  	v10 =	vpop (erf)  }
0x6d: {  	v11 =	vmul.f32 v10, v10  }
0x6e: {  	v9 =	vxor.u32 $0x80000000, v9  }
0x6f: {  	(xrf1) =	vsort.ascd.msk.u32 $0xffff, v9, v11;
	_ =	sdelay $0xd  }
0x70: {  	v9, v11, _ =	vpop (xrf1)  }
0x71: {  	v9 =	vxor.u32 $0x80000000, v9  }
0x72: {  	v13 =	vperm.xlane v11, v0;
	v12 =	vperm.xlane v9, v0;
	_ =	sdelay $0x1  }
0x73: {  	v44 =	vadd.f32 v11, v13;
	vm8 =	veq.s32 v12, v9  }
0x74: {  	vm8 =	vmand vm8, vm0  }
0x75: {  	v11 =	vsel vm8, v44, v11  }
0x76: {  	v45 =	vperm.xlane v9, v1;
	v46 =	vperm.xlane v11, v1;
	_ =	sdelay $0x1  }
0x77: {  	vm8 =	veq.s32 v45, v9;
	v47 =	vadd.f32 v11, v46  }
0x78: {  	vm8 =	vmand vm8, vm1  }
0x79: {  	v11 =	vsel vm8, v47, v11  }
0x7a: {  	v48 =	vperm.xlane v9, v3;
	v49 =	vperm.xlane v11, v3;
	_ =	sdelay $0x1  }
0x7b: {  	vm8 =	veq.s32 v48, v9;
	v50 =	vadd.f32 v11, v49  }
0x7c: {  	vm8 =	vmand vm8, vm2  }
0x7d: {  	v11 =	vsel vm8, v50, v11  }
0x7e: {  	v51 =	vperm.xlane v9, v2;
	v52 =	vperm.xlane v11, v2;
	_ =	sdelay $0x1  }
0x7f: {  	vm8 =	veq.s32 v51, v9;
	v53 =	vadd.f32 v11, v52  }
0x80: {  	vm8 =	vmand vm8, vm3  }
0x81: {  	v54 =	vperm.xlane v9, v6;
	v11 =	vsel vm8, v53, v11  }
0x82: {  	v55 =	vperm.xlane v11, v6  }
0x83: {  	vm8 =	veq.s32 v54, v9  }
0x84: {  	vm8 =	vmand vm8, vm4;
	v56 =	vmax.f32 v11, v55  }
0x85: {  	v57 =	vperm.xlane v9, v7;
	v11 =	vsel vm8, v56, v11  }
0x86: {  	v58 =	vperm.xlane v11, v7  }
0x87: {  	vm8 =	veq.s32 v57, v9  }
0x88: {  	vm8 =	vmand vm8, vm5;
	v59 =	vmax.f32 v11, v58  }
0x89: {  	v60 =	vperm.xlane v9, v4;
	v11 =	vsel vm8, v59, v11  }
0x8a: {  	v61 =	vperm.xlane v11, v4  }
0x8b: {  	vm8 =	veq.s32 v60, v9  }
0x8c: {  	[tilespmem:s22+$0xA000] =	vst v10;
	vm8 =	vmand vm8, vm6;
	v10 =	vmax.f32 v11, v61  }
0x8d: {  	v62 =	vld.idx.msk [tilespmem:v9+s16+$0x0], $0xffff;
	v10 =	vsel vm8, v10, v11;
	v11 =	vperm.xlane v9, v8  }
0x8e: {  	v63 =	vperm.xlane v10, v8  }
0x8f: {  	vm8 =	veq.s32 v11, v9  }
0x90: {  	vm8 =	vmand vm8, vm7;
	v11 =	vmax.f32 v10, v63  }
0x91: {  	v10 =	vsel vm8, v11, v10  }
0x92: {  	v10 =	vadd.f32 v10, v62;
	_ =	sdelay $0x1  }
0x93: {  	s21 =	simm.s32 $0x1;
	[tilespmem:v9+s16+$0x0] =	vst.idx.msk $0xffff, v10  }
0x94: {  	[hbm4b:s7+s2] =	stream.linear.scatter [tilespmem:s17], [sflag:$0x1], $0x1400, $0x38;
	[tilespmem:$0xE100] =	vst v63  }
0x95: {  	_ =	swait.ge [sflag:s21], $0x1400  }
0x96: {  	[sflag:s21] =	ssyncset.done $0x0  }
0x97: {  	[sflag:s21] =	ssyncadd.s32 $0xFFFFEC00  }
0x98: {  	[spmem:s8] =	stream.linear.scatter [tilespmem:s16], [sflag:$0x1], $0x2800, $0x38;
	[tilespmem:$0xE100] =	vst v63  }
0x99: {  	_ =	swait.ge [sflag:s21], $0x2800  }
0x9a: {  	[sflag:s21] =	ssyncset.done $0x0  }
0x9b: {  	[sflag:s21] =	ssyncadd.s32 $0xFFFFD800  }
0x9c: {  	[bflag:$0x0] =	sbarrier.arrive $0xFFFF  }
0x9d: {  	[tilespmem:s18], [sflag:$0x1] =	stream.linear.gather [spmem:s9], $0x280, $0x38;
	[tilespmem:$0xE100] =	vst v63  }
0x9e: {  	_ =	swait.ge [sflag:s21], $0x280  }
0x9f: {  	[sflag:s21] =	ssyncset.done $0x0  }
0xa0: {  	[sflag:s21] =	ssyncadd.s32 $0xFFFFFD80  }
.LBB2_8:
0xa1: {  	s22 =	smul.u32 $0xA000, s21;
	_ =	sdelay $0x1  }
0xa2: {  	s22 =	sshra.s32 s22, $0x2  }
0xa3: {  	s22 =	sadd.s32 s22, s9  }
0xa4: {  	[tilespmem:s19], [sflag:$0x1] =	stream.linear.gather [spmem:s22], $0x280, $0x38;
	[tilespmem:$0xE100] =	vst v63  }
0xa5: {  	_ =	swait.ge [sflag:s12], $0x280  }
0xa6: {  	[sflag:s12] =	ssyncset.done $0x0  }
0xa7: {  	s22 =	simm.s32 $0x0;
	[sflag:s12] =	ssyncadd.s32 $0xFFFFFD80  }
0xa8: {  	s23 =	simm.s32 $0x40;
	v9 =	vld [tilespmem:s22+$0xDE80]  }
.LBB2_9:
0xa9: {  	p0 =	sne.s32 s23, $0x9C0;
	v10 =	vld [tilespmem:s22+$0xDC00];
	_ =	sdelay $0x2  }
.Ltmp3:
0xaa: {  	(pc) =	sbr.rel @p0 .LBB2_9-.Ltmp3, $4  }
0xab: {  	_ = 	snop  }
0xac: {  	v10 =	vadd.f32 v9, v10  }
0xad: {  	s24 =	sshra.s32 s23, $0x2  }
0xae: {  	s23 =	sadd.s32 $0x40, s23;
	v9 =	vld [tilespmem:s24+$0xDE80];
	[tilespmem:s22+$0xDC00] =	vst v10;
	s22 =	smov.u32 s24  }
0xaf: {  	v10 =	vld [tilespmem:s22+$0xDC00]  }
0xb0: {  	s21 =	sadd.s32 $0x1, s21  }
0xb1: {  	p0 =	sne.s32 s21, $0x10  }
.Ltmp4:
0xb2: {  	_ = 	snop;
	(pc) =	sbr.rel @p0 .LBB2_8-.Ltmp4, $3  }
0xb3: {  	_ = 	snop  }
0xb4: {  	v9 =	vadd.f32 v9, v10;
	_ =	sdelay $0x1  }
0xb5: {  	[tilespmem:s22+$0xDC00] =	vst v9  }
0xb6: {  	s20 =	sadd.s32 $0x1, s20  }
0xb7: {  	p0 =	sne.s32 s20, s11  }
.Ltmp5:
0xb8: {  	_ = 	snop;
	(pc) =	sbr.rel @p0 .LBB2_1-.Ltmp5, $4  }
0xb9: {  	[hbm4b:s10+s2] =	stream.linear.scatter [tilespmem:s18], [sflag:$0x1], $0x280, $0x38;
	[tilespmem:$0xE100] =	vst v63  }
0xba: {  	_ =	swait.ge [sflag:s12], $0x280  }
0xbb: {  	[sflag:s12] =	ssyncset.done $0x0  }
0xbc: {  	[sflag:s12] =	ssyncadd.s32 $0xFFFFFD80  }
0xbd: {  	_ =	sfence.sel $0x180000  }
0xbe: {  	[bflag:$0x0] =	sbarrier.arrive $0xFFFF  }
0xbf: {  	p0 =	sne.s32 s0, $0x0;
	_ =	strace $0x90000050  }
0xc0: {  	s0 =	sadd.s32 @!p0 $0x100000, s1;
	[bflag:$0x2] =	sbarrier.arrive $0xFFFF  }
0xc1: {  	[sflag:s0] =	ssyncadd.tile.s32 @!p0 $0x1;
	_ =	shalt  }
.Lfunc_end2:
_tile_overlayer_lowered:
.L_overlay_start_2:
0xc2: {  	(tag) =	ssettag $0x2  }
0xc3: {  	s0 =	rddreg [dreg:$0x0];
	s2 =	stileid.u32  }
0xc4: {  	s1 =	rddreg [dreg:$0x1];
	p0 =	sne.s32 s2, $0x0  }
0xc5: {  	s3 =	rddreg [dreg:$0x2];
	[bflag:$0x3] =	sbarrier.arrive $0xFFFF;
	s2 =	simm.s32 @!p0 $0x1C01  }
0xc6: {  	[timem:s3], [sflag:s2] =	dma.local @!p0 [hbm:s0], s1  }
0xc7: {  	s0 =	simm.s32 @!p0 $0x1  }
0xc8: {  	_ =	swait.ge @!p0 [sflag:s0], s1  }
0xc9: {  	s1 =	ssub.s32 @!p0 $0x0, s1;
	[sflag:s0] =	ssyncset.done @!p0 $0x0  }
0xca: {  	[sflag:s0] =	ssyncadd.s32 @!p0 s1  }
0xcb: {  	[bflag:$0x3] =	sbarrier.arrive $0xFFFF  }
0xcc: {  	_ =	shalt  }

// kernel: kernel.23.cloned.1.call-start
scs
__scs_entry_jumppad:
0x0: {  	(pc) =	sbr.rel $0x88, $3  }
0x1: {  	(tag) =	ssettag $0x0;
	lr =	simm.s32 $0x1  }
0x2: {  	[smem:$0x3F98] =	sst lr;
	_ =	strace $0xD0000000  }
0x3: {  	_ = 	snop  }
0x4: {  	_ = 	snop  }
0x5: {  	_ = 	snop  }
0x6: {  	_ = 	snop  }
0x7: {  	_ = 	snop  }
__scs_overlays_trampoline_lowered:
0x8: {  	[smem:$0x3FA7] =	sst s0  }
0x9: {  	[smem:$0x3FA8] =	sst s1  }
0xa: {  	[smem:$0x3FA9] =	sst s2  }
0xb: {  	[smem:$0x3FAA] =	sst s3  }
0xc: {  	[smem:$0x3FAB] =	sst s4  }
0xd: {  	[smem:$0x3FAC] =	sst s5  }
0xe: {  	[smem:$0x3FAD] =	sst s6  }
0xf: {  	[smem:$0x3FAE] =	sst s7  }
0x10: {  	[smem:$0x3FAF] =	sst s8  }
0x11: {  	[smem:$0x3FB0] =	sst s9;
	s0 =	simm.s32 @!p0 $0x0  }
0x12: {  	s1 =	sld [smem:$0x3F96];
	s0 =	simm.s32 @p0 $0x1  }
0x13: {  	[smem:$0x3FB1] =	sst s0;
	s0 =	simm.s32 @!p1 $0x0  }
0x14: {  	s2 =	sld [smem:$0x3F95];
	s0 =	simm.s32 @p1 $0x1  }
0x15: {  	[smem:$0x3FB2] =	sst s0;
	s0 =	simm.s32 @!p2 $0x0  }
0x16: {  	s3 =	sld [smem:$0x3FDB];
	s0 =	simm.s32 @p2 $0x1  }
0x17: {  	s4 =	simm.s32 $0x1BF5;
	[smem:$0x3FB4] =	sst s0  }
0x18: {  	s0 =	sld [smem:$0x3F97];
	_ =	swait.ge [sflag:s4], $0x0  }
0x19: {  	s7 =	sld [smem:$0x3F98]  }
0x1a: {  	s8 =	sadd.s32 $0xFFFFE003, lr  }
0x1b: {  	s9 =	sadd.s32 $0xFFFFFEF7, lr;
	s5 =	simm.s32 $0xFFFFFFFF;
	p2 =	slt.u32 s8, $0xFFFFF086  }
0x1c: {  	p1 =	slt.u32 s9, $0xF7A;
	s5 =	simm.s32 @!p2 $0x0  }
0x1d: {  	s5 =	simm.s32 @p1 $0x1;
	p0 =	seq.s32 s7, s2  }
0x1e: {  	s7 =	smul.u32 @!p0 $0xF7A, s2;
	p2 =	seq.s32 @!p0 s5, $0x0  }
0x1f: {  	s9 =	smul.u32 $0xF7A, s1;
	s8 =	simm.s32 @!p0 $0x1BF5;
	p2 =	por !p2, p0  }
0x20: {  	[sflag:s8] =	ssyncset.s32 @!p0 $0xFFFFF086;
	s6 =	sadd.s32 @!p0 s3, s7;
	s7 =	simm.s32 @!p0 $0x108  }
0x21: {  	s3 =	sadd.s32 s3, s9;
	s6 =	sadd.s32 @!p0 $0x88, s6;
	s7 =	simm.s32 @p2 $0x1082  }
0x22: {  	[simem:s7], [sflag:s8] =	dma.local @!p0 [hbm:s6], $0xF7A  }
0x23: {  	s9 =	sor.u32 $0xD0000000, s2;
	s6 =	simm.s32 $0x108;
	_ =	swait.ge @!p0 [sflag:s8], $0x0  }
0x24: {  	s3 =	sadd.s32 $0x88, s3;
	s6 =	simm.s32 @!p1 $0x1082;
	[sflag:s4] =	ssyncset.s32 $0xFFFFF086  }
0x25: {  	[simem:s6], [sflag:s4] =	dma.local [hbm:s3], $0xF7A  }
0x26: {  	[smem:$0x3F98] =	sst s1;
	(tag) =	ssettag s2;
	_ =	strace s9  }
0x27: {  	s1 =	sld [smem:$0x3FA8]  }
0x28: {  	s2 =	sld [smem:$0x3FA9]  }
0x29: {  	s4 =	sld [smem:$0x3FAB]  }
0x2a: {  	p0 =	seq.s32 s5, $0x0;
	s5 =	sld [smem:$0x3FAC]  }
0x2b: {  	s6 =	sld [smem:$0x3FAD]  }
0x2c: {  	s7 =	sld [smem:$0x3FAE]  }
0x2d: {  	s3 =	simm.s32 $0x108;
	s8 =	sld [smem:$0x3FAF]  }
0x2e: {  	s3 =	simm.s32 @!p0 $0x1082;
	s9 =	sld [smem:$0x3FB0]  }
0x2f: {  	lr =	sadd.s32 s0, s3;
	s0 =	sld [smem:$0x3FA7]  }
0x30: {  	s3 =	sld [smem:$0x3FAA]  }
0x31: {  	[smem:$0x3FB3] =	sst s10  }
0x32: {  	s10 =	sld [smem:$0x3FB1];
	_ =	sdelay $0x3  }
0x33: {  	p0 =	seq.s32 s10, $0x1;
	s10 =	sld [smem:$0x3FB3];
	_ =	sdelay $0x3  }
0x34: {  	[smem:$0x3FB3] =	sst s10  }
0x35: {  	s10 =	sld [smem:$0x3FB2];
	_ =	sdelay $0x3  }
0x36: {  	p1 =	seq.s32 s10, $0x1;
	s10 =	sld [smem:$0x3FB3];
	_ =	sdelay $0x3  }
0x37: {  	[smem:$0x3FB3] =	sst s10  }
0x38: {  	s10 =	sld [smem:$0x3FB4]  }
0x39: {  	_ = 	snop;
	(pc) =	sbr.ind lr, $3  }
0x3a: {  	_ = 	snop  }
0x3b: {  	_ = 	snop  }
0x3c: {  	p2 =	seq.s32 s10, $0x1;
	s10 =	sld [smem:$0x3FB3]  }
0x3d: {  	_ =	shalt  }
0x3e: {  	_ =	shalt  }
0x3f: {  	_ =	shalt  }
0x40: {  	_ =	shalt  }
0x41: {  	_ =	shalt  }
0x42: {  	_ =	shalt  }
0x43: {  	_ =	shalt  }
0x44: {  	_ =	shalt  }
0x45: {  	_ =	shalt  }
0x46: {  	_ =	shalt  }
0x47: {  	_ =	shalt  }
0x48: {  	_ =	shalt  }
0x49: {  	_ =	shalt  }
0x4a: {  	_ =	shalt  }
0x4b: {  	_ =	shalt  }
0x4c: {  	_ =	shalt  }
0x4d: {  	_ =	shalt  }
0x4e: {  	_ =	shalt  }
0x4f: {  	_ =	shalt  }
0x50: {  	_ =	shalt  }
0x51: {  	_ =	shalt  }
0x52: {  	_ =	shalt  }
0x53: {  	_ =	shalt  }
0x54: {  	_ =	shalt  }
0x55: {  	_ =	shalt  }
0x56: {  	_ =	shalt  }
0x57: {  	_ =	shalt  }
0x58: {  	_ =	shalt  }
0x59: {  	_ =	shalt  }
0x5a: {  	_ =	shalt  }
0x5b: {  	_ =	shalt  }
0x5c: {  	_ =	shalt  }
0x5d: {  	_ =	shalt  }
0x5e: {  	_ =	shalt  }
0x5f: {  	_ =	shalt  }
0x60: {  	_ =	shalt  }
0x61: {  	_ =	shalt  }
0x62: {  	_ =	shalt  }
0x63: {  	_ =	shalt  }
0x64: {  	_ =	shalt  }
0x65: {  	_ =	shalt  }
0x66: {  	_ =	shalt  }
0x67: {  	_ =	shalt  }
0x68: {  	_ =	shalt  }
0x69: {  	_ =	shalt  }
0x6a: {  	_ =	shalt  }
0x6b: {  	_ =	shalt  }
0x6c: {  	_ =	shalt  }
0x6d: {  	_ =	shalt  }
0x6e: {  	_ =	shalt  }
0x6f: {  	_ =	shalt  }
0x70: {  	_ =	shalt  }
0x71: {  	_ =	shalt  }
0x72: {  	_ =	shalt  }
0x73: {  	_ =	shalt  }
0x74: {  	_ =	shalt  }
0x75: {  	_ =	shalt  }
0x76: {  	_ =	shalt  }
0x77: {  	_ =	shalt  }
0x78: {  	_ =	shalt  }
0x79: {  	_ =	shalt  }
0x7a: {  	_ =	shalt  }
0x7b: {  	_ =	shalt  }
0x7c: {  	_ =	shalt  }
0x7d: {  	_ =	shalt  }
0x7e: {  	_ =	shalt  }
0x7f: {  	_ =	shalt  }
0x80: {  	_ =	shalt  }
0x81: {  	_ =	shalt  }
0x82: {  	_ =	shalt  }
0x83: {  	_ =	shalt  }
0x84: {  	_ =	shalt  }
0x85: {  	_ =	shalt  }
0x86: {  	_ =	shalt  }
0x87: {  	_ =	shalt  }
.Lfunc_end0:
.L_simem_size_0:
called_computation.4_lowered:
.L_overlay_start_0:
0x88: {  	s2 =	sld [smem:$0x3FD9]  }
0x89: {  	s3 =	sld [smem:$0x3FFE];
	_ =	sdelay $0x1  }
0x8a: {  	s1 =	srdreg.scid  }
0x8b: {  	s0 =	sand.u32 $0x1, s1  }
0x8c: {  	s17 =	sshll.u32 s0, $0xA;
	s2 =	sadd.s32 s3, s2  }
0x8d: {  	s2 =	sadd.s32 s2, s17  }
0x8e: {  	[smem:$0x3FBF] =	sst s2  }
0x8f: {  	_ = 	snop  }
0x90: {  	s2 =	sld [smem:$0x3FD0];
	(tm) =	ssettm $0x1  }
0x91: {  	s18 =	sld [smem:$0x3FFB];
	_ =	sdelay $0x3  }
0x92: {  	_ =	strace s18  }
0x93: {  	s3 =	sld [smem:$0x3FFC];
	_ =	sdelay $0x3  }
0x94: {  	_ =	strace s3  }
0x95: {  	s3 =	sld [smem:$0x3FFD];
	_ =	sdelay $0x3  }
0x96: {  	_ =	strace s3  }
0x97: {  	_ =	strace $0x8FFFFFFF  }
0x98: {  	s19 =	sld [smem:$0x3FDB];
	_ =	sdelay $0x1  }
0x99: {  	s4 =	simm.s32 $_scs_section_size  }
0x9a: {  	s5 =	simm.s32 $_size__tile_overlayer_lowered;
	s6 =	simm.s32 $_tile_overlayer_lowered  }
0x9b: {  	s22 =	simm.s32 $0x1BFF;
	s21 =	sshll.u32 s6, $0x1;
	s3 =	sadd.s32 s4, s19  }
0x9c: {  	s7 =	simm.s32 $0x0;
	s20 =	sshll.u32 s5, $0x1;
	s5 =	sadd.s32 s21, s3  }
0x9d: {  	[timem:s7], [sflag:s22] =	dma.local [hbm:s5], s20  }
0x9e: {  	_ =	swait.ge [sflag:s22], s20  }
0x9f: {  	s4 =	ssub.s32 $0x0, s20;
	[sflag:s22] =	ssyncset.done $0x0  }
0xa0: {  	[sflag:s22] =	ssyncadd.s32 s4;
	_ =	sdelay $0x1  }
0xa1: {  	s23 =	simm.s32 $0x1B8B  }
0xa2: {  	_ =	swait.ge [sflag:s23], $0x1  }
0xa3: {  	[sflag:s23] =	ssyncset.done $0x0  }
0xa4: {  	s25 =	simm.s32 $0x1B8E;
	s24 =	sld [smem:$0x3FFE];
	[sflag:s23] =	ssyncadd.s32 $0xFFFFFFFF  }
0xa5: {  	s26 =	simm.s32 $execute0_lowered;
	[smem:$0x3FD2] =	sst s25  }
0xa6: {  	s5 =	sshll.u32 s26, $0x1;
	_ =	strace $0x80000052;
	[dreg:$0x1] =	wrdreg $0xFFFFFFFF  }
0xa7: {  	s28 =	simm.s32 $_size_execute0_lowered;
	s3 =	sadd.s32 s3, s5;
	[dreg:$0x0] =	wrdreg $0x0  }
0xa8: {  	s5 =	sshll.u32 s28, $0x1;
	[dreg:$0x2] =	wrdreg s3  }
0xa9: {  	[dreg:$0x3] =	wrdreg s5  }
0xaa: {  	[dreg:$0x4] =	wrdreg $0xC0  }
0xab: {  	_ =	task [dreg:s7], $0x5FFFF  }
0xac: {  	[dreg:$0x1] =	wrdreg $0xFFFFFFFF  }
0xad: {  	[dreg:$0x0] =	wrdreg $0x60  }
0xae: {  	[dreg:$0x2] =	wrdreg s24  }
0xaf: {  	[dreg:$0x3] =	wrdreg s2  }
0xb0: {  	[dreg:$0x4] =	wrdreg $0x9  }
0xb1: {  	_ =	task.clear_ibuf [dreg:s7], $0x5FFFF;
	_ =	strace $0x90000052  }
0xb2: {  	s29 =	simm.s32 $0x9;
	_ =	strace $0x80000054  }
0xb3: {  	_ =	swait.ge [sflag:s29], $0x1  }
0xb4: {  	[sflag:s29] =	ssyncadd.s32 $0xFFFFFFFF  }
0xb5: {  	_ =	strace $0x90000054  }
0xb6: {  	_ =	sfence  }
0xb7: {  	s30 =	sld [smem:$0x0];
	_ =	sdelay $0x2  }
0xb8: {  	s31 =	sshll.u32 s1, $0xD;
	s1 =	sshrl.u32 s1, $0x2  }
0xb9: {  	s3 =	sand.u32 $0x4000, s31;
	s1 =	sadd.s32 s1, s30  }
0xba: {  	s0 =	sor.u32 s3, s0;
	s1 =	sshll.u32 s1, $0x11  }
0xbb: {  	s0 =	sor.u32 s1, s0  }
0xbc: {  	s0 =	sadd.s32 $0x8F2B, s0  }
0xbd: {  	[sflag:s0] =	ssyncadd.remote.s32 $0x1  }
0xbe: {  	_ =	sfence.sel $0xFFFF  }
0xbf: {  	[dreg:$0x0] =	wrdreg $0xFFFFFFFF;
	(pc) =	sbr.abs _section_cstart, $3  }
0xc0: {  	[dreg:$0x1] =	wrdreg $0xFFFFFFFF  }
0xc1: {  	_ =	task.clear_ibuf [dreg:s7], $0x2FFFF;
	_ =	strace $0x9FFFFFFF  }
0xc2: {  	(tm) =	ssettm $0x7FFFFFFF  }
0xc3: {  	_ =	shalt  }
tec
execute0_lowered:
.L_overlay_start_1:
0x0: {  	(tag) =	ssettag $0x1  }
0x1: {  	s1 =	srdreg.scid  }
0x2: {  	s0 =	stileid.u32;
	s4 =	rddreg [dreg:$0x0]  }
0x3: {  	s2 =	rddreg [dreg:$0x1];
	s3 =	simm.s32 $0x0;
	s9 =	simm.s32 $0x1  }
0x4: {  	s10 =	simm.s32 $0x2800;
	s11 =	simm.s32 $0x5000;
	s12 =	simm.s32 $0x6400  }
0x5: {  	s13 =	simm.s32 $0x7800;
	s5 =	sand.u32 $0x1, s1;
	s30 =	sshll.u32 s0, $0x1  }
0x6: {  	s14 =	simm.s32 $0x0;
	s6 =	sor.u32 s5, s30;
	s5 =	ssub.s32 $0x2, s5  }
0x7: {  	[smem:$0x7FF] =	sst s3;
	s6 =	smul.u32 $0x280, s6;
	s31 =	sshrl.u32 s5, $0x1  }
0x8: {  	s1 =	rddreg [dreg:$0x2];
	_ =	strace $0x80000053;
	s8 =	ssub.s32 s5, s31  }
0x9: {  	s7 =	sadd.s32 s6, s4;
	s4 =	sadd.s32 $0x500, s2;
	s8 =	smax.u32 s8, $0x1  }
0xa: {  	s5 =	sadd.s32 $0xC000, s7;
	s6 =	sadd.s32 $0x11000, s7;
	s7 =	sadd.s32 $0x2000, s7  }
.LBB2_1:
0xb: {  	[tilespmem:s3], [sflag:$0x1] =	stream.linear.gather [hbm4b:s2+s3], $0x2800, $0x38;
	[tilespmem:$0x8C00] =	vst v63  }
0xc: {  	_ =	swait.ge [sflag:s9], $0x2800  }
0xd: {  	[sflag:s9] =	ssyncset.done $0x0  }
0xe: {  	[sflag:s9] =	ssyncadd.s32 $0xFFFFD800  }
0xf: {  	[tilespmem:s10], [sflag:$0x1] =	stream.linear.gather [hbm4b:s4+s3], $0x2800, $0x38;
	[tilespmem:$0x8C00] =	vst v63  }
0x10: {  	_ =	swait.ge [sflag:s9], $0x2800  }
0x11: {  	[sflag:s9] =	ssyncset.done $0x0  }
0x12: {  	s15 =	simm.s32 $0x0;
	[sflag:s9] =	ssyncadd.s32 $0xFFFFD800  }
0x13: {  	s16 =	simm.s32 $0x40;
	v0 =	vld [tilespmem:s15+$0x2800]  }
.LBB2_2:
0x14: {  	p0 =	sne.s32 s16, $0x9FC0;
	v1 =	vld [tilespmem:s15+$0x0];
	_ =	sdelay $0x2  }
.Ltmp0:
0x15: {  	(pc) =	sbr.rel @p0 .LBB2_2-.Ltmp0, $4  }
0x16: {  	_ = 	snop  }
0x17: {  	v1 =	vadd.f32 v0, v1  }
0x18: {  	s17 =	sshra.s32 s16, $0x2  }
0x19: {  	s16 =	sadd.s32 $0x40, s16;
	v0 =	vld [tilespmem:s17+$0x2800];
	[tilespmem:s15+$0x0] =	vst v1;
	s15 =	smov.u32 s17  }
0x1a: {  	v1 =	vld [tilespmem:s15+$0x0];
	_ =	sdelay $0x4  }
0x1b: {  	v0 =	vadd.f32 v0, v1;
	_ =	sdelay $0x1  }
0x1c: {  	s31 =	simm.s32 $0x0;
	[tilespmem:s15+$0x0] =	vst v0  }
0x1d: {  	[tilespmem:s11], [sflag:$0x1] =	stream.linear.gather [hbm4b:s5+s31], $0x1400, $0x38;
	[tilespmem:$0x8C00] =	vst v63  }
0x1e: {  	_ =	swait.ge [sflag:s9], $0x1400  }
0x1f: {  	[sflag:s9] =	ssyncset.done $0x0  }
0x20: {  	[sflag:s9] =	ssyncadd.s32 $0xFFFFEC00  }
0x21: {  	[tilespmem:s12], [sflag:$0x1] =	stream.linear.gather [hbm4b:s6+s31], $0x1400, $0x38;
	[tilespmem:$0x8C00] =	vst v63  }
0x22: {  	_ =	swait.ge [sflag:s9], $0x1400  }
0x23: {  	[sflag:s9] =	ssyncset.done $0x0  }
0x24: {  	s15 =	simm.s32 $0x0;
	[sflag:s9] =	ssyncadd.s32 $0xFFFFEC00  }
0x25: {  	v0 =	vld [tilespmem:s15+$0x5000];
	_ =	sdelay $0x7  }
0x26: {  	v0 =	vld.idx.msk [tilespmem:v0+s3+$0x0], $0xffff;
	_ =	sdelay $0x4  }
0x27: {  	v1 =	vshra.s32 v0, $0x1;
	v2 =	vmul.f32 $5.000000000e-01, v0  }
0x28: {  	v0 =	vsub.s32 $0x5F3759DF, v1  }
0x29: {  	v1 =	vmul.f32 v0, v2;
	_ =	sdelay $0x1  }
0x2a: {  	v1 =	vmul.f32 v0, v1;
	_ =	sdelay $0x1  }
0x2b: {  	v1 =	vsub.f32 $1.500000000e+00, v1;
	_ =	sdelay $0x1  }
0x2c: {  	v0 =	vmul.f32 v0, v1;
	_ =	sdelay $0x1  }
0x2d: {  	v1 =	vmul.f32 v0, v2;
	_ =	sdelay $0x1  }
0x2e: {  	v1 =	vmul.f32 v1, v0;
	_ =	sdelay $0x1  }
0x2f: {  	v1 =	vsub.f32 $1.500000000e+00, v1;
	_ =	sdelay $0x1  }
0x30: {  	v0 =	vmul.f32 v1, v0;
	_ =	sdelay $0x1  }
0x31: {  	v2 =	vmul.f32 v0, v2;
	_ =	sdelay $0x1  }
0x32: {  	s17 =	simm.s32 $0x10;
	s16 =	simm.s32 $0x80;
	v1 =	vld [tilespmem:s15+$0x6400];
	v2 =	vmul.f32 v2, v0  }
.LBB2_4:
0x33: {  	p0 =	sne.s32 s16, $0x4FC0;
	v3 =	vld [tilespmem:s17+$0x5000]  }
0x34: {  	v2 =	vsub.f32 $1.500000000e+00, v2;
	_ =	sdelay $0x1  }
0x35: {  	v0 =	vmul.f32 v2, v0;
	_ =	sdelay $0x1  }
0x36: {  	v0 =	vmul.f32 v0, v1;
	_ =	sdelay $0x1  }
0x37: {  	[tilespmem:s15+$0x7800] =	vst v0;
	s15 =	smov.u32 s17  }
0x38: {  	v0 =	vld.idx.msk [tilespmem:v3+s3+$0x0], $0xffff;
	_ =	sdelay $0x5  }
0x39: {  	v1 =	vshra.s32 v0, $0x1;
	v2 =	vmul.f32 $5.000000000e-01, v0  }
0x3a: {  	v0 =	vsub.s32 $0x5F3759DF, v1  }
0x3b: {  	v1 =	vmul.f32 v0, v2;
	_ =	sdelay $0x1  }
0x3c: {  	v1 =	vmul.f32 v0, v1;
	_ =	sdelay $0x1  }
0x3d: {  	v1 =	vsub.f32 $1.500000000e+00, v1;
	_ =	sdelay $0x1  }
0x3e: {  	v0 =	vmul.f32 v0, v1;
	_ =	sdelay $0x1  }
0x3f: {  	v1 =	vmul.f32 v0, v2;
	_ =	sdelay $0x1  }
0x40: {  	v1 =	vmul.f32 v1, v0;
	_ =	sdelay $0x1  }
0x41: {  	v1 =	vsub.f32 $1.500000000e+00, v1;
	_ =	sdelay $0x1  }
.Ltmp1:
0x42: {  	v0 =	vmul.f32 v1, v0;
	(pc) =	sbr.rel @p0 .LBB2_4-.Ltmp1, $3  }
0x43: {  	_ = 	snop  }
0x44: {  	v2 =	vmul.f32 v0, v2;
	_ =	sdelay $0x1  }
0x45: {  	s17 =	sshra.s32 s16, $0x2;
	s16 =	sadd.s32 $0x40, s16;
	v2 =	vmul.f32 v2, v0;
	v1 =	vld [tilespmem:s15+$0x6400]  }
0x46: {  	v3 =	vld [tilespmem:s17+$0x5000]  }
0x47: {  	v2 =	vsub.f32 $1.500000000e+00, v2;
	_ =	sdelay $0x1  }
0x48: {  	v0 =	vmul.f32 v2, v0;
	_ =	sdelay $0x1  }
0x49: {  	v0 =	vmul.f32 v0, v1;
	_ =	sdelay $0x1  }
0x4a: {  	[tilespmem:s15+$0x7800] =	vst v0  }
0x4b: {  	v0 =	vld.idx.msk [tilespmem:v3+s3+$0x0], $0xffff;
	_ =	sdelay $0x4  }
0x4c: {  	v61 =	vshra.s32 v0, $0x1;
	v0 =	vmul.f32 $5.000000000e-01, v0  }
0x4d: {  	v1 =	vsub.s32 $0x5F3759DF, v61  }
0x4e: {  	v62 =	vmul.f32 v1, v0;
	_ =	sdelay $0x1  }
0x4f: {  	v2 =	vmul.f32 v1, v62;
	_ =	sdelay $0x1  }
0x50: {  	v2 =	vsub.f32 $1.500000000e+00, v2;
	_ =	sdelay $0x1  }
0x51: {  	v1 =	vmul.f32 v1, v2;
	_ =	sdelay $0x1  }
0x52: {  	v2 =	vmul.f32 v1, v0;
	_ =	sdelay $0x1  }
0x53: {  	v2 =	vmul.f32 v2, v1;
	_ =	sdelay $0x1  }
0x54: {  	v2 =	vsub.f32 $1.500000000e+00, v2;
	_ =	sdelay $0x1  }
0x55: {  	v1 =	vmul.f32 v2, v1;
	_ =	sdelay $0x1  }
0x56: {  	v0 =	vmul.f32 v1, v0;
	_ =	sdelay $0x1  }
0x57: {  	v0 =	vmul.f32 v0, v1  }
0x58: {  	v63 =	vld [tilespmem:s17+$0x6400]  }
0x59: {  	v0 =	vsub.f32 $1.500000000e+00, v0;
	_ =	sdelay $0x1  }
0x5a: {  	v0 =	vmul.f32 v0, v1;
	_ =	sdelay $0x1  }
0x5b: {  	s14 =	sadd.s32 $0x1, s14;
	v0 =	vmul.f32 v0, v63  }
0x5c: {  	p0 =	sne.s32 s14, s8  }
.Ltmp2:
0x5d: {  	[tilespmem:s17+$0x7800] =	vst v0;
	(pc) =	sbr.rel @p0 .LBB2_1-.Ltmp2, $4  }
0x5e: {  	[hbm4b:s7+s3] =	stream.linear.scatter [tilespmem:s13], [sflag:$0x1], $0x1400, $0x38;
	[tilespmem:$0x8C00] =	vst v63  }
0x5f: {  	_ =	swait.ge [sflag:s9], $0x1400  }
0x60: {  	[sflag:s9] =	ssyncset.done $0x0  }
0x61: {  	[sflag:s9] =	ssyncadd.s32 $0xFFFFEC00  }
0x62: {  	_ =	sfence.sel $0x180000  }
0x63: {  	[bflag:$0x0] =	sbarrier.arrive $0xFFFF  }
0x64: {  	p0 =	sne.s32 s0, $0x0;
	_ =	strace $0x90000053  }
0x65: {  	s0 =	sadd.s32 @!p0 $0x100000, s1;
	[bflag:$0x2] =	sbarrier.arrive $0xFFFF  }
0x66: {  	[sflag:s0] =	ssyncadd.tile.s32 @!p0 $0x1;
	_ =	shalt  }
.Lfunc_end2:
_tile_overlayer_lowered:
.L_overlay_start_2:
0x67: {  	(tag) =	ssettag $0x2  }
0x68: {  	s0 =	rddreg [dreg:$0x0];
	s2 =	stileid.u32  }
0x69: {  	s1 =	rddreg [dreg:$0x1];
	p0 =	sne.s32 s2, $0x0  }
0x6a: {  	s3 =	rddreg [dreg:$0x2];
	[bflag:$0x3] =	sbarrier.arrive $0xFFFF;
	s2 =	simm.s32 @!p0 $0x1C01  }
0x6b: {  	[timem:s3], [sflag:s2] =	dma.local @!p0 [hbm:s0], s1  }
0x6c: {  	s0 =	simm.s32 @!p0 $0x1  }
0x6d: {  	_ =	swait.ge @!p0 [sflag:s0], s1  }
0x6e: {  	s1 =	ssub.s32 @!p0 $0x0, s1;
	[sflag:s0] =	ssyncset.done @!p0 $0x0  }
0x6f: {  	[sflag:s0] =	ssyncadd.s32 @!p0 s1  }
0x70: {  	[bflag:$0x3] =	sbarrier.arrive $0xFFFF  }
0x71: {  	_ =	shalt  }

// kernel: kernel.26.cloned.1.call-start
scs
__scs_entry_jumppad:
0x0: {  	(pc) =	sbr.rel $0x88, $3  }
0x1: {  	(tag) =	ssettag $0x0;
	lr =	simm.s32 $0x1  }
0x2: {  	[smem:$0x3F98] =	sst lr;
	_ =	strace $0xD0000000  }
0x3: {  	_ = 	snop  }
0x4: {  	_ = 	snop  }
0x5: {  	_ = 	snop  }
0x6: {  	_ = 	snop  }
0x7: {  	_ = 	snop  }
__scs_overlays_trampoline_lowered:
0x8: {  	[smem:$0x3FA7] =	sst s0  }
0x9: {  	[smem:$0x3FA8] =	sst s1  }
0xa: {  	[smem:$0x3FA9] =	sst s2  }
0xb: {  	[smem:$0x3FAA] =	sst s3  }
0xc: {  	[smem:$0x3FAB] =	sst s4  }
0xd: {  	[smem:$0x3FAC] =	sst s5  }
0xe: {  	[smem:$0x3FAD] =	sst s6  }
0xf: {  	[smem:$0x3FAE] =	sst s7  }
0x10: {  	[smem:$0x3FAF] =	sst s8  }
0x11: {  	[smem:$0x3FB0] =	sst s9;
	s0 =	simm.s32 @!p0 $0x0  }
0x12: {  	s1 =	sld [smem:$0x3F96];
	s0 =	simm.s32 @p0 $0x1  }
0x13: {  	[smem:$0x3FB1] =	sst s0;
	s0 =	simm.s32 @!p1 $0x0  }
0x14: {  	s2 =	sld [smem:$0x3F95];
	s0 =	simm.s32 @p1 $0x1  }
0x15: {  	[smem:$0x3FB2] =	sst s0;
	s0 =	simm.s32 @!p2 $0x0  }
0x16: {  	s3 =	sld [smem:$0x3FDB];
	s0 =	simm.s32 @p2 $0x1  }
0x17: {  	s4 =	simm.s32 $0x1BF5;
	[smem:$0x3FB4] =	sst s0  }
0x18: {  	s0 =	sld [smem:$0x3F97];
	_ =	swait.ge [sflag:s4], $0x0  }
0x19: {  	s7 =	sld [smem:$0x3F98]  }
0x1a: {  	s8 =	sadd.s32 $0xFFFFE003, lr  }
0x1b: {  	s9 =	sadd.s32 $0xFFFFFEF7, lr;
	s5 =	simm.s32 $0xFFFFFFFF;
	p2 =	slt.u32 s8, $0xFFFFF086  }
0x1c: {  	p1 =	slt.u32 s9, $0xF7A;
	s5 =	simm.s32 @!p2 $0x0  }
0x1d: {  	s5 =	simm.s32 @p1 $0x1;
	p0 =	seq.s32 s7, s2  }
0x1e: {  	s7 =	smul.u32 @!p0 $0xF7A, s2;
	p2 =	seq.s32 @!p0 s5, $0x0  }
0x1f: {  	s9 =	smul.u32 $0xF7A, s1;
	s8 =	simm.s32 @!p0 $0x1BF5;
	p2 =	por !p2, p0  }
0x20: {  	[sflag:s8] =	ssyncset.s32 @!p0 $0xFFFFF086;
	s6 =	sadd.s32 @!p0 s3, s7;
	s7 =	simm.s32 @!p0 $0x108  }
0x21: {  	s3 =	sadd.s32 s3, s9;
	s6 =	sadd.s32 @!p0 $0x88, s6;
	s7 =	simm.s32 @p2 $0x1082  }
0x22: {  	[simem:s7], [sflag:s8] =	dma.local @!p0 [hbm:s6], $0xF7A  }
0x23: {  	s9 =	sor.u32 $0xD0000000, s2;
	s6 =	simm.s32 $0x108;
	_ =	swait.ge @!p0 [sflag:s8], $0x0  }
0x24: {  	s3 =	sadd.s32 $0x88, s3;
	s6 =	simm.s32 @!p1 $0x1082;
	[sflag:s4] =	ssyncset.s32 $0xFFFFF086  }
0x25: {  	[simem:s6], [sflag:s4] =	dma.local [hbm:s3], $0xF7A  }
0x26: {  	[smem:$0x3F98] =	sst s1;
	(tag) =	ssettag s2;
	_ =	strace s9  }
0x27: {  	s1 =	sld [smem:$0x3FA8]  }
0x28: {  	s2 =	sld [smem:$0x3FA9]  }
0x29: {  	s4 =	sld [smem:$0x3FAB]  }
0x2a: {  	p0 =	seq.s32 s5, $0x0;
	s5 =	sld [smem:$0x3FAC]  }
0x2b: {  	s6 =	sld [smem:$0x3FAD]  }
0x2c: {  	s7 =	sld [smem:$0x3FAE]  }
0x2d: {  	s3 =	simm.s32 $0x108;
	s8 =	sld [smem:$0x3FAF]  }
0x2e: {  	s3 =	simm.s32 @!p0 $0x1082;
	s9 =	sld [smem:$0x3FB0]  }
0x2f: {  	lr =	sadd.s32 s0, s3;
	s0 =	sld [smem:$0x3FA7]  }
0x30: {  	s3 =	sld [smem:$0x3FAA]  }
0x31: {  	[smem:$0x3FB3] =	sst s10  }
0x32: {  	s10 =	sld [smem:$0x3FB1];
	_ =	sdelay $0x3  }
0x33: {  	p0 =	seq.s32 s10, $0x1;
	s10 =	sld [smem:$0x3FB3];
	_ =	sdelay $0x3  }
0x34: {  	[smem:$0x3FB3] =	sst s10  }
0x35: {  	s10 =	sld [smem:$0x3FB2];
	_ =	sdelay $0x3  }
0x36: {  	p1 =	seq.s32 s10, $0x1;
	s10 =	sld [smem:$0x3FB3];
	_ =	sdelay $0x3  }
0x37: {  	[smem:$0x3FB3] =	sst s10  }
0x38: {  	s10 =	sld [smem:$0x3FB4]  }
0x39: {  	_ = 	snop;
	(pc) =	sbr.ind lr, $3  }
0x3a: {  	_ = 	snop  }
0x3b: {  	_ = 	snop  }
0x3c: {  	p2 =	seq.s32 s10, $0x1;
	s10 =	sld [smem:$0x3FB3]  }
0x3d: {  	_ =	shalt  }
0x3e: {  	_ =	shalt  }
0x3f: {  	_ =	shalt  }
0x40: {  	_ =	shalt  }
0x41: {  	_ =	shalt  }
0x42: {  	_ =	shalt  }
0x43: {  	_ =	shalt  }
0x44: {  	_ =	shalt  }
0x45: {  	_ =	shalt  }
0x46: {  	_ =	shalt  }
0x47: {  	_ =	shalt  }
0x48: {  	_ =	shalt  }
0x49: {  	_ =	shalt  }
0x4a: {  	_ =	shalt  }
0x4b: {  	_ =	shalt  }
0x4c: {  	_ =	shalt  }
0x4d: {  	_ =	shalt  }
0x4e: {  	_ =	shalt  }
0x4f: {  	_ =	shalt  }
0x50: {  	_ =	shalt  }
0x51: {  	_ =	shalt  }
0x52: {  	_ =	shalt  }
0x53: {  	_ =	shalt  }
0x54: {  	_ =	shalt  }
0x55: {  	_ =	shalt  }
0x56: {  	_ =	shalt  }
0x57: {  	_ =	shalt  }
0x58: {  	_ =	shalt  }
0x59: {  	_ =	shalt  }
0x5a: {  	_ =	shalt  }
0x5b: {  	_ =	shalt  }
0x5c: {  	_ =	shalt  }
0x5d: {  	_ =	shalt  }
0x5e: {  	_ =	shalt  }
0x5f: {  	_ =	shalt  }
0x60: {  	_ =	shalt  }
0x61: {  	_ =	shalt  }
0x62: {  	_ =	shalt  }
0x63: {  	_ =	shalt  }
0x64: {  	_ =	shalt  }
0x65: {  	_ =	shalt  }
0x66: {  	_ =	shalt  }
0x67: {  	_ =	shalt  }
0x68: {  	_ =	shalt  }
0x69: {  	_ =	shalt  }
0x6a: {  	_ =	shalt  }
0x6b: {  	_ =	shalt  }
0x6c: {  	_ =	shalt  }
0x6d: {  	_ =	shalt  }
0x6e: {  	_ =	shalt  }
0x6f: {  	_ =	shalt  }
0x70: {  	_ =	shalt  }
0x71: {  	_ =	shalt  }
0x72: {  	_ =	shalt  }
0x73: {  	_ =	shalt  }
0x74: {  	_ =	shalt  }
0x75: {  	_ =	shalt  }
0x76: {  	_ =	shalt  }
0x77: {  	_ =	shalt  }
0x78: {  	_ =	shalt  }
0x79: {  	_ =	shalt  }
0x7a: {  	_ =	shalt  }
0x7b: {  	_ =	shalt  }
0x7c: {  	_ =	shalt  }
0x7d: {  	_ =	shalt  }
0x7e: {  	_ =	shalt  }
0x7f: {  	_ =	shalt  }
0x80: {  	_ =	shalt  }
0x81: {  	_ =	shalt  }
0x82: {  	_ =	shalt  }
0x83: {  	_ =	shalt  }
0x84: {  	_ =	shalt  }
0x85: {  	_ =	shalt  }
0x86: {  	_ =	shalt  }
0x87: {  	_ =	shalt  }
.Lfunc_end0:
.L_simem_size_0:
called_computation.5_lowered:
.L_overlay_start_0:
0x88: {  	s2 =	sld [smem:$0x3FD9]  }
0x89: {  	s3 =	sld [smem:$0x3FFE];
	_ =	sdelay $0x1  }
0x8a: {  	s1 =	srdreg.scid  }
0x8b: {  	s0 =	sand.u32 $0x1, s1  }
0x8c: {  	s16 =	sshll.u32 s0, $0xA;
	s2 =	sadd.s32 s3, s2  }
0x8d: {  	s2 =	sadd.s32 s2, s16  }
0x8e: {  	[smem:$0x3FBF] =	sst s2  }
0x8f: {  	_ = 	snop  }
0x90: {  	(tm) =	ssettm $0x1  }
0x91: {  	s17 =	sld [smem:$0x3FFB];
	_ =	sdelay $0x3  }
0x92: {  	_ =	strace s17  }
0x93: {  	s2 =	sld [smem:$0x3FFC];
	_ =	sdelay $0x3  }
0x94: {  	_ =	strace s2  }
0x95: {  	s2 =	sld [smem:$0x3FFD];
	_ =	sdelay $0x3  }
0x96: {  	_ =	strace s2  }
0x97: {  	_ =	strace $0x8FFFFFFF  }
0x98: {  	s18 =	sld [smem:$0x3FDB];
	_ =	sdelay $0x1  }
0x99: {  	s19 =	simm.s32 $_scs_section_size  }
0x9a: {  	s4 =	simm.s32 $_size__tile_overlayer_lowered;
	s5 =	simm.s32 $_tile_overlayer_lowered  }
0x9b: {  	s22 =	simm.s32 $0x1BFF;
	s21 =	sshll.u32 s5, $0x1;
	s2 =	sadd.s32 s19, s18  }
0x9c: {  	s6 =	simm.s32 $0x0;
	s20 =	sshll.u32 s4, $0x1;
	s4 =	sadd.s32 s21, s2  }
0x9d: {  	[timem:s6], [sflag:s22] =	dma.local [hbm:s4], s20  }
0x9e: {  	_ =	swait.ge [sflag:s22], s20  }
0x9f: {  	s3 =	ssub.s32 $0x0, s20;
	[sflag:s22] =	ssyncset.done $0x0  }
0xa0: {  	[sflag:s22] =	ssyncadd.s32 s3;
	_ =	sdelay $0x1  }
0xa1: {  	s23 =	simm.s32 $0x1B8B  }
0xa2: {  	_ =	swait.ge [sflag:s23], $0x1  }
0xa3: {  	[sflag:s23] =	ssyncset.done $0x0  }
0xa4: {  	s25 =	simm.s32 $0x1B8E;
	s24 =	sld [smem:$0x3FFE];
	[sflag:s23] =	ssyncadd.s32 $0xFFFFFFFF  }
0xa5: {  	s26 =	simm.s32 $execute0_lowered;
	[smem:$0x3FD2] =	sst s25  }
0xa6: {  	s4 =	sshll.u32 s26, $0x1;
	_ =	strace $0x80000055;
	[dreg:$0x1] =	wrdreg $0xFFFFFFFF  }
0xa7: {  	s28 =	simm.s32 $_size_execute0_lowered;
	s2 =	sadd.s32 s2, s4;
	[dreg:$0x0] =	wrdreg $0x0  }
0xa8: {  	s4 =	sshll.u32 s28, $0x1;
	[dreg:$0x2] =	wrdreg s2  }
0xa9: {  	[dreg:$0x3] =	wrdreg s4  }
0xaa: {  	[dreg:$0x4] =	wrdreg $0xC0  }
0xab: {  	_ =	task [dreg:s6], $0x5FFFF  }
0xac: {  	[dreg:$0x1] =	wrdreg $0xFFFFFFFF  }
0xad: {  	[dreg:$0x0] =	wrdreg $0x60  }
0xae: {  	[dreg:$0x2] =	wrdreg s24  }
0xaf: {  	[dreg:$0x3] =	wrdreg $0x22000  }
0xb0: {  	[dreg:$0x4] =	wrdreg $0x9  }
0xb1: {  	_ =	task.clear_ibuf [dreg:s6], $0x5FFFF;
	_ =	strace $0x90000055  }
0xb2: {  	s29 =	simm.s32 $0x9;
	_ =	strace $0x80000057  }
0xb3: {  	_ =	swait.ge [sflag:s29], $0x1  }
0xb4: {  	[sflag:s29] =	ssyncadd.s32 $0xFFFFFFFF  }
0xb5: {  	_ =	strace $0x90000057  }
0xb6: {  	_ =	sfence  }
0xb7: {  	s30 =	sld [smem:$0x0];
	_ =	sdelay $0x2  }
0xb8: {  	s31 =	sshll.u32 s1, $0xD;
	s1 =	sshrl.u32 s1, $0x2  }
0xb9: {  	s3 =	sand.u32 $0x4000, s31;
	s1 =	sadd.s32 s1, s30  }
0xba: {  	s0 =	sor.u32 s3, s0;
	s1 =	sshll.u32 s1, $0x11  }
0xbb: {  	s0 =	sor.u32 s1, s0  }
0xbc: {  	s0 =	sadd.s32 $0x8F2B, s0  }
0xbd: {  	[sflag:s0] =	ssyncadd.remote.s32 $0x1  }
0xbe: {  	_ =	sfence.sel $0xFFFF  }
0xbf: {  	[dreg:$0x0] =	wrdreg $0xFFFFFFFF;
	(pc) =	sbr.abs _section_cstart, $3  }
0xc0: {  	[dreg:$0x1] =	wrdreg $0xFFFFFFFF  }
0xc1: {  	_ =	task.clear_ibuf [dreg:s6], $0x2FFFF;
	_ =	strace $0x9FFFFFFF  }
0xc2: {  	(tm) =	ssettm $0x7FFFFFFF  }
0xc3: {  	_ =	shalt  }
tec
execute0_lowered:
.L_overlay_start_1:
0x0: {  	(tag) =	ssettag $0x1  }
0x1: {  	s0 =	stileid.u32  }
0x2: {  	s1 =	srdreg.scid;
	s4 =	rddreg [dreg:$0x0]  }
0x3: {  	s2 =	rddreg [dreg:$0x1];
	s3 =	simm.s32 $0x0;
	s6 =	smul.u32 $0x2800, s0  }
0x4: {  	s5 =	sand.u32 $0x1, s1;
	s1 =	rddreg [dreg:$0x2];
	s8 =	smul.u32 $0x5000, s0  }
0x5: {  	[smem:$0x7FF] =	sst s3;
	s12 =	sshll.u32 s0, $0x6;
	s7 =	smul.u32 $0x1400, s5  }
0x6: {  	s9 =	smul.u32 $0x28000, s5;
	_ =	strace $0x80000056;
	s11 =	ssub.s32 $0x2, s5  }
0x7: {  	s13 =	smul.u32 $0x2800, s5;
	s5 =	sor.u32 $0x1C01, s12;
	s12 =	simm.s32 $0x200  }
0x8: {  	s8 =	sadd.s32 s8, s4;
	s30 =	sshrl.u32 s6, $0x3;
	s31 =	sshrl.u32 s11, $0x1  }
0x9: {  	s14 =	sadd.s32 s6, s2;
	s7 =	sadd.s32 s7, s6;
	s29 =	sadd.s32 s6, s9  }
0xa: {  	s9 =	sadd.s32 s30, s4;
	s11 =	ssub.s32 s11, s31;
	s7 =	sshrl.u32 s7, $0x3  }
0xb: {  	s8 =	sadd.s32 s13, s8;
	s10 =	sadd.s32 s7, s4;
	s7 =	sshrl.u32 s29, $0x3  }
0xc: {  	s13 =	simm.s32 $0x0;
	s8 =	sadd.s32 $0x2000, s8;
	s7 =	sadd.s32 s7, s4  }
0xd: {  	s4 =	sadd.s32 $0x52000, s9;
	s9 =	sadd.s32 $0xB1000, s10;
	s10 =	sshrl.u32 s14, $0x3  }
0xe: {  	s6 =	sadd.s32 $0x57000, s7;
	s7 =	smax.u32 s11, $0x1;
	s11 =	simm.s32 $0x1  }
.LBB2_1:
0xf: {  	[spmem:s10], [sflag:s5] =	dma.local [hbm:s4], $0x500  }
0x10: {  	_ =	swait.ge [sflag:s11], $0x500  }
0x11: {  	[sflag:s11] =	ssyncset.done $0x0  }
0x12: {  	[sflag:s11] =	ssyncadd.s32 $0xFFFFFB00  }
0x13: {  	s14 =	sadd.s32 $0x0, s9;
	[bflag:$0x0] =	sbarrier.arrive $0xFFFF  }
0x14: {  	[tilespmem:s3], [sflag:$0x1] =	stream.linear.gather [hbm4b:s14+s3], $0x200, $0x38;
	[tilespmem:$0x4A00] =	vst v63  }
0x15: {  	_ =	swait.ge [sflag:s11], $0x200  }
0x16: {  	[sflag:s11] =	ssyncset.done $0x0  }
0x17: {  	[sflag:s11] =	ssyncadd.s32 $0xFFFFFE00  }
0x18: {  	[tilespmem:s12], [sflag:$0x1] =	stream.linear.gather [hbm4b:s8+s3], $0x2000, $0x38;
	[tilespmem:$0x4A00] =	vst v63  }
0x19: {  	_ =	swait.ge [sflag:s11], $0x2000  }
0x1a: {  	[sflag:s11] =	ssyncset.done $0x0  }
0x1b: {  	[sflag:s11] =	ssyncadd.s32 $0xFFFFE000  }
0x1c: {  	[spmem:s2] =	stream.indirect.scatter.add.f32 [tilespmem:s12], [sflag:$0x1], $0x10, s3, s12, $0xb8;
	[tilespmem:$0x4A00] =	vst v63  }
0x1d: {  	s15 =	simm.s32 $0x40;
	_ =	swait.ge [sflag:s11], $0x2000  }
0x1e: {  	s16 =	simm.s32 $0x80;
	s14 =	sadd.s32 $0x400, s8;
	[sflag:s11] =	ssyncset.done $0x0  }
.LBB2_2:
0x1f: {  	s17 =	sadd.s32 s15, s9  }
0x20: {  	[sflag:s11] =	ssyncadd.s32 $0xFFFFE000;
	s15 =	smov.u32 s16;
	s18 =	sadd.s32 $0x40, s16  }
0x21: {  	[tilespmem:s3], [sflag:$0x1] =	stream.linear.gather [hbm4b:s17+s3], $0x200, $0x38;
	[tilespmem:$0x4A00] =	vst v63  }
0x22: {  	p0 =	sne.s32 s16, $0x240;
	_ =	swait.ge [sflag:s11], $0x200  }
0x23: {  	[sflag:s11] =	ssyncset.done $0x0  }
0x24: {  	[sflag:s11] =	ssyncadd.s32 $0xFFFFFE00  }
0x25: {  	[tilespmem:s12], [sflag:$0x1] =	stream.linear.gather [hbm4b:s14+s3], $0x2000, $0x38;
	[tilespmem:$0x4A00] =	vst v63  }
0x26: {  	_ =	swait.ge [sflag:s11], $0x2000  }
.Ltmp0:
0x27: {  	[sflag:s11] =	ssyncset.done $0x0;
	(pc) =	sbr.rel @p0 .LBB2_2-.Ltmp0, $4  }
0x28: {  	[sflag:s11] =	ssyncadd.s32 $0xFFFFE000  }
0x29: {  	[spmem:s2] =	stream.indirect.scatter.add.f32 [tilespmem:s12], [sflag:$0x1], $0x10, s3, s12, $0xb8;
	[tilespmem:$0x4A00] =	vst v63  }
0x2a: {  	_ =	swait.ge [sflag:s11], $0x2000  }
0x2b: {  	s16 =	smov.u32 s18;
	s14 =	sadd.s32 $0x400, s14;
	[sflag:s11] =	ssyncset.done $0x0  }
0x2c: {  	s15 =	sadd.s32 s15, s9;
	[sflag:s11] =	ssyncadd.s32 $0xFFFFE000  }
0x2d: {  	[tilespmem:s3], [sflag:$0x1] =	stream.linear.gather [hbm4b:s15+s3], $0x200, $0x38;
	[tilespmem:$0x4A00] =	vst v63  }
0x2e: {  	_ =	swait.ge [sflag:s11], $0x200  }
0x2f: {  	[sflag:s11] =	ssyncset.done $0x0  }
0x30: {  	[sflag:s11] =	ssyncadd.s32 $0xFFFFFE00  }
0x31: {  	[tilespmem:s12], [sflag:$0x1] =	stream.linear.gather [hbm4b:s14+s3], $0x2000, $0x38;
	[tilespmem:$0x4A00] =	vst v63  }
0x32: {  	_ =	swait.ge [sflag:s11], $0x2000  }
0x33: {  	[sflag:s11] =	ssyncset.done $0x0  }
0x34: {  	[sflag:s11] =	ssyncadd.s32 $0xFFFFE000  }
0x35: {  	[spmem:s2] =	stream.indirect.scatter.add.f32 [tilespmem:s12], [sflag:$0x1], $0x10, s3, s12, $0xb8;
	[tilespmem:$0x4A00] =	vst v63  }
0x36: {  	_ =	swait.ge [sflag:s11], $0x2000  }
0x37: {  	s13 =	sadd.s32 $0x1, s13;
	[sflag:s11] =	ssyncset.done $0x0  }
0x38: {  	p0 =	sne.s32 s13, s7;
	[sflag:s11] =	ssyncadd.s32 $0xFFFFE000  }
.Ltmp1:
0x39: {  	[bflag:$0x0] =	sbarrier.arrive $0xFFFF;
	(pc) =	sbr.rel @p0 .LBB2_1-.Ltmp1, $4  }
0x3a: {  	[hbm:s6], [sflag:s5] =	dma.local [spmem:s10], $0x500  }
0x3b: {  	_ =	swait.ge [sflag:s11], $0x500  }
0x3c: {  	[sflag:s11] =	ssyncset.done $0x0  }
0x3d: {  	[sflag:s11] =	ssyncadd.s32 $0xFFFFFB00  }
0x3e: {  	_ =	sfence.sel $0x180000  }
0x3f: {  	[bflag:$0x0] =	sbarrier.arrive $0xFFFF  }
0x40: {  	p0 =	sne.s32 s0, $0x0;
	_ =	strace $0x90000056  }
0x41: {  	s0 =	sadd.s32 @!p0 $0x100000, s1;
	[bflag:$0x2] =	sbarrier.arrive $0xFFFF  }
0x42: {  	[sflag:s0] =	ssyncadd.tile.s32 @!p0 $0x1;
	_ =	shalt  }
.Lfunc_end2:
_tile_overlayer_lowered:
.L_overlay_start_2:
0x43: {  	(tag) =	ssettag $0x2  }
0x44: {  	s0 =	rddreg [dreg:$0x0];
	s2 =	stileid.u32  }
0x45: {  	s1 =	rddreg [dreg:$0x1];
	p0 =	sne.s32 s2, $0x0  }
0x46: {  	s3 =	rddreg [dreg:$0x2];
	[bflag:$0x3] =	sbarrier.arrive $0xFFFF;
	s2 =	simm.s32 @!p0 $0x1C01  }
0x47: {  	[timem:s3], [sflag:s2] =	dma.local @!p0 [hbm:s0], s1  }
0x48: {  	s0 =	simm.s32 @!p0 $0x1  }
0x49: {  	_ =	swait.ge @!p0 [sflag:s0], s1  }
0x4a: {  	s1 =	ssub.s32 @!p0 $0x0, s1;
	[sflag:s0] =	ssyncset.done @!p0 $0x0  }
0x4b: {  	[sflag:s0] =	ssyncadd.s32 @!p0 s1  }
0x4c: {  	[bflag:$0x3] =	sbarrier.arrive $0xFFFF  }
0x4d: {  	_ =	shalt  }

</sc_bundles>
